<compile_context>
chip_gen: v7x
topology: tpu7x:2x2x1
jax: 0.10.2.dev20260603
libtpu: 0.0.44.dev20260713+nightly
codegen_flags: <defaults>
</compile_context>

<pallas_src>
import dataclasses

import jax
import jax.numpy as jnp
from jax import lax
from jax.experimental import pallas as pl
from jax.experimental.pallas import tpu as pltpu
from jax.experimental.pallas import tpu_sc as plsc

N = 10000
E = 320000
H = 128
NC = 2
NS = 16
NW = NC * NS
EC = 80
SLABS = 1
ES = E // SLABS
NCHUNK = ES // EC
CPW = -(-NCHUNK // NW)
NPAD = 10240
RPS = NPAD // NS
ZR = 32

RB = 2000
EB = 6400

_f32 = jnp.float32



def _prep_body(x_ref, wemb_ref, bemb_ref, w1a_ref, w1b_ref, b1_ref,
               h_ref, t1_ref, t2_ref):
    xb = x_ref[...]
    h = jnp.dot(xb, wemb_ref[...], preferred_element_type=_f32) + bemb_ref[...]
    h_ref[...] = h
    t1_ref[...] = jnp.dot(h, w1a_ref[...], preferred_element_type=_f32)
    t2_ref[...] = jnp.dot(h, w1b_ref[...], preferred_element_type=_f32) + b1_ref[...]


def _edge_body(g_ref, d2_ref, w1dmat_ref, w2_ref, b2_ref, wimat_ref,
               bi_ref, msg_ref):
    s = jnp.sqrt(d2_ref[0])
    r_i = jax.lax.broadcasted_iota(jnp.int32, (EB, EB // H), 0)
    c_i = jax.lax.broadcasted_iota(jnp.int32, (EB, EB // H), 1)
    rep = (c_i == r_i // H).astype(_f32)
    drows = jnp.dot(rep, s, preferred_element_type=_f32)
    r2 = jax.lax.broadcasted_iota(jnp.int32, (EB, H), 0)
    j2 = jax.lax.broadcasted_iota(jnp.int32, (EB, H), 1)
    dsel = jnp.where(j2 == r2 % H, drows, 0.0)
    distw = jnp.dot(dsel, w1dmat_ref[...], preferred_element_type=_f32)
    z1 = g_ref[...] + distw
    z1b = z1.astype(jnp.bfloat16)
    u = z1b * jax.nn.sigmoid(z1b)
    v0 = (jnp.dot(u, w2_ref[...].astype(jnp.bfloat16),
                  preferred_element_type=_f32) + b2_ref[...])
    v0b = v0.astype(jnp.bfloat16)
    v = v0b * jax.nn.sigmoid(v0b)
    p = (jnp.dot(v, wimat_ref[...].astype(jnp.bfloat16),
                 preferred_element_type=_f32) + bi_ref[...]).astype(jnp.bfloat16)
    gate = jax.nn.sigmoid(p)
    msg_ref[...] = (gate * v).astype(_f32)


def _node_body(h_ref, *refs):
    mi_refs = refs[:SLABS]
    (wh1a_ref, wh1b_ref, bh1_ref, wh2_ref, bh2_ref,
     wl1_ref, bl1_ref, wl2_ref, bl2_ref, out_ref) = refs[SLABS:]
    h = h_ref[...]
    m = mi_refs[0][0] + mi_refs[0][1]
    for r in mi_refs[1:]:
        m = m + r[0] + r[1]
    t0 = (jnp.dot(h, wh1a_ref[...], preferred_element_type=_f32)
          + jnp.dot(m, wh1b_ref[...], preferred_element_type=_f32)
          + bh1_ref[...])
    t = t0 * jax.nn.sigmoid(t0)
    h2 = h + jnp.dot(t, wh2_ref[...], preferred_element_type=_f32) + bh2_ref[...]
    z = jnp.tanh(jnp.dot(h2, wl1_ref[...], preferred_element_type=_f32) + bl1_ref[...])
    out_ref[...] = jnp.sum(z * wl2_ref[...], axis=1, keepdims=True) + bl2_ref[...]



GSLOT = 4
SSLOT = 4


def _gather_sc(t1_hbm, t2_hbm, src_hbm, dst_hbm, px_hbm, py_hbm,
               g_hbm, d2_hbm,
               pxv, pyv, iv, Sv, *slot_refs):
    c = lax.axis_index("c")
    sid = lax.axis_index("s")
    w = sid * NC + c
    pltpu.sync_copy(px_hbm, pxv)
    pltpu.sync_copy(py_hbm, pyv)
    idxs = slot_refs[0:GSLOT]
    idxd = slot_refs[GSLOT:2 * GSLOT]
    b1 = slot_refs[2 * GSLOT:3 * GSLOT]
    b2 = slot_refs[3 * GSLOT:4 * GSLOT]
    d2b = slot_refs[4 * GSLOT:5 * GSLOT]
    sg = slot_refs[5 * GSLOT:6 * GSLOT]
    sw = slot_refs[6 * GSLOT:6 * GSLOT + 2]

    @pl.loop(0, EC, step=16)
    def _(i):
        iv[pl.ds(i, 16)] = lax.iota(jnp.int32, 16) + i

    def base_of(k):
        return (k * NW + w) * EC

    def load_idx(k, b):
        base = base_of(k)
        pltpu.sync_copy(src_hbm.at[pl.ds(base, EC)], idxs[b])
        pltpu.sync_copy(dst_hbm.at[pl.ds(base, EC)], idxd[b])

    def gather_copies(b):
        return (pltpu.make_async_copy(t1_hbm.at[idxs[b]], b1[b], sg[b]),
                pltpu.make_async_copy(t2_hbm.at[idxd[b]], b2[b], sg[b]))

    def wb_copy(k, ss):
        return pltpu.make_async_copy(
            Sv.at[sid, ss], g_hbm.at[pl.ds(base_of(k), EC)], sw[ss])

    def compute_d2(b):
        @pl.loop(0, EC, step=16)
        def _(i):
            i16s = idxs[b][pl.ds(i, 16)]
            i16d = idxd[b][pl.ds(i, 16)]
            dx = plsc.load_gather(pxv, [i16s]) - plsc.load_gather(pxv, [i16d])
            dy = plsc.load_gather(pyv, [i16s]) - plsc.load_gather(pyv, [i16d])
            d2b[b][pl.ds(i, 16)] = dx * dx + dy * dy

    for b in range(GSLOT):
        load_idx(b, b)
        for cp in gather_copies(b):
            cp.start()

    @pl.loop(0, CPW, step=GSLOT)
    def _(k0):
        for b in range(GSLOT):
            k = k0 + b
            ss = b % 2

            @pl.when(k < CPW)
            def _(k=k, b=b, ss=ss):
                for cp in gather_copies(b):
                    cp.wait()
                compute_d2(b)

                @pl.when(k >= 2)
                def _():
                    wb_copy(k - 2, ss).wait()

                pltpu.sync_copy(b1[b], Sv.at[sid, ss])
                pltpu.sync_copy(b2[b], Sv.at[sid, ss].at[iv], add=True)
                wb_copy(k, ss).start()
                pltpu.sync_copy(d2b[b], d2_hbm.at[pl.ds(base_of(k), EC)])

                @pl.when(k + GSLOT < CPW)
                def _():
                    load_idx(k + GSLOT, b)
                    for cp in gather_copies(b):
                        cp.start()

    for kk in (CPW - 2, CPW - 1):
        wb_copy(kk, kk % 2).wait()


def _scatter_sc(msg_hbm, src_hbm, mi_hbm, zbuf, acc, *slot_refs):
    c = lax.axis_index("c")
    s = lax.axis_index("s")
    w = s * NC + c
    idx = slot_refs[0:SSLOT]
    mb = slot_refs[SSLOT:2 * SSLOT]
    sl = slot_refs[2 * SSLOT:3 * SSLOT]

    z16 = jnp.zeros((16,), _f32)

    @pl.loop(0, ZR)
    def _(r):
        @pl.loop(0, H, step=16)
        def _(col):
            zbuf[r, pl.ds(col, 16)] = z16

    @pl.loop(0, RPS // ZR)
    def _(i):
        pltpu.sync_copy(zbuf, acc.at[pl.ds(s * RPS + i * ZR, ZR)])

    plsc.subcore_barrier()

    def base_of(k):
        return (k * NW + w) * EC

    def load_copies(k, b):
        base = base_of(k)
        return (pltpu.make_async_copy(src_hbm.at[pl.ds(base, EC)], idx[b], sl[b]),
                pltpu.make_async_copy(msg_hbm.at[pl.ds(base, EC)], mb[b], sl[b]))

    for b in range(SSLOT):
        for cp in load_copies(b, b):
            cp.start()

    @pl.loop(0, CPW, step=SSLOT)
    def _(k0):
        for b in range(SSLOT):
            k = k0 + b

            @pl.when(k * NW + w < NCHUNK)
            def _(k=k, b=b):
                for cp in load_copies(k, b):
                    cp.wait()
                pltpu.sync_copy(mb[b], acc.at[idx[b]], add=True)

                @pl.when((k + SSLOT) * NW + w < NCHUNK)
                def _():
                    for cp in load_copies(k + SSLOT, b):
                        cp.start()

    plsc.subcore_barrier()
    pltpu.sync_copy(acc.at[pl.ds(s * RPS, RPS)], mi_hbm.at[c, pl.ds(s * RPS, RPS)])



def _full(shape):
    return pl.BlockSpec(shape, lambda i: tuple(0 for _ in shape))


def kernel(x, edge_index, W_emb, b_emb, W1, b1, W2, b2, Wi, bi,
           Wh1, bh1, Wh2, bh2, Wl1, bl1, Wl2, bl2):
    x = x.astype(_f32)
    src = edge_index[0].astype(jnp.int32)
    dst = edge_index[1].astype(jnp.int32)
    px = x[:, 0]
    py = x[:, 1]
    _sc_mesh = plsc.VectorSubcoreMesh(core_axis_name="c", subcore_axis_name="s")
    _sc_cp = pltpu.CompilerParams()
    if "needs_layout_passes" in pltpu.CompilerParams.__dataclass_fields__:
        _sc_cp = dataclasses.replace(_sc_cp, needs_layout_passes=False)

    h, t1, t2 = pl.pallas_call(
        _prep_body,
        grid=(N // RB,),
        in_specs=[
            pl.BlockSpec((RB, H), lambda i: (i, 0)),
            _full((H, H)), _full((1, H)), _full((H, H)), _full((H, H)), _full((1, H)),
        ],
        out_specs=[
            pl.BlockSpec((RB, H), lambda i: (i, 0)),
            pl.BlockSpec((RB, H), lambda i: (i, 0)),
            pl.BlockSpec((RB, H), lambda i: (i, 0)),
        ],
        out_shape=[
            jax.ShapeDtypeStruct((N, H), _f32),
            jax.ShapeDtypeStruct((N, H), _f32),
            jax.ShapeDtypeStruct((N, H), _f32),
        ],
    )(x, W_emb, b_emb.reshape(1, H), W1[:H], W1[H:2 * H], b1.reshape(1, H))

    gather = pl.kernel(
        _gather_sc,
        out_type=[
            jax.ShapeDtypeStruct((ES, H), _f32),
            jax.ShapeDtypeStruct((ES,), _f32),
        ],
        mesh=_sc_mesh,
        scratch_types=(
            [pltpu.VMEM((N,), _f32), pltpu.VMEM((N,), _f32),
             pltpu.VMEM((EC,), jnp.int32),
             pltpu.VMEM_SHARED((NS, 2, EC, H), _f32)]
            + [pltpu.VMEM((EC,), jnp.int32)] * GSLOT
            + [pltpu.VMEM((EC,), jnp.int32)] * GSLOT
            + [pltpu.VMEM((EC, H), _f32)] * GSLOT
            + [pltpu.VMEM((EC, H), _f32)] * GSLOT
            + [pltpu.VMEM((EC,), _f32)] * GSLOT
            + [pltpu.SemaphoreType.DMA] * GSLOT
            + [pltpu.SemaphoreType.DMA] * 2
        ),
        compiler_params=_sc_cp,
    )

    scatter = pl.kernel(
        _scatter_sc,
        out_type=jax.ShapeDtypeStruct((NC, NPAD, H), _f32),
        mesh=_sc_mesh,
        scratch_types=(
            [pltpu.VMEM((ZR, H), _f32), pltpu.VMEM_SHARED((NPAD, H), _f32)]
            + [pltpu.VMEM((EC,), jnp.int32)] * SSLOT
            + [pltpu.VMEM((EC, H), _f32)] * SSLOT
            + [pltpu.SemaphoreType.DMA] * SSLOT
        ),
    )

    w1dmat = jnp.tile(W1[2 * H].reshape(1, H), (H, 1))
    wimat = jnp.tile(Wi.reshape(H, 1), (1, H))
    mi_parts = []
    for sidx in range(SLABS):
        src_s = lax.slice_in_dim(src, sidx * ES, (sidx + 1) * ES)
        dst_s = lax.slice_in_dim(dst, sidx * ES, (sidx + 1) * ES)
        g, d2 = gather(t1, t2, src_s, dst_s, px, py)
        msg = pl.pallas_call(
            _edge_body,
            grid=(ES // EB,),
            in_specs=[
                pl.BlockSpec((EB, H), lambda i: (i, 0)),
                pl.BlockSpec((1, EB // H, H), lambda i: (i, 0, 0)),
                _full((H, H)), _full((H, H)), _full((1, H)), _full((H, H)), _full((1, 1)),
            ],
            out_specs=pl.BlockSpec((EB, H), lambda i: (i, 0)),
            out_shape=jax.ShapeDtypeStruct((ES, H), _f32),
        )(g, d2.reshape(ES // EB, EB // H, H),
          w1dmat, W2, b2.reshape(1, H), wimat, bi.reshape(1, 1))
        mi_parts.append(scatter(msg, src_s))

    out = pl.pallas_call(
        _node_body,
        grid=(N // RB,),
        in_specs=(
            [pl.BlockSpec((RB, H), lambda i: (i, 0))]
            + [pl.BlockSpec((NC, RB, H), lambda i: (0, i, 0))] * SLABS
            + [_full((H, H)), _full((H, H)), _full((1, H)),
               _full((H, H)), _full((1, H)),
               _full((H, H)), _full((1, H)), _full((1, H)), _full((1, 1))]
        ),
        out_specs=pl.BlockSpec((RB, 1), lambda i: (i, 0)),
        out_shape=jax.ShapeDtypeStruct((N, 1), _f32),
    )(h, *mi_parts, Wh1[:H], Wh1[H:], bh1.reshape(1, H),
      Wh2, bh2.reshape(1, H), Wl1, bl1.reshape(1, H), Wl2.reshape(1, H),
      bl2.reshape(1, 1))

    return out

# --- scband reference (transcript-rebuilt; emitter-appended) ---
"""Pipeline reference for scband-egcnet-55594056679488 (READ-ONLY COPY).

The authoritative reference and input builder live on the scoring server;
editing this copy changes nothing except your own understanding.
"""

import jax, jax.numpy as jnp
import numpy as np

N = 10000
E = 320000
D = 128
H = 128
OUT = 1


def setup_inputs(seed: int = 0) -> dict:
    key = jax.random.key(seed)
    ks = jax.random.split(key, 24)
    x = jax.random.normal(ks[0], (N, D), dtype=jnp.float32)
    # build edge_index avoiding self-loops (dist=0 self-loops give non-differentiable sqrt(0))
    src = jax.random.randint(ks[1], (E,), 0, N)
    off = jax.random.randint(ks[2], (E,), 1, N)
    dst = (src + off) % N
    edge_index = jnp.stack([src, dst], axis=0)
    s = 0.05
    params = {
        'W_emb': jax.random.normal(ks[3], (D, H), dtype=jnp.float32) * s,
        'b_emb': jax.random.normal(ks[4], (H,), dtype=jnp.float32) * s,
        'W1': jax.random.normal(ks[5], (2 * H + 1, H), dtype=jnp.float32) * s,
        'b1': jax.random.normal(ks[6], (H,), dtype=jnp.float32) * s,
        'W2': jax.random.normal(ks[7], (H, H), dtype=jnp.float32) * s,
        'b2': jax.random.normal(ks[8], (H,), dtype=jnp.float32) * s,
        'Wi': jax.random.normal(ks[9], (H, 1), dtype=jnp.float32) * s,
        'bi': jax.random.normal(ks[10], (1,), dtype=jnp.float32) * s,
        'Wh1': jax.random.normal(ks[11], (2 * H, H), dtype=jnp.float32) * s,
        'bh1': jax.random.normal(ks[12], (H,), dtype=jnp.float32) * s,
        'Wh2': jax.random.normal(ks[13], (H, H), dtype=jnp.float32) * s,
        'bh2': jax.random.normal(ks[14], (H,), dtype=jnp.float32) * s,
        'Wl1': jax.random.normal(ks[15], (H, H), dtype=jnp.float32) * s,
        'bl1': jax.random.normal(ks[16], (H,), dtype=jnp.float32) * s,
        'Wl2': jax.random.normal(ks[17], (H, OUT), dtype=jnp.float32) * s,
        'bl2': jax.random.normal(ks[18], (OUT,), dtype=jnp.float32) * s,
    }
    return {'x': x, 'edge_index': edge_index, **params}


def reference(x, edge_index, W_emb, b_emb, W1, b1, W2, b2, Wi, bi, Wh1, bh1, Wh2, bh2, Wl1, bl1, Wl2, bl2):
    pos = x[:, :2]
    h = x @ W_emb + b_emb  # emb Linear
    e_st = edge_index[0, :]
    e_end = edge_index[1, :]
    diff = pos[e_st] - pos[e_end]
    dists = jnp.sqrt(jnp.sum(diff * diff, axis=1, keepdims=True))
    tmp = jnp.concatenate([h[e_st], h[e_end], dists], axis=1)
    # f_e: Linear -> SiLU -> Linear -> SiLU
    m_ij = jax.nn.silu(jax.nn.silu(tmp @ W1 + b1) @ W2 + b2)
    # f_inf: Linear -> Sigmoid
    e_ij = jax.nn.sigmoid(m_ij @ Wi + bi)
    # index_sum: scatter-add by source node index
    m_i = jax.ops.segment_sum(e_ij * m_ij, e_st, num_segments=N)
    # f_h: Linear -> SiLU -> Linear, residual add
    h = h + (jax.nn.silu(jnp.concatenate([h, m_i], axis=1) @ Wh1 + bh1) @ Wh2 + bh2)
    # lin: Linear -> Dropout(eval=identity) -> Tanh -> Linear
    out = jnp.tanh(h @ Wl1 + bl1) @ Wl2 + bl2
    return out

if __name__ == "__main__":
    import jax
    _d = setup_inputs()
    print(jax.jit(kernel)(*tuple(_d.values())))

</pallas_src>

<mosaic_0001>
#map = affine_map<(d0, d1) -> (0, 0)>
#map1 = affine_map<(d0, d1) -> (0)>
#map2 = affine_map<(d0, d1) -> (0, 0, 0)>
module attributes {stable_mosaic.version = 14 : i64} {
  func.func @_scatter_sc(%arg0: i32, %arg1: i32, %arg2: memref<320000x128xf32, #tpu.memory_space<hbm>>, %arg3: memref<320000xi32, #tpu.memory_space<hbm>>, %arg4: memref<2x10240x128xf32, #tpu.memory_space<hbm>>, %arg5: memref<32x128xf32, #tpu.memory_space<vmem>>, %arg6: memref<10240x128xf32, #tpu.memory_space<vmem_shared>>, %arg7: memref<80xi32, #tpu.memory_space<vmem>>, %arg8: memref<80xi32, #tpu.memory_space<vmem>>, %arg9: memref<80xi32, #tpu.memory_space<vmem>>, %arg10: memref<80xi32, #tpu.memory_space<vmem>>, %arg11: memref<80x128xf32, #tpu.memory_space<vmem>>, %arg12: memref<80x128xf32, #tpu.memory_space<vmem>>, %arg13: memref<80x128xf32, #tpu.memory_space<vmem>>, %arg14: memref<80x128xf32, #tpu.memory_space<vmem>>, %arg15: memref<!tpu.dma_semaphore, #tpu.memory_space<semaphore_mem>>, %arg16: memref<!tpu.dma_semaphore, #tpu.memory_space<semaphore_mem>>, %arg17: memref<!tpu.dma_semaphore, #tpu.memory_space<semaphore_mem>>, %arg18: memref<!tpu.dma_semaphore, #tpu.memory_space<semaphore_mem>>) attributes {dimension_semantics = [#tpu.dimension_semantics<core_parallel>, #tpu.dimension_semantics<subcore_parallel>], iteration_bounds = array<i64: 2, 16>, scalar_prefetch = 0 : i64, scratch_operands = 14 : i64, tpu.core_type = #tpu.core_type<sc_vector_subcore>, window_params = [{transform_indices = #map}, {transform_indices = #map1}, {transform_indices = #map2}]} {
    %mul3A = arith.constant 2 : i32
    %mul3A_0 = arith.muli %arg1, %mul3A : i32
    %add3A = arith.addi %mul3A_0, %arg0 : i32
    %broadcast_in_dim3A = arith.constant 0.000000e+00 : f32
    %broadcast_in_dim3A_1 = vector.broadcast %broadcast_in_dim3A : f32 to vector<16xf32>
    %scan3A = arith.constant 0 : i32
    %scan3A_2 = arith.constant 32 : i32
    %scan3A_3 = arith.addi %scan3A, %scan3A_2 : i32
    %scan3A_4 = arith.constant 1 : i32
    scf.for %scan3A_60 = %scan3A to %scan3A_3 step %scan3A_4  : i32 {
      %mul3A_61 = arith.constant 1 : i32
      %mul3A_62 = arith.muli %scan3A_60, %mul3A_61 : i32
      %add3A_63 = arith.constant 0 : i32
      %add3A_64 = arith.addi %add3A_63, %mul3A_62 : i32
      %scan3A_65 = arith.constant 0 : i32
      %scan3A_66 = arith.constant 8 : i32
      %scan3A_67 = arith.addi %scan3A_65, %scan3A_66 : i32
      %scan3A_68 = arith.constant 1 : i32
      scf.for %scan3A_70 = %scan3A_65 to %scan3A_67 step %scan3A_68  : i32 {
        %mul3A_71 = arith.constant 16 : i32
        %mul3A_72 = arith.muli %scan3A_70, %mul3A_71 : i32
        %add3A_73 = arith.constant 0 : i32
        %add3A_74 = arith.addi %add3A_73, %mul3A_72 : i32
        %swap3A = arith.index_cast %add3A_64 : i32 to index
        %swap3A_75 = arith.index_cast %add3A_74 : i32 to index
        %swap3A_76 = tpu.vector_load %arg5[%swap3A, %swap3A_75] {strides = array<i32>} : memref<32x128xf32, #tpu.memory_space<vmem>>, vector<1x16xf32>,
        %swap3A_77 = vector.shape_cast %swap3A_76 : vector<1x16xf32> to vector<16xf32>
        %swap3A_78 = vector.shape_cast %broadcast_in_dim3A_1 : vector<16xf32> to vector<1x16xf32>
        tpu.vector_store %arg5[%swap3A, %swap3A_75], %swap3A_78 {strides = array<i32>} : memref<32x128xf32, #tpu.memory_space<vmem>>, vector<1x16xf32>,
      }
      %scan3A_69 = arith.constant 8 : i32
    }
    %scan3A_5 = arith.constant 32 : i32
    %scan3A_6 = arith.constant 0 : i32
    %scan3A_7 = arith.constant 20 : i32
    %scan3A_8 = arith.addi %scan3A_6, %scan3A_7 : i32
    %scan3A_9 = arith.constant 1 : i32
    scf.for %scan3A_60 = %scan3A_6 to %scan3A_8 step %scan3A_9  : i32 {
      %mul3A_61 = arith.constant 1 : i32
      %mul3A_62 = arith.muli %scan3A_60, %mul3A_61 : i32
      %add3A_63 = arith.constant 0 : i32
      %add3A_64 = arith.addi %add3A_63, %mul3A_62 : i32
      %mul3A_65 = arith.constant 640 : i32
      %mul3A_66 = arith.muli %arg1, %mul3A_65 : i32
      %mul3A_67 = arith.constant 32 : i32
      %mul3A_68 = arith.muli %add3A_64, %mul3A_67 : i32
      %add3A_69 = arith.addi %mul3A_66, %mul3A_68 : i32
      "tpu.region"() ({
        %run_scoped3A = tpu.sem_alloc : memref<!tpu.dma_semaphore, #tpu.memory_space<semaphore_mem>>
        %dma_start3A_70 = arith.constant 0 : i32
        %dma_start3A_71 = tpu.memref_slice %arg6[%add3A_69, %dma_start3A_70] : memref<10240x128xf32, #tpu.memory_space<vmem_shared>> -> memref<32x128xf32, #tpu.memory_space<vmem_shared>>
        %dma_start3A_72 = arith.constant 0 : i32
        %dma_start3A_73 = tpu.memref_slice %arg6[%add3A_69, %dma_start3A_72] : memref<10240x128xf32, #tpu.memory_space<vmem_shared>> -> memref<32x128xf32, #tpu.memory_space<vmem_shared>>
        tpu.enqueue_dma source(%arg5 : memref<32x128xf32, #tpu.memory_space<vmem>>) target(%dma_start3A_73 : memref<32x128xf32, #tpu.memory_space<vmem_shared>>) target_semaphore(%run_scoped3A : memref<!tpu.dma_semaphore, #tpu.memory_space<semaphore_mem>>)
        %dma_wait3A = arith.constant 0 : i32
        %dma_wait3A_74 = tpu.memref_slice %arg6[%add3A_69, %dma_wait3A] : memref<10240x128xf32, #tpu.memory_space<vmem_shared>> -> memref<32x128xf32, #tpu.memory_space<vmem_shared>>
        %dma_wait3A_75 = arith.constant 0 : i32
        %dma_wait3A_76 = tpu.memref_slice %arg6[%add3A_69, %dma_wait3A_75] : memref<10240x128xf32, #tpu.memory_space<vmem_shared>> -> memref<32x128xf32, #tpu.memory_space<vmem_shared>>
        tpu.wait_dma2 semaphore(%run_scoped3A : memref<!tpu.dma_semaphore, #tpu.memory_space<semaphore_mem>>) src(%arg5 : memref<32x128xf32, #tpu.memory_space<vmem>>) dst(%dma_wait3A_76 : memref<32x128xf32, #tpu.memory_space<vmem_shared>>)
        tpu.yield
      }) : () -> ()
    }
    %scan3A_10 = arith.constant 20 : i32
    %barrier3A = arith.constant 0 : index
    tpu.barrier barrier_id(%barrier3A)
    %add3A_11 = arith.constant 0 : i32
    %add3A_12 = arith.addi %add3A_11, %add3A : i32
    %mul3A_13 = arith.constant 80 : i32
    %mul3A_14 = arith.muli %add3A_12, %mul3A_13 : i32
    %dma_start3A = tpu.memref_slice %arg3[%mul3A_14] : memref<320000xi32, #tpu.memory_space<hbm>> -> memref<80xi32, #tpu.memory_space<hbm>>
    %dma_start3A_15 = tpu.memref_slice %arg3[%mul3A_14] : memref<320000xi32, #tpu.memory_space<hbm>> -> memref<80xi32, #tpu.memory_space<hbm>>
    tpu.enqueue_dma source(%dma_start3A_15 : memref<80xi32, #tpu.memory_space<hbm>>) target(%arg7 : memref<80xi32, #tpu.memory_space<vmem>>) target_semaphore(%arg15 : memref<!tpu.dma_semaphore, #tpu.memory_space<semaphore_mem>>)
    %dma_start3A_16 = arith.constant 0 : i32
    %dma_start3A_17 = tpu.memref_slice %arg2[%mul3A_14, %dma_start3A_16] : memref<320000x128xf32, #tpu.memory_space<hbm>> -> memref<80x128xf32, #tpu.memory_space<hbm>>
    %dma_start3A_18 = arith.constant 0 : i32
    %dma_start3A_19 = tpu.memref_slice %arg2[%mul3A_14, %dma_start3A_18] : memref<320000x128xf32, #tpu.memory_space<hbm>> -> memref<80x128xf32, #tpu.memory_space<hbm>>
    tpu.enqueue_dma source(%dma_start3A_19 : memref<80x128xf32, #tpu.memory_space<hbm>>) target(%arg11 : memref<80x128xf32, #tpu.memory_space<vmem>>) target_semaphore(%arg15 : memref<!tpu.dma_semaphore, #tpu.memory_space<semaphore_mem>>)
    %add3A_20 = arith.constant 32 : i32
    %add3A_21 = arith.addi %add3A_20, %add3A : i32
    %mul3A_22 = arith.constant 80 : i32
    %mul3A_23 = arith.muli %add3A_21, %mul3A_22 : i32
    %dma_start3A_24 = tpu.memref_slice %arg3[%mul3A_23] : memref<320000xi32, #tpu.memory_space<hbm>> -> memref<80xi32, #tpu.memory_space<hbm>>
    %dma_start3A_25 = tpu.memref_slice %arg3[%mul3A_23] : memref<320000xi32, #tpu.memory_space<hbm>> -> memref<80xi32, #tpu.memory_space<hbm>>
    tpu.enqueue_dma source(%dma_start3A_25 : memref<80xi32, #tpu.memory_space<hbm>>) target(%arg8 : memref<80xi32, #tpu.memory_space<vmem>>) target_semaphore(%arg16 : memref<!tpu.dma_semaphore, #tpu.memory_space<semaphore_mem>>)
    %dma_start3A_26 = arith.constant 0 : i32
    %dma_start3A_27 = tpu.memref_slice %arg2[%mul3A_23, %dma_start3A_26] : memref<320000x128xf32, #tpu.memory_space<hbm>> -> memref<80x128xf32, #tpu.memory_space<hbm>>
    %dma_start3A_28 = arith.constant 0 : i32
    %dma_start3A_29 = tpu.memref_slice %arg2[%mul3A_23, %dma_start3A_28] : memref<320000x128xf32, #tpu.memory_space<hbm>> -> memref<80x128xf32, #tpu.memory_space<hbm>>
    tpu.enqueue_dma source(%dma_start3A_29 : memref<80x128xf32, #tpu.memory_space<hbm>>) target(%arg12 : memref<80x128xf32, #tpu.memory_space<vmem>>) target_semaphore(%arg16 : memref<!tpu.dma_semaphore, #tpu.memory_space<semaphore_mem>>)
    %add3A_30 = arith.constant 64 : i32
    %add3A_31 = arith.addi %add3A_30, %add3A : i32
    %mul3A_32 = arith.constant 80 : i32
    %mul3A_33 = arith.muli %add3A_31, %mul3A_32 : i32
    %dma_start3A_34 = tpu.memref_slice %arg3[%mul3A_33] : memref<320000xi32, #tpu.memory_space<hbm>> -> memref<80xi32, #tpu.memory_space<hbm>>
    %dma_start3A_35 = tpu.memref_slice %arg3[%mul3A_33] : memref<320000xi32, #tpu.memory_space<hbm>> -> memref<80xi32, #tpu.memory_space<hbm>>
    tpu.enqueue_dma source(%dma_start3A_35 : memref<80xi32, #tpu.memory_space<hbm>>) target(%arg9 : memref<80xi32, #tpu.memory_space<vmem>>) target_semaphore(%arg17 : memref<!tpu.dma_semaphore, #tpu.memory_space<semaphore_mem>>)
    %dma_start3A_36 = arith.constant 0 : i32
    %dma_start3A_37 = tpu.memref_slice %arg2[%mul3A_33, %dma_start3A_36] : memref<320000x128xf32, #tpu.memory_space<hbm>> -> memref<80x128xf32, #tpu.memory_space<hbm>>
    %dma_start3A_38 = arith.constant 0 : i32
    %dma_start3A_39 = tpu.memref_slice %arg2[%mul3A_33, %dma_start3A_38] : memref<320000x128xf32, #tpu.memory_space<hbm>> -> memref<80x128xf32, #tpu.memory_space<hbm>>
    tpu.enqueue_dma source(%dma_start3A_39 : memref<80x128xf32, #tpu.memory_space<hbm>>) target(%arg13 : memref<80x128xf32, #tpu.memory_space<vmem>>) target_semaphore(%arg17 : memref<!tpu.dma_semaphore, #tpu.memory_space<semaphore_mem>>)
    %add3A_40 = arith.constant 96 : i32
    %add3A_41 = arith.addi %add3A_40, %add3A : i32
    %mul3A_42 = arith.constant 80 : i32
    %mul3A_43 = arith.muli %add3A_41, %mul3A_42 : i32
    %dma_start3A_44 = tpu.memref_slice %arg3[%mul3A_43] : memref<320000xi32, #tpu.memory_space<hbm>> -> memref<80xi32, #tpu.memory_space<hbm>>
    %dma_start3A_45 = tpu.memref_slice %arg3[%mul3A_43] : memref<320000xi32, #tpu.memory_space<hbm>> -> memref<80xi32, #tpu.memory_space<hbm>>
    tpu.enqueue_dma source(%dma_start3A_45 : memref<80xi32, #tpu.memory_space<hbm>>) target(%arg10 : memref<80xi32, #tpu.memory_space<vmem>>) target_semaphore(%arg18 : memref<!tpu.dma_semaphore, #tpu.memory_space<semaphore_mem>>)
    %dma_start3A_46 = arith.constant 0 : i32
    %dma_start3A_47 = tpu.memref_slice %arg2[%mul3A_43, %dma_start3A_46] : memref<320000x128xf32, #tpu.memory_space<hbm>> -> memref<80x128xf32, #tpu.memory_space<hbm>>
    %dma_start3A_48 = arith.constant 0 : i32
    %dma_start3A_49 = tpu.memref_slice %arg2[%mul3A_43, %dma_start3A_48] : memref<320000x128xf32, #tpu.memory_space<hbm>> -> memref<80x128xf32, #tpu.memory_space<hbm>>
    tpu.enqueue_dma source(%dma_start3A_49 : memref<80x128xf32, #tpu.memory_space<hbm>>) target(%arg14 : memref<80x128xf32, #tpu.memory_space<vmem>>) target_semaphore(%arg18 : memref<!tpu.dma_semaphore, #tpu.memory_space<semaphore_mem>>)
    %scan3A_50 = arith.constant 0 : i32
    %scan3A_51 = arith.constant 32 : i32
    %scan3A_52 = arith.addi %scan3A_50, %scan3A_51 : i32
    %scan3A_53 = arith.constant 1 : i32
    scf.for %scan3A_60 = %scan3A_50 to %scan3A_52 step %scan3A_53  : i32 {
      %mul3A_61 = arith.constant 4 : i32
      %mul3A_62 = arith.muli %scan3A_60, %mul3A_61 : i32
      %add3A_63 = arith.constant 0 : i32
      %add3A_64 = arith.addi %add3A_63, %mul3A_62 : i32
      %add3A_65 = arith.constant 0 : i32
      %add3A_66 = arith.addi %add3A_64, %add3A_65 : i32
      %mul3A_67 = arith.constant 32 : i32
      %mul3A_68 = arith.muli %add3A_66, %mul3A_67 : i32
      %add3A_69 = arith.addi %mul3A_68, %add3A : i32
      %lt3A = arith.constant 4000 : i32
      %lt3A_70 = arith.cmpi slt, %add3A_69, %lt3A : i32
      %convert_element_type3A = arith.extui %lt3A_70 : i1 to i32
      %cond3A = arith.constant 0 : i32
      %cond3A_71 = arith.cmpi ne, %convert_element_type3A, %cond3A : i32
      scf.if %cond3A_71 {
        %mul3A_102 = arith.constant 32 : i32
        %mul3A_103 = arith.muli %add3A_66, %mul3A_102 : i32
        %add3A_104 = arith.addi %mul3A_103, %add3A : i32
        %mul3A_105 = arith.constant 80 : i32
        %mul3A_106 = arith.muli %add3A_104, %mul3A_105 : i32
        %dma_wait3A = tpu.memref_slice %arg3[%mul3A_106] : memref<320000xi32, #tpu.memory_space<hbm>> -> memref<80xi32, #tpu.memory_space<hbm>>
        %dma_wait3A_107 = tpu.memref_slice %arg3[%mul3A_106] : memref<320000xi32, #tpu.memory_space<hbm>> -> memref<80xi32, #tpu.memory_space<hbm>>
        tpu.wait_dma2 semaphore(%arg15 : memref<!tpu.dma_semaphore, #tpu.memory_space<semaphore_mem>>) src(%dma_wait3A_107 : memref<80xi32, #tpu.memory_space<hbm>>) dst(%arg7 : memref<80xi32, #tpu.memory_space<vmem>>)
        %dma_wait3A_108 = arith.constant 0 : i32
        %dma_wait3A_109 = tpu.memref_slice %arg2[%mul3A_106, %dma_wait3A_108] : memref<320000x128xf32, #tpu.memory_space<hbm>> -> memref<80x128xf32, #tpu.memory_space<hbm>>
        %dma_wait3A_110 = arith.constant 0 : i32
        %dma_wait3A_111 = tpu.memref_slice %arg2[%mul3A_106, %dma_wait3A_110] : memref<320000x128xf32, #tpu.memory_space<hbm>> -> memref<80x128xf32, #tpu.memory_space<hbm>>
        tpu.wait_dma2 semaphore(%arg15 : memref<!tpu.dma_semaphore, #tpu.memory_space<semaphore_mem>>) src(%dma_wait3A_111 : memref<80x128xf32, #tpu.memory_space<hbm>>) dst(%arg11 : memref<80x128xf32, #tpu.memory_space<vmem>>)
        "tpu.region"() ({
          %run_scoped3A = tpu.sem_alloc : memref<!tpu.dma_semaphore, #tpu.memory_space<semaphore_mem>>
          %dma_start3A_122 = arith.constant 0 : i32
          %dma_start3A_123 = arith.constant 0 : i32
          %dma_start3A_124 = tpu.memref_slice %arg6[%dma_start3A_122, %dma_start3A_123] : memref<10240x128xf32, #tpu.memory_space<vmem_shared>> -> memref<10240x128xf32, #tpu.memory_space<vmem_shared>>
          tpu.enqueue_indirect_dma source(%arg11 : memref<80x128xf32, #tpu.memory_space<vmem>>) target(%dma_start3A_124 : memref<10240x128xf32, #tpu.memory_space<vmem_shared>>) offsets(%arg7 : memref<80xi32, #tpu.memory_space<vmem>>) semaphore(%run_scoped3A : memref<!tpu.dma_semaphore, #tpu.memory_space<semaphore_mem>>) {add = true}
          %dma_wait3A_125 = arith.constant 0 : i32
          %dma_wait3A_126 = arith.constant 0 : i32
          %dma_wait3A_127 = tpu.memref_slice %arg6[%dma_wait3A_125, %dma_wait3A_126] : memref<10240x128xf32, #tpu.memory_space<vmem_shared>> -> memref<10240x128xf32, #tpu.memory_space<vmem_shared>>
          tpu.wait_indirect_dma semaphore(%run_scoped3A : memref<!tpu.dma_semaphore, #tpu.memory_space<semaphore_mem>>) src(%arg11 : memref<80x128xf32, #tpu.memory_space<vmem>>) dst(%dma_wait3A_127 : memref<10240x128xf32, #tpu.memory_space<vmem_shared>>)
          tpu.yield
        }) : () -> ()
        %add3A_112 = arith.constant 4 : i32
        %add3A_113 = arith.addi %add3A_66, %add3A_112 : i32
        %mul3A_114 = arith.constant 32 : i32
        %mul3A_115 = arith.muli %add3A_113, %mul3A_114 : i32
        %add3A_116 = arith.addi %mul3A_115, %add3A : i32
        %lt3A_117 = arith.constant 4000 : i32
        %lt3A_118 = arith.cmpi slt, %add3A_116, %lt3A_117 : i32
        %convert_element_type3A_119 = arith.extui %lt3A_118 : i1 to i32
        %cond3A_120 = arith.constant 0 : i32
        %cond3A_121 = arith.cmpi ne, %convert_element_type3A_119, %cond3A_120 : i32
        scf.if %cond3A_121 {
          %add3A_122 = arith.constant 4 : i32
          %add3A_123 = arith.addi %add3A_66, %add3A_122 : i32
          %mul3A_124 = arith.constant 32 : i32
          %mul3A_125 = arith.muli %add3A_123, %mul3A_124 : i32
          %add3A_126 = arith.addi %mul3A_125, %add3A : i32
          %mul3A_127 = arith.constant 80 : i32
          %mul3A_128 = arith.muli %add3A_126, %mul3A_127 : i32
          %dma_start3A_129 = tpu.memref_slice %arg3[%mul3A_128] : memref<320000xi32, #tpu.memory_space<hbm>> -> memref<80xi32, #tpu.memory_space<hbm>>
          %dma_start3A_130 = tpu.memref_slice %arg3[%mul3A_128] : memref<320000xi32, #tpu.memory_space<hbm>> -> memref<80xi32, #tpu.memory_space<hbm>>
          tpu.enqueue_dma source(%dma_start3A_130 : memref<80xi32, #tpu.memory_space<hbm>>) target(%arg7 : memref<80xi32, #tpu.memory_space<vmem>>) target_semaphore(%arg15 : memref<!tpu.dma_semaphore, #tpu.memory_space<semaphore_mem>>)
          %dma_start3A_131 = arith.constant 0 : i32
          %dma_start3A_132 = tpu.memref_slice %arg2[%mul3A_128, %dma_start3A_131] : memref<320000x128xf32, #tpu.memory_space<hbm>> -> memref<80x128xf32, #tpu.memory_space<hbm>>
          %dma_start3A_133 = arith.constant 0 : i32
          %dma_start3A_134 = tpu.memref_slice %arg2[%mul3A_128, %dma_start3A_133] : memref<320000x128xf32, #tpu.memory_space<hbm>> -> memref<80x128xf32, #tpu.memory_space<hbm>>
          tpu.enqueue_dma source(%dma_start3A_134 : memref<80x128xf32, #tpu.memory_space<hbm>>) target(%arg11 : memref<80x128xf32, #tpu.memory_space<vmem>>) target_semaphore(%arg15 : memref<!tpu.dma_semaphore, #tpu.memory_space<semaphore_mem>>)
        } else {
        }
      } else {
      }
      %add3A_72 = arith.constant 1 : i32
      %add3A_73 = arith.addi %add3A_64, %add3A_72 : i32
      %mul3A_74 = arith.constant 32 : i32
      %mul3A_75 = arith.muli %add3A_73, %mul3A_74 : i32
      %add3A_76 = arith.addi %mul3A_75, %add3A : i32
      %lt3A_77 = arith.constant 4000 : i32
      %lt3A_78 = arith.cmpi slt, %add3A_76, %lt3A_77 : i32
      %convert_element_type3A_79 = arith.extui %lt3A_78 : i1 to i32
      %cond3A_80 = arith.constant 0 : i32
      %cond3A_81 = arith.cmpi ne, %convert_element_type3A_79, %cond3A_80 : i32
      scf.if %cond3A_81 {
        %mul3A_102 = arith.constant 32 : i32
        %mul3A_103 = arith.muli %add3A_73, %mul3A_102 : i32
        %add3A_104 = arith.addi %mul3A_103, %add3A : i32
        %mul3A_105 = arith.constant 80 : i32
        %mul3A_106 = arith.muli %add3A_104, %mul3A_105 : i32
        %dma_wait3A = tpu.memref_slice %arg3[%mul3A_106] : memref<320000xi32, #tpu.memory_space<hbm>> -> memref<80xi32, #tpu.memory_space<hbm>>
        %dma_wait3A_107 = tpu.memref_slice %arg3[%mul3A_106] : memref<320000xi32, #tpu.memory_space<hbm>> -> memref<80xi32, #tpu.memory_space<hbm>>
        tpu.wait_dma2 semaphore(%arg16 : memref<!tpu.dma_semaphore, #tpu.memory_space<semaphore_mem>>) src(%dma_wait3A_107 : memref<80xi32, #tpu.memory_space<hbm>>) dst(%arg8 : memref<80xi32, #tpu.memory_space<vmem>>)
        %dma_wait3A_108 = arith.constant 0 : i32
        %dma_wait3A_109 = tpu.memref_slice %arg2[%mul3A_106, %dma_wait3A_108] : memref<320000x128xf32, #tpu.memory_space<hbm>> -> memref<80x128xf32, #tpu.memory_space<hbm>>
        %dma_wait3A_110 = arith.constant 0 : i32
        %dma_wait3A_111 = tpu.memref_slice %arg2[%mul3A_106, %dma_wait3A_110] : memref<320000x128xf32, #tpu.memory_space<hbm>> -> memref<80x128xf32, #tpu.memory_space<hbm>>
        tpu.wait_dma2 semaphore(%arg16 : memref<!tpu.dma_semaphore, #tpu.memory_space<semaphore_mem>>) src(%dma_wait3A_111 : memref<80x128xf32, #tpu.memory_space<hbm>>) dst(%arg12 : memref<80x128xf32, #tpu.memory_space<vmem>>)
        "tpu.region"() ({
          %run_scoped3A = tpu.sem_alloc : memref<!tpu.dma_semaphore, #tpu.memory_space<semaphore_mem>>
          %dma_start3A_122 = arith.constant 0 : i32
          %dma_start3A_123 = arith.constant 0 : i32
          %dma_start3A_124 = tpu.memref_slice %arg6[%dma_start3A_122, %dma_start3A_123] : memref<10240x128xf32, #tpu.memory_space<vmem_shared>> -> memref<10240x128xf32, #tpu.memory_space<vmem_shared>>
          tpu.enqueue_indirect_dma source(%arg12 : memref<80x128xf32, #tpu.memory_space<vmem>>) target(%dma_start3A_124 : memref<10240x128xf32, #tpu.memory_space<vmem_shared>>) offsets(%arg8 : memref<80xi32, #tpu.memory_space<vmem>>) semaphore(%run_scoped3A : memref<!tpu.dma_semaphore, #tpu.memory_space<semaphore_mem>>) {add = true}
          %dma_wait3A_125 = arith.constant 0 : i32
          %dma_wait3A_126 = arith.constant 0 : i32
          %dma_wait3A_127 = tpu.memref_slice %arg6[%dma_wait3A_125, %dma_wait3A_126] : memref<10240x128xf32, #tpu.memory_space<vmem_shared>> -> memref<10240x128xf32, #tpu.memory_space<vmem_shared>>
          tpu.wait_indirect_dma semaphore(%run_scoped3A : memref<!tpu.dma_semaphore, #tpu.memory_space<semaphore_mem>>) src(%arg12 : memref<80x128xf32, #tpu.memory_space<vmem>>) dst(%dma_wait3A_127 : memref<10240x128xf32, #tpu.memory_space<vmem_shared>>)
          tpu.yield
        }) : () -> ()
        %add3A_112 = arith.constant 4 : i32
        %add3A_113 = arith.addi %add3A_73, %add3A_112 : i32
        %mul3A_114 = arith.constant 32 : i32
        %mul3A_115 = arith.muli %add3A_113, %mul3A_114 : i32
        %add3A_116 = arith.addi %mul3A_115, %add3A : i32
        %lt3A_117 = arith.constant 4000 : i32
        %lt3A_118 = arith.cmpi slt, %add3A_116, %lt3A_117 : i32
        %convert_element_type3A_119 = arith.extui %lt3A_118 : i1 to i32
        %cond3A_120 = arith.constant 0 : i32
        %cond3A_121 = arith.cmpi ne, %convert_element_type3A_119, %cond3A_120 : i32
        scf.if %cond3A_121 {
          %add3A_122 = arith.constant 4 : i32
          %add3A_123 = arith.addi %add3A_73, %add3A_122 : i32
          %mul3A_124 = arith.constant 32 : i32
          %mul3A_125 = arith.muli %add3A_123, %mul3A_124 : i32
          %add3A_126 = arith.addi %mul3A_125, %add3A : i32
          %mul3A_127 = arith.constant 80 : i32
          %mul3A_128 = arith.muli %add3A_126, %mul3A_127 : i32
          %dma_start3A_129 = tpu.memref_slice %arg3[%mul3A_128] : memref<320000xi32, #tpu.memory_space<hbm>> -> memref<80xi32, #tpu.memory_space<hbm>>
          %dma_start3A_130 = tpu.memref_slice %arg3[%mul3A_128] : memref<320000xi32, #tpu.memory_space<hbm>> -> memref<80xi32, #tpu.memory_space<hbm>>
          tpu.enqueue_dma source(%dma_start3A_130 : memref<80xi32, #tpu.memory_space<hbm>>) target(%arg8 : memref<80xi32, #tpu.memory_space<vmem>>) target_semaphore(%arg16 : memref<!tpu.dma_semaphore, #tpu.memory_space<semaphore_mem>>)
          %dma_start3A_131 = arith.constant 0 : i32
          %dma_start3A_132 = tpu.memref_slice %arg2[%mul3A_128, %dma_start3A_131] : memref<320000x128xf32, #tpu.memory_space<hbm>> -> memref<80x128xf32, #tpu.memory_space<hbm>>
          %dma_start3A_133 = arith.constant 0 : i32
          %dma_start3A_134 = tpu.memref_slice %arg2[%mul3A_128, %dma_start3A_133] : memref<320000x128xf32, #tpu.memory_space<hbm>> -> memref<80x128xf32, #tpu.memory_space<hbm>>
          tpu.enqueue_dma source(%dma_start3A_134 : memref<80x128xf32, #tpu.memory_space<hbm>>) target(%arg12 : memref<80x128xf32, #tpu.memory_space<vmem>>) target_semaphore(%arg16 : memref<!tpu.dma_semaphore, #tpu.memory_space<semaphore_mem>>)
        } else {
        }
      } else {
      }
      %add3A_82 = arith.constant 2 : i32
      %add3A_83 = arith.addi %add3A_64, %add3A_82 : i32
      %mul3A_84 = arith.constant 32 : i32
      %mul3A_85 = arith.muli %add3A_83, %mul3A_84 : i32
      %add3A_86 = arith.addi %mul3A_85, %add3A : i32
      %lt3A_87 = arith.constant 4000 : i32
      %lt3A_88 = arith.cmpi slt, %add3A_86, %lt3A_87 : i32
      %convert_element_type3A_89 = arith.extui %lt3A_88 : i1 to i32
      %cond3A_90 = arith.constant 0 : i32
      %cond3A_91 = arith.cmpi ne, %convert_element_type3A_89, %cond3A_90 : i32
      scf.if %cond3A_91 {
        %mul3A_102 = arith.constant 32 : i32
        %mul3A_103 = arith.muli %add3A_83, %mul3A_102 : i32
        %add3A_104 = arith.addi %mul3A_103, %add3A : i32
        %mul3A_105 = arith.constant 80 : i32
        %mul3A_106 = arith.muli %add3A_104, %mul3A_105 : i32
        %dma_wait3A = tpu.memref_slice %arg3[%mul3A_106] : memref<320000xi32, #tpu.memory_space<hbm>> -> memref<80xi32, #tpu.memory_space<hbm>>
        %dma_wait3A_107 = tpu.memref_slice %arg3[%mul3A_106] : memref<320000xi32, #tpu.memory_space<hbm>> -> memref<80xi32, #tpu.memory_space<hbm>>
        tpu.wait_dma2 semaphore(%arg17 : memref<!tpu.dma_semaphore, #tpu.memory_space<semaphore_mem>>) src(%dma_wait3A_107 : memref<80xi32, #tpu.memory_space<hbm>>) dst(%arg9 : memref<80xi32, #tpu.memory_space<vmem>>)
        %dma_wait3A_108 = arith.constant 0 : i32
        %dma_wait3A_109 = tpu.memref_slice %arg2[%mul3A_106, %dma_wait3A_108] : memref<320000x128xf32, #tpu.memory_space<hbm>> -> memref<80x128xf32, #tpu.memory_space<hbm>>
        %dma_wait3A_110 = arith.constant 0 : i32
        %dma_wait3A_111 = tpu.memref_slice %arg2[%mul3A_106, %dma_wait3A_110] : memref<320000x128xf32, #tpu.memory_space<hbm>> -> memref<80x128xf32, #tpu.memory_space<hbm>>
        tpu.wait_dma2 semaphore(%arg17 : memref<!tpu.dma_semaphore, #tpu.memory_space<semaphore_mem>>) src(%dma_wait3A_111 : memref<80x128xf32, #tpu.memory_space<hbm>>) dst(%arg13 : memref<80x128xf32, #tpu.memory_space<vmem>>)
        "tpu.region"() ({
          %run_scoped3A = tpu.sem_alloc : memref<!tpu.dma_semaphore, #tpu.memory_space<semaphore_mem>>
          %dma_start3A_122 = arith.constant 0 : i32
          %dma_start3A_123 = arith.constant 0 : i32
          %dma_start3A_124 = tpu.memref_slice %arg6[%dma_start3A_122, %dma_start3A_123] : memref<10240x128xf32, #tpu.memory_space<vmem_shared>> -> memref<10240x128xf32, #tpu.memory_space<vmem_shared>>
          tpu.enqueue_indirect_dma source(%arg13 : memref<80x128xf32, #tpu.memory_space<vmem>>) target(%dma_start3A_124 : memref<10240x128xf32, #tpu.memory_space<vmem_shared>>) offsets(%arg9 : memref<80xi32, #tpu.memory_space<vmem>>) semaphore(%run_scoped3A : memref<!tpu.dma_semaphore, #tpu.memory_space<semaphore_mem>>) {add = true}
          %dma_wait3A_125 = arith.constant 0 : i32
          %dma_wait3A_126 = arith.constant 0 : i32
          %dma_wait3A_127 = tpu.memref_slice %arg6[%dma_wait3A_125, %dma_wait3A_126] : memref<10240x128xf32, #tpu.memory_space<vmem_shared>> -> memref<10240x128xf32, #tpu.memory_space<vmem_shared>>
          tpu.wait_indirect_dma semaphore(%run_scoped3A : memref<!tpu.dma_semaphore, #tpu.memory_space<semaphore_mem>>) src(%arg13 : memref<80x128xf32, #tpu.memory_space<vmem>>) dst(%dma_wait3A_127 : memref<10240x128xf32, #tpu.memory_space<vmem_shared>>)
          tpu.yield
        }) : () -> ()
        %add3A_112 = arith.constant 4 : i32
        %add3A_113 = arith.addi %add3A_83, %add3A_112 : i32
        %mul3A_114 = arith.constant 32 : i32
        %mul3A_115 = arith.muli %add3A_113, %mul3A_114 : i32
        %add3A_116 = arith.addi %mul3A_115, %add3A : i32
        %lt3A_117 = arith.constant 4000 : i32
        %lt3A_118 = arith.cmpi slt, %add3A_116, %lt3A_117 : i32
        %convert_element_type3A_119 = arith.extui %lt3A_118 : i1 to i32
        %cond3A_120 = arith.constant 0 : i32
        %cond3A_121 = arith.cmpi ne, %convert_element_type3A_119, %cond3A_120 : i32
        scf.if %cond3A_121 {
          %add3A_122 = arith.constant 4 : i32
          %add3A_123 = arith.addi %add3A_83, %add3A_122 : i32
          %mul3A_124 = arith.constant 32 : i32
          %mul3A_125 = arith.muli %add3A_123, %mul3A_124 : i32
          %add3A_126 = arith.addi %mul3A_125, %add3A : i32
          %mul3A_127 = arith.constant 80 : i32
          %mul3A_128 = arith.muli %add3A_126, %mul3A_127 : i32
          %dma_start3A_129 = tpu.memref_slice %arg3[%mul3A_128] : memref<320000xi32, #tpu.memory_space<hbm>> -> memref<80xi32, #tpu.memory_space<hbm>>
          %dma_start3A_130 = tpu.memref_slice %arg3[%mul3A_128] : memref<320000xi32, #tpu.memory_space<hbm>> -> memref<80xi32, #tpu.memory_space<hbm>>
          tpu.enqueue_dma source(%dma_start3A_130 : memref<80xi32, #tpu.memory_space<hbm>>) target(%arg9 : memref<80xi32, #tpu.memory_space<vmem>>) target_semaphore(%arg17 : memref<!tpu.dma_semaphore, #tpu.memory_space<semaphore_mem>>)
          %dma_start3A_131 = arith.constant 0 : i32
          %dma_start3A_132 = tpu.memref_slice %arg2[%mul3A_128, %dma_start3A_131] : memref<320000x128xf32, #tpu.memory_space<hbm>> -> memref<80x128xf32, #tpu.memory_space<hbm>>
          %dma_start3A_133 = arith.constant 0 : i32
          %dma_start3A_134 = tpu.memref_slice %arg2[%mul3A_128, %dma_start3A_133] : memref<320000x128xf32, #tpu.memory_space<hbm>> -> memref<80x128xf32, #tpu.memory_space<hbm>>
          tpu.enqueue_dma source(%dma_start3A_134 : memref<80x128xf32, #tpu.memory_space<hbm>>) target(%arg13 : memref<80x128xf32, #tpu.memory_space<vmem>>) target_semaphore(%arg17 : memref<!tpu.dma_semaphore, #tpu.memory_space<semaphore_mem>>)
        } else {
        }
      } else {
      }
      %add3A_92 = arith.constant 3 : i32
      %add3A_93 = arith.addi %add3A_64, %add3A_92 : i32
      %mul3A_94 = arith.constant 32 : i32
      %mul3A_95 = arith.muli %add3A_93, %mul3A_94 : i32
      %add3A_96 = arith.addi %mul3A_95, %add3A : i32
      %lt3A_97 = arith.constant 4000 : i32
      %lt3A_98 = arith.cmpi slt, %add3A_96, %lt3A_97 : i32
      %convert_element_type3A_99 = arith.extui %lt3A_98 : i1 to i32
      %cond3A_100 = arith.constant 0 : i32
      %cond3A_101 = arith.cmpi ne, %convert_element_type3A_99, %cond3A_100 : i32
      scf.if %cond3A_101 {
        %mul3A_102 = arith.constant 32 : i32
        %mul3A_103 = arith.muli %add3A_93, %mul3A_102 : i32
        %add3A_104 = arith.addi %mul3A_103, %add3A : i32
        %mul3A_105 = arith.constant 80 : i32
        %mul3A_106 = arith.muli %add3A_104, %mul3A_105 : i32
        %dma_wait3A = tpu.memref_slice %arg3[%mul3A_106] : memref<320000xi32, #tpu.memory_space<hbm>> -> memref<80xi32, #tpu.memory_space<hbm>>
        %dma_wait3A_107 = tpu.memref_slice %arg3[%mul3A_106] : memref<320000xi32, #tpu.memory_space<hbm>> -> memref<80xi32, #tpu.memory_space<hbm>>
        tpu.wait_dma2 semaphore(%arg18 : memref<!tpu.dma_semaphore, #tpu.memory_space<semaphore_mem>>) src(%dma_wait3A_107 : memref<80xi32, #tpu.memory_space<hbm>>) dst(%arg10 : memref<80xi32, #tpu.memory_space<vmem>>)
        %dma_wait3A_108 = arith.constant 0 : i32
        %dma_wait3A_109 = tpu.memref_slice %arg2[%mul3A_106, %dma_wait3A_108] : memref<320000x128xf32, #tpu.memory_space<hbm>> -> memref<80x128xf32, #tpu.memory_space<hbm>>
        %dma_wait3A_110 = arith.constant 0 : i32
        %dma_wait3A_111 = tpu.memref_slice %arg2[%mul3A_106, %dma_wait3A_110] : memref<320000x128xf32, #tpu.memory_space<hbm>> -> memref<80x128xf32, #tpu.memory_space<hbm>>
        tpu.wait_dma2 semaphore(%arg18 : memref<!tpu.dma_semaphore, #tpu.memory_space<semaphore_mem>>) src(%dma_wait3A_111 : memref<80x128xf32, #tpu.memory_space<hbm>>) dst(%arg14 : memref<80x128xf32, #tpu.memory_space<vmem>>)
        "tpu.region"() ({
          %run_scoped3A = tpu.sem_alloc : memref<!tpu.dma_semaphore, #tpu.memory_space<semaphore_mem>>
          %dma_start3A_122 = arith.constant 0 : i32
          %dma_start3A_123 = arith.constant 0 : i32
          %dma_start3A_124 = tpu.memref_slice %arg6[%dma_start3A_122, %dma_start3A_123] : memref<10240x128xf32, #tpu.memory_space<vmem_shared>> -> memref<10240x128xf32, #tpu.memory_space<vmem_shared>>
          tpu.enqueue_indirect_dma source(%arg14 : memref<80x128xf32, #tpu.memory_space<vmem>>) target(%dma_start3A_124 : memref<10240x128xf32, #tpu.memory_space<vmem_shared>>) offsets(%arg10 : memref<80xi32, #tpu.memory_space<vmem>>) semaphore(%run_scoped3A : memref<!tpu.dma_semaphore, #tpu.memory_space<semaphore_mem>>) {add = true}
          %dma_wait3A_125 = arith.constant 0 : i32
          %dma_wait3A_126 = arith.constant 0 : i32
          %dma_wait3A_127 = tpu.memref_slice %arg6[%dma_wait3A_125, %dma_wait3A_126] : memref<10240x128xf32, #tpu.memory_space<vmem_shared>> -> memref<10240x128xf32, #tpu.memory_space<vmem_shared>>
          tpu.wait_indirect_dma semaphore(%run_scoped3A : memref<!tpu.dma_semaphore, #tpu.memory_space<semaphore_mem>>) src(%arg14 : memref<80x128xf32, #tpu.memory_space<vmem>>) dst(%dma_wait3A_127 : memref<10240x128xf32, #tpu.memory_space<vmem_shared>>)
          tpu.yield
        }) : () -> ()
        %add3A_112 = arith.constant 4 : i32
        %add3A_113 = arith.addi %add3A_93, %add3A_112 : i32
        %mul3A_114 = arith.constant 32 : i32
        %mul3A_115 = arith.muli %add3A_113, %mul3A_114 : i32
        %add3A_116 = arith.addi %mul3A_115, %add3A : i32
        %lt3A_117 = arith.constant 4000 : i32
        %lt3A_118 = arith.cmpi slt, %add3A_116, %lt3A_117 : i32
        %convert_element_type3A_119 = arith.extui %lt3A_118 : i1 to i32
        %cond3A_120 = arith.constant 0 : i32
        %cond3A_121 = arith.cmpi ne, %convert_element_type3A_119, %cond3A_120 : i32
        scf.if %cond3A_121 {
          %add3A_122 = arith.constant 4 : i32
          %add3A_123 = arith.addi %add3A_93, %add3A_122 : i32
          %mul3A_124 = arith.constant 32 : i32
          %mul3A_125 = arith.muli %add3A_123, %mul3A_124 : i32
          %add3A_126 = arith.addi %mul3A_125, %add3A : i32
          %mul3A_127 = arith.constant 80 : i32
          %mul3A_128 = arith.muli %add3A_126, %mul3A_127 : i32
          %dma_start3A_129 = tpu.memref_slice %arg3[%mul3A_128] : memref<320000xi32, #tpu.memory_space<hbm>> -> memref<80xi32, #tpu.memory_space<hbm>>
          %dma_start3A_130 = tpu.memref_slice %arg3[%mul3A_128] : memref<320000xi32, #tpu.memory_space<hbm>> -> memref<80xi32, #tpu.memory_space<hbm>>
          tpu.enqueue_dma source(%dma_start3A_130 : memref<80xi32, #tpu.memory_space<hbm>>) target(%arg10 : memref<80xi32, #tpu.memory_space<vmem>>) target_semaphore(%arg18 : memref<!tpu.dma_semaphore, #tpu.memory_space<semaphore_mem>>)
          %dma_start3A_131 = arith.constant 0 : i32
          %dma_start3A_132 = tpu.memref_slice %arg2[%mul3A_128, %dma_start3A_131] : memref<320000x128xf32, #tpu.memory_space<hbm>> -> memref<80x128xf32, #tpu.memory_space<hbm>>
          %dma_start3A_133 = arith.constant 0 : i32
          %dma_start3A_134 = tpu.memref_slice %arg2[%mul3A_128, %dma_start3A_133] : memref<320000x128xf32, #tpu.memory_space<hbm>> -> memref<80x128xf32, #tpu.memory_space<hbm>>
          tpu.enqueue_dma source(%dma_start3A_134 : memref<80x128xf32, #tpu.memory_space<hbm>>) target(%arg14 : memref<80x128xf32, #tpu.memory_space<vmem>>) target_semaphore(%arg18 : memref<!tpu.dma_semaphore, #tpu.memory_space<semaphore_mem>>)
        } else {
        }
      } else {
      }
    }
    %scan3A_54 = arith.constant 32 : i32
    %barrier3A_55 = arith.constant 0 : index
    tpu.barrier barrier_id(%barrier3A_55)
    %mul3A_56 = arith.constant 640 : i32
    %mul3A_57 = arith.muli %arg1, %mul3A_56 : i32
    %mul3A_58 = arith.constant 640 : i32
    %mul3A_59 = arith.muli %arg1, %mul3A_58 : i32
    "tpu.region"() ({
      %run_scoped3A = tpu.sem_alloc : memref<!tpu.dma_semaphore, #tpu.memory_space<semaphore_mem>>
      %dma_start3A_60 = arith.constant 0 : i32
      %dma_start3A_61 = tpu.memref_slice %arg4[%arg0, %mul3A_59, %dma_start3A_60] : memref<2x10240x128xf32, #tpu.memory_space<hbm>> -> memref<1x640x128xf32, #tpu.memory_space<hbm>>
      %dma_start3A_62 = tpu.memref_squeeze %dma_start3A_61 : memref<1x640x128xf32, #tpu.memory_space<hbm>> -> memref<640x128xf32, #tpu.memory_space<hbm>>
      %dma_start3A_63 = arith.constant 0 : i32
      %dma_start3A_64 = tpu.memref_slice %arg6[%mul3A_57, %dma_start3A_63] : memref<10240x128xf32, #tpu.memory_space<vmem_shared>> -> memref<640x128xf32, #tpu.memory_space<vmem_shared>>
      tpu.enqueue_dma source(%dma_start3A_64 : memref<640x128xf32, #tpu.memory_space<vmem_shared>>) target(%dma_start3A_62 : memref<640x128xf32, #tpu.memory_space<hbm>>) target_semaphore(%run_scoped3A : memref<!tpu.dma_semaphore, #tpu.memory_space<semaphore_mem>>)
      %dma_wait3A = arith.constant 0 : i32
      %dma_wait3A_65 = tpu.memref_slice %arg4[%arg0, %mul3A_59, %dma_wait3A] : memref<2x10240x128xf32, #tpu.memory_space<hbm>> -> memref<1x640x128xf32, #tpu.memory_space<hbm>>
      %dma_wait3A_66 = tpu.memref_squeeze %dma_wait3A_65 : memref<1x640x128xf32, #tpu.memory_space<hbm>> -> memref<640x128xf32, #tpu.memory_space<hbm>>
      %dma_wait3A_67 = arith.constant 0 : i32
      %dma_wait3A_68 = tpu.memref_slice %arg6[%mul3A_57, %dma_wait3A_67] : memref<10240x128xf32, #tpu.memory_space<vmem_shared>> -> memref<640x128xf32, #tpu.memory_space<vmem_shared>>
      tpu.wait_dma2 semaphore(%run_scoped3A : memref<!tpu.dma_semaphore, #tpu.memory_space<semaphore_mem>>) src(%dma_wait3A_68 : memref<640x128xf32, #tpu.memory_space<vmem_shared>>) dst(%dma_wait3A_66 : memref<640x128xf32, #tpu.memory_space<hbm>>)
      tpu.yield
    }) : () -> ()
    return
  }
}

#map = affine_map<(d0, d1) -> (0, 0)>
#map1 = affine_map<(d0, d1) -> (0)>
module attributes {stable_mosaic.version = 14 : i64} {
  func.func @_gather_sc(%arg0: i32, %arg1: i32, %arg2: memref<10000x128xf32, #tpu.memory_space<hbm>>, %arg3: memref<10000x128xf32, #tpu.memory_space<hbm>>, %arg4: memref<320000xi32, #tpu.memory_space<hbm>>, %arg5: memref<320000xi32, #tpu.memory_space<hbm>>, %arg6: memref<10000xf32, #tpu.memory_space<hbm>>, %arg7: memref<10000xf32, #tpu.memory_space<hbm>>, %arg8: memref<320000x128xf32, #tpu.memory_space<hbm>>, %arg9: memref<320000xf32, #tpu.memory_space<hbm>>, %arg10: memref<10000xf32, #tpu.memory_space<vmem>>, %arg11: memref<10000xf32, #tpu.memory_space<vmem>>, %arg12: memref<80xi32, #tpu.memory_space<vmem>>, %arg13: memref<16x2x80x128xf32, #tpu.memory_space<vmem_shared>>, %arg14: memref<80xi32, #tpu.memory_space<vmem>>, %arg15: memref<80xi32, #tpu.memory_space<vmem>>, %arg16: memref<80xi32, #tpu.memory_space<vmem>>, %arg17: memref<80xi32, #tpu.memory_space<vmem>>, %arg18: memref<80xi32, #tpu.memory_space<vmem>>, %arg19: memref<80xi32, #tpu.memory_space<vmem>>, %arg20: memref<80xi32, #tpu.memory_space<vmem>>, %arg21: memref<80xi32, #tpu.memory_space<vmem>>, %arg22: memref<80x128xf32, #tpu.memory_space<vmem>>, %arg23: memref<80x128xf32, #tpu.memory_space<vmem>>, %arg24: memref<80x128xf32, #tpu.memory_space<vmem>>, %arg25: memref<80x128xf32, #tpu.memory_space<vmem>>, %arg26: memref<80x128xf32, #tpu.memory_space<vmem>>, %arg27: memref<80x128xf32, #tpu.memory_space<vmem>>, %arg28: memref<80x128xf32, #tpu.memory_space<vmem>>, %arg29: memref<80x128xf32, #tpu.memory_space<vmem>>, %arg30: memref<80xf32, #tpu.memory_space<vmem>>, %arg31: memref<80xf32, #tpu.memory_space<vmem>>, %arg32: memref<80xf32, #tpu.memory_space<vmem>>, %arg33: memref<80xf32, #tpu.memory_space<vmem>>, %arg34: memref<!tpu.dma_semaphore, #tpu.memory_space<semaphore_mem>>, %arg35: memref<!tpu.dma_semaphore, #tpu.memory_space<semaphore_mem>>, %arg36: memref<!tpu.dma_semaphore, #tpu.memory_space<semaphore_mem>>, %arg37: memref<!tpu.dma_semaphore, #tpu.memory_space<semaphore_mem>>, %arg38: memref<!tpu.dma_semaphore, #tpu.memory_space<semaphore_mem>>, %arg39: memref<!tpu.dma_semaphore, #tpu.memory_space<semaphore_mem>>) attributes {dimension_semantics = [#tpu.dimension_semantics<core_parallel>, #tpu.dimension_semantics<subcore_parallel>], iteration_bounds = array<i64: 2, 16>, scalar_prefetch = 0 : i64, scratch_operands = 30 : i64, tpu.core_type = #tpu.core_type<sc_vector_subcore>, window_params = [{transform_indices = #map}, {transform_indices = #map}, {transform_indices = #map1}, {transform_indices = #map1}, {transform_indices = #map1}, {transform_indices = #map1}, {transform_indices = #map}, {transform_indices = #map1}]} {
    %mul3A = arith.constant 2 : i32
    %mul3A_0 = arith.muli %arg1, %mul3A : i32
    %add3A = arith.addi %mul3A_0, %arg0 : i32
    "tpu.region"() ({
      %run_scoped3A = tpu.sem_alloc : memref<!tpu.dma_semaphore, #tpu.memory_space<semaphore_mem>>
      tpu.enqueue_dma source(%arg6 : memref<10000xf32, #tpu.memory_space<hbm>>) target(%arg10 : memref<10000xf32, #tpu.memory_space<vmem>>) target_semaphore(%run_scoped3A : memref<!tpu.dma_semaphore, #tpu.memory_space<semaphore_mem>>)
      tpu.wait_dma2 semaphore(%run_scoped3A : memref<!tpu.dma_semaphore, #tpu.memory_space<semaphore_mem>>) src(%arg6 : memref<10000xf32, #tpu.memory_space<hbm>>) dst(%arg10 : memref<10000xf32, #tpu.memory_space<vmem>>)
      tpu.yield
    }) : () -> ()
    "tpu.region"() ({
      %run_scoped3A = tpu.sem_alloc : memref<!tpu.dma_semaphore, #tpu.memory_space<semaphore_mem>>
      tpu.enqueue_dma source(%arg7 : memref<10000xf32, #tpu.memory_space<hbm>>) target(%arg11 : memref<10000xf32, #tpu.memory_space<vmem>>) target_semaphore(%run_scoped3A : memref<!tpu.dma_semaphore, #tpu.memory_space<semaphore_mem>>)
      tpu.wait_dma2 semaphore(%run_scoped3A : memref<!tpu.dma_semaphore, #tpu.memory_space<semaphore_mem>>) src(%arg7 : memref<10000xf32, #tpu.memory_space<hbm>>) dst(%arg11 : memref<10000xf32, #tpu.memory_space<vmem>>)
      tpu.yield
    }) : () -> ()
    %scan3A = arith.constant 0 : i32
    %scan3A_1 = arith.constant 5 : i32
    %scan3A_2 = arith.addi %scan3A, %scan3A_1 : i32
    %scan3A_3 = arith.constant 1 : i32
    scf.for %scan3A_70 = %scan3A to %scan3A_2 step %scan3A_3  : i32 {
      %mul3A_71 = arith.constant 16 : i32
      %mul3A_72 = arith.muli %scan3A_70, %mul3A_71 : i32
      %add3A_73 = arith.constant 0 : i32
      %add3A_74 = arith.addi %add3A_73, %mul3A_72 : i32
      %iota3A = tpu.iota {dimensions = array<i32: 0>} : vector<16xi32>
      %add3A_75 = vector.broadcast %add3A_74 : i32 to vector<16xi32>
      %add3A_76 = arith.addi %iota3A, %add3A_75 : vector<16xi32>
      %swap3A = arith.index_cast %add3A_74 : i32 to index
      %swap3A_77 = tpu.vector_load %arg12[%swap3A] {strides = array<i32>} : memref<80xi32, #tpu.memory_space<vmem>>, vector<16xi32>,
      tpu.vector_store %arg12[%swap3A], %add3A_76 {strides = array<i32>} : memref<80xi32, #tpu.memory_space<vmem>>, vector<16xi32>,
    }
    %scan3A_4 = arith.constant 5 : i32
    %add3A_5 = arith.constant 0 : i32
    %add3A_6 = arith.addi %add3A_5, %add3A : i32
    %mul3A_7 = arith.constant 80 : i32
    %mul3A_8 = arith.muli %add3A_6, %mul3A_7 : i32
    "tpu.region"() ({
      %run_scoped3A = tpu.sem_alloc : memref<!tpu.dma_semaphore, #tpu.memory_space<semaphore_mem>>
      %dma_start3A_70 = tpu.memref_slice %arg4[%mul3A_8] : memref<320000xi32, #tpu.memory_space<hbm>> -> memref<80xi32, #tpu.memory_space<hbm>>
      %dma_start3A_71 = tpu.memref_slice %arg4[%mul3A_8] : memref<320000xi32, #tpu.memory_space<hbm>> -> memref<80xi32, #tpu.memory_space<hbm>>
      tpu.enqueue_dma source(%dma_start3A_71 : memref<80xi32, #tpu.memory_space<hbm>>) target(%arg14 : memref<80xi32, #tpu.memory_space<vmem>>) target_semaphore(%run_scoped3A : memref<!tpu.dma_semaphore, #tpu.memory_space<semaphore_mem>>)
      %dma_wait3A_72 = tpu.memref_slice %arg4[%mul3A_8] : memref<320000xi32, #tpu.memory_space<hbm>> -> memref<80xi32, #tpu.memory_space<hbm>>
      %dma_wait3A_73 = tpu.memref_slice %arg4[%mul3A_8] : memref<320000xi32, #tpu.memory_space<hbm>> -> memref<80xi32, #tpu.memory_space<hbm>>
      tpu.wait_dma2 semaphore(%run_scoped3A : memref<!tpu.dma_semaphore, #tpu.memory_space<semaphore_mem>>) src(%dma_wait3A_73 : memref<80xi32, #tpu.memory_space<hbm>>) dst(%arg14 : memref<80xi32, #tpu.memory_space<vmem>>)
      tpu.yield
    }) : () -> ()
    "tpu.region"() ({
      %run_scoped3A = tpu.sem_alloc : memref<!tpu.dma_semaphore, #tpu.memory_space<semaphore_mem>>
      %dma_start3A_70 = tpu.memref_slice %arg5[%mul3A_8] : memref<320000xi32, #tpu.memory_space<hbm>> -> memref<80xi32, #tpu.memory_space<hbm>>
      %dma_start3A_71 = tpu.memref_slice %arg5[%mul3A_8] : memref<320000xi32, #tpu.memory_space<hbm>> -> memref<80xi32, #tpu.memory_space<hbm>>
      tpu.enqueue_dma source(%dma_start3A_71 : memref<80xi32, #tpu.memory_space<hbm>>) target(%arg18 : memref<80xi32, #tpu.memory_space<vmem>>) target_semaphore(%run_scoped3A : memref<!tpu.dma_semaphore, #tpu.memory_space<semaphore_mem>>)
      %dma_wait3A_72 = tpu.memref_slice %arg5[%mul3A_8] : memref<320000xi32, #tpu.memory_space<hbm>> -> memref<80xi32, #tpu.memory_space<hbm>>
      %dma_wait3A_73 = tpu.memref_slice %arg5[%mul3A_8] : memref<320000xi32, #tpu.memory_space<hbm>> -> memref<80xi32, #tpu.memory_space<hbm>>
      tpu.wait_dma2 semaphore(%run_scoped3A : memref<!tpu.dma_semaphore, #tpu.memory_space<semaphore_mem>>) src(%dma_wait3A_73 : memref<80xi32, #tpu.memory_space<hbm>>) dst(%arg18 : memref<80xi32, #tpu.memory_space<vmem>>)
      tpu.yield
    }) : () -> ()
    %dma_start3A = arith.constant 0 : i32
    %dma_start3A_9 = arith.constant 0 : i32
    %dma_start3A_10 = tpu.memref_slice %arg2[%dma_start3A, %dma_start3A_9] : memref<10000x128xf32, #tpu.memory_space<hbm>> -> memref<10000x128xf32, #tpu.memory_space<hbm>>
    tpu.enqueue_indirect_dma source(%dma_start3A_10 : memref<10000x128xf32, #tpu.memory_space<hbm>>) target(%arg22 : memref<80x128xf32, #tpu.memory_space<vmem>>) offsets(%arg14 : memref<80xi32, #tpu.memory_space<vmem>>) semaphore(%arg34 : memref<!tpu.dma_semaphore, #tpu.memory_space<semaphore_mem>>)
    %dma_start3A_11 = arith.constant 0 : i32
    %dma_start3A_12 = arith.constant 0 : i32
    %dma_start3A_13 = tpu.memref_slice %arg3[%dma_start3A_11, %dma_start3A_12] : memref<10000x128xf32, #tpu.memory_space<hbm>> -> memref<10000x128xf32, #tpu.memory_space<hbm>>
    tpu.enqueue_indirect_dma source(%dma_start3A_13 : memref<10000x128xf32, #tpu.memory_space<hbm>>) target(%arg26 : memref<80x128xf32, #tpu.memory_space<vmem>>) offsets(%arg18 : memref<80xi32, #tpu.memory_space<vmem>>) semaphore(%arg34 : memref<!tpu.dma_semaphore, #tpu.memory_space<semaphore_mem>>)
    %add3A_14 = arith.constant 32 : i32
    %add3A_15 = arith.addi %add3A_14, %add3A : i32
    %mul3A_16 = arith.constant 80 : i32
    %mul3A_17 = arith.muli %add3A_15, %mul3A_16 : i32
    "tpu.region"() ({
      %run_scoped3A = tpu.sem_alloc : memref<!tpu.dma_semaphore, #tpu.memory_space<semaphore_mem>>
      %dma_start3A_70 = tpu.memref_slice %arg4[%mul3A_17] : memref<320000xi32, #tpu.memory_space<hbm>> -> memref<80xi32, #tpu.memory_space<hbm>>
      %dma_start3A_71 = tpu.memref_slice %arg4[%mul3A_17] : memref<320000xi32, #tpu.memory_space<hbm>> -> memref<80xi32, #tpu.memory_space<hbm>>
      tpu.enqueue_dma source(%dma_start3A_71 : memref<80xi32, #tpu.memory_space<hbm>>) target(%arg15 : memref<80xi32, #tpu.memory_space<vmem>>) target_semaphore(%run_scoped3A : memref<!tpu.dma_semaphore, #tpu.memory_space<semaphore_mem>>)
      %dma_wait3A_72 = tpu.memref_slice %arg4[%mul3A_17] : memref<320000xi32, #tpu.memory_space<hbm>> -> memref<80xi32, #tpu.memory_space<hbm>>
      %dma_wait3A_73 = tpu.memref_slice %arg4[%mul3A_17] : memref<320000xi32, #tpu.memory_space<hbm>> -> memref<80xi32, #tpu.memory_space<hbm>>
      tpu.wait_dma2 semaphore(%run_scoped3A : memref<!tpu.dma_semaphore, #tpu.memory_space<semaphore_mem>>) src(%dma_wait3A_73 : memref<80xi32, #tpu.memory_space<hbm>>) dst(%arg15 : memref<80xi32, #tpu.memory_space<vmem>>)
      tpu.yield
    }) : () -> ()
    "tpu.region"() ({
      %run_scoped3A = tpu.sem_alloc : memref<!tpu.dma_semaphore, #tpu.memory_space<semaphore_mem>>
      %dma_start3A_70 = tpu.memref_slice %arg5[%mul3A_17] : memref<320000xi32, #tpu.memory_space<hbm>> -> memref<80xi32, #tpu.memory_space<hbm>>
      %dma_start3A_71 = tpu.memref_slice %arg5[%mul3A_17] : memref<320000xi32, #tpu.memory_space<hbm>> -> memref<80xi32, #tpu.memory_space<hbm>>
      tpu.enqueue_dma source(%dma_start3A_71 : memref<80xi32, #tpu.memory_space<hbm>>) target(%arg19 : memref<80xi32, #tpu.memory_space<vmem>>) target_semaphore(%run_scoped3A : memref<!tpu.dma_semaphore, #tpu.memory_space<semaphore_mem>>)
      %dma_wait3A_72 = tpu.memref_slice %arg5[%mul3A_17] : memref<320000xi32, #tpu.memory_space<hbm>> -> memref<80xi32, #tpu.memory_space<hbm>>
      %dma_wait3A_73 = tpu.memref_slice %arg5[%mul3A_17] : memref<320000xi32, #tpu.memory_space<hbm>> -> memref<80xi32, #tpu.memory_space<hbm>>
      tpu.wait_dma2 semaphore(%run_scoped3A : memref<!tpu.dma_semaphore, #tpu.memory_space<semaphore_mem>>) src(%dma_wait3A_73 : memref<80xi32, #tpu.memory_space<hbm>>) dst(%arg19 : memref<80xi32, #tpu.memory_space<vmem>>)
      tpu.yield
    }) : () -> ()
    %dma_start3A_18 = arith.constant 0 : i32
    %dma_start3A_19 = arith.constant 0 : i32
    %dma_start3A_20 = tpu.memref_slice %arg2[%dma_start3A_18, %dma_start3A_19] : memref<10000x128xf32, #tpu.memory_space<hbm>> -> memref<10000x128xf32, #tpu.memory_space<hbm>>
    tpu.enqueue_indirect_dma source(%dma_start3A_20 : memref<10000x128xf32, #tpu.memory_space<hbm>>) target(%arg23 : memref<80x128xf32, #tpu.memory_space<vmem>>) offsets(%arg15 : memref<80xi32, #tpu.memory_space<vmem>>) semaphore(%arg35 : memref<!tpu.dma_semaphore, #tpu.memory_space<semaphore_mem>>)
    %dma_start3A_21 = arith.constant 0 : i32
    %dma_start3A_22 = arith.constant 0 : i32
    %dma_start3A_23 = tpu.memref_slice %arg3[%dma_start3A_21, %dma_start3A_22] : memref<10000x128xf32, #tpu.memory_space<hbm>> -> memref<10000x128xf32, #tpu.memory_space<hbm>>
    tpu.enqueue_indirect_dma source(%dma_start3A_23 : memref<10000x128xf32, #tpu.memory_space<hbm>>) target(%arg27 : memref<80x128xf32, #tpu.memory_space<vmem>>) offsets(%arg19 : memref<80xi32, #tpu.memory_space<vmem>>) semaphore(%arg35 : memref<!tpu.dma_semaphore, #tpu.memory_space<semaphore_mem>>)
    %add3A_24 = arith.constant 64 : i32
    %add3A_25 = arith.addi %add3A_24, %add3A : i32
    %mul3A_26 = arith.constant 80 : i32
    %mul3A_27 = arith.muli %add3A_25, %mul3A_26 : i32
    "tpu.region"() ({
      %run_scoped3A = tpu.sem_alloc : memref<!tpu.dma_semaphore, #tpu.memory_space<semaphore_mem>>
      %dma_start3A_70 = tpu.memref_slice %arg4[%mul3A_27] : memref<320000xi32, #tpu.memory_space<hbm>> -> memref<80xi32, #tpu.memory_space<hbm>>
      %dma_start3A_71 = tpu.memref_slice %arg4[%mul3A_27] : memref<320000xi32, #tpu.memory_space<hbm>> -> memref<80xi32, #tpu.memory_space<hbm>>
      tpu.enqueue_dma source(%dma_start3A_71 : memref<80xi32, #tpu.memory_space<hbm>>) target(%arg16 : memref<80xi32, #tpu.memory_space<vmem>>) target_semaphore(%run_scoped3A : memref<!tpu.dma_semaphore, #tpu.memory_space<semaphore_mem>>)
      %dma_wait3A_72 = tpu.memref_slice %arg4[%mul3A_27] : memref<320000xi32, #tpu.memory_space<hbm>> -> memref<80xi32, #tpu.memory_space<hbm>>
      %dma_wait3A_73 = tpu.memref_slice %arg4[%mul3A_27] : memref<320000xi32, #tpu.memory_space<hbm>> -> memref<80xi32, #tpu.memory_space<hbm>>
      tpu.wait_dma2 semaphore(%run_scoped3A : memref<!tpu.dma_semaphore, #tpu.memory_space<semaphore_mem>>) src(%dma_wait3A_73 : memref<80xi32, #tpu.memory_space<hbm>>) dst(%arg16 : memref<80xi32, #tpu.memory_space<vmem>>)
      tpu.yield
    }) : () -> ()
    "tpu.region"() ({
      %run_scoped3A = tpu.sem_alloc : memref<!tpu.dma_semaphore, #tpu.memory_space<semaphore_mem>>
      %dma_start3A_70 = tpu.memref_slice %arg5[%mul3A_27] : memref<320000xi32, #tpu.memory_space<hbm>> -> memref<80xi32, #tpu.memory_space<hbm>>
      %dma_start3A_71 = tpu.memref_slice %arg5[%mul3A_27] : memref<320000xi32, #tpu.memory_space<hbm>> -> memref<80xi32, #tpu.memory_space<hbm>>
      tpu.enqueue_dma source(%dma_start3A_71 : memref<80xi32, #tpu.memory_space<hbm>>) target(%arg20 : memref<80xi32, #tpu.memory_space<vmem>>) target_semaphore(%run_scoped3A : memref<!tpu.dma_semaphore, #tpu.memory_space<semaphore_mem>>)
      %dma_wait3A_72 = tpu.memref_slice %arg5[%mul3A_27] : memref<320000xi32, #tpu.memory_space<hbm>> -> memref<80xi32, #tpu.memory_space<hbm>>
      %dma_wait3A_73 = tpu.memref_slice %arg5[%mul3A_27] : memref<320000xi32, #tpu.memory_space<hbm>> -> memref<80xi32, #tpu.memory_space<hbm>>
      tpu.wait_dma2 semaphore(%run_scoped3A : memref<!tpu.dma_semaphore, #tpu.memory_space<semaphore_mem>>) src(%dma_wait3A_73 : memref<80xi32, #tpu.memory_space<hbm>>) dst(%arg20 : memref<80xi32, #tpu.memory_space<vmem>>)
      tpu.yield
    }) : () -> ()
    %dma_start3A_28 = arith.constant 0 : i32
    %dma_start3A_29 = arith.constant 0 : i32
    %dma_start3A_30 = tpu.memref_slice %arg2[%dma_start3A_28, %dma_start3A_29] : memref<10000x128xf32, #tpu.memory_space<hbm>> -> memref<10000x128xf32, #tpu.memory_space<hbm>>
    tpu.enqueue_indirect_dma source(%dma_start3A_30 : memref<10000x128xf32, #tpu.memory_space<hbm>>) target(%arg24 : memref<80x128xf32, #tpu.memory_space<vmem>>) offsets(%arg16 : memref<80xi32, #tpu.memory_space<vmem>>) semaphore(%arg36 : memref<!tpu.dma_semaphore, #tpu.memory_space<semaphore_mem>>)
    %dma_start3A_31 = arith.constant 0 : i32
    %dma_start3A_32 = arith.constant 0 : i32
    %dma_start3A_33 = tpu.memref_slice %arg3[%dma_start3A_31, %dma_start3A_32] : memref<10000x128xf32, #tpu.memory_space<hbm>> -> memref<10000x128xf32, #tpu.memory_space<hbm>>
    tpu.enqueue_indirect_dma source(%dma_start3A_33 : memref<10000x128xf32, #tpu.memory_space<hbm>>) target(%arg28 : memref<80x128xf32, #tpu.memory_space<vmem>>) offsets(%arg20 : memref<80xi32, #tpu.memory_space<vmem>>) semaphore(%arg36 : memref<!tpu.dma_semaphore, #tpu.memory_space<semaphore_mem>>)
    %add3A_34 = arith.constant 96 : i32
    %add3A_35 = arith.addi %add3A_34, %add3A : i32
    %mul3A_36 = arith.constant 80 : i32
    %mul3A_37 = arith.muli %add3A_35, %mul3A_36 : i32
    "tpu.region"() ({
      %run_scoped3A = tpu.sem_alloc : memref<!tpu.dma_semaphore, #tpu.memory_space<semaphore_mem>>
      %dma_start3A_70 = tpu.memref_slice %arg4[%mul3A_37] : memref<320000xi32, #tpu.memory_space<hbm>> -> memref<80xi32, #tpu.memory_space<hbm>>
      %dma_start3A_71 = tpu.memref_slice %arg4[%mul3A_37] : memref<320000xi32, #tpu.memory_space<hbm>> -> memref<80xi32, #tpu.memory_space<hbm>>
      tpu.enqueue_dma source(%dma_start3A_71 : memref<80xi32, #tpu.memory_space<hbm>>) target(%arg17 : memref<80xi32, #tpu.memory_space<vmem>>) target_semaphore(%run_scoped3A : memref<!tpu.dma_semaphore, #tpu.memory_space<semaphore_mem>>)
      %dma_wait3A_72 = tpu.memref_slice %arg4[%mul3A_37] : memref<320000xi32, #tpu.memory_space<hbm>> -> memref<80xi32, #tpu.memory_space<hbm>>
      %dma_wait3A_73 = tpu.memref_slice %arg4[%mul3A_37] : memref<320000xi32, #tpu.memory_space<hbm>> -> memref<80xi32, #tpu.memory_space<hbm>>
      tpu.wait_dma2 semaphore(%run_scoped3A : memref<!tpu.dma_semaphore, #tpu.memory_space<semaphore_mem>>) src(%dma_wait3A_73 : memref<80xi32, #tpu.memory_space<hbm>>) dst(%arg17 : memref<80xi32, #tpu.memory_space<vmem>>)
      tpu.yield
    }) : () -> ()
    "tpu.region"() ({
      %run_scoped3A = tpu.sem_alloc : memref<!tpu.dma_semaphore, #tpu.memory_space<semaphore_mem>>
      %dma_start3A_70 = tpu.memref_slice %arg5[%mul3A_37] : memref<320000xi32, #tpu.memory_space<hbm>> -> memref<80xi32, #tpu.memory_space<hbm>>
      %dma_start3A_71 = tpu.memref_slice %arg5[%mul3A_37] : memref<320000xi32, #tpu.memory_space<hbm>> -> memref<80xi32, #tpu.memory_space<hbm>>
      tpu.enqueue_dma source(%dma_start3A_71 : memref<80xi32, #tpu.memory_space<hbm>>) target(%arg21 : memref<80xi32, #tpu.memory_space<vmem>>) target_semaphore(%run_scoped3A : memref<!tpu.dma_semaphore, #tpu.memory_space<semaphore_mem>>)
      %dma_wait3A_72 = tpu.memref_slice %arg5[%mul3A_37] : memref<320000xi32, #tpu.memory_space<hbm>> -> memref<80xi32, #tpu.memory_space<hbm>>
      %dma_wait3A_73 = tpu.memref_slice %arg5[%mul3A_37] : memref<320000xi32, #tpu.memory_space<hbm>> -> memref<80xi32, #tpu.memory_space<hbm>>
      tpu.wait_dma2 semaphore(%run_scoped3A : memref<!tpu.dma_semaphore, #tpu.memory_space<semaphore_mem>>) src(%dma_wait3A_73 : memref<80xi32, #tpu.memory_space<hbm>>) dst(%arg21 : memref<80xi32, #tpu.memory_space<vmem>>)
      tpu.yield
    }) : () -> ()
    %dma_start3A_38 = arith.constant 0 : i32
    %dma_start3A_39 = arith.constant 0 : i32
    %dma_start3A_40 = tpu.memref_slice %arg2[%dma_start3A_38, %dma_start3A_39] : memref<10000x128xf32, #tpu.memory_space<hbm>> -> memref<10000x128xf32, #tpu.memory_space<hbm>>
    tpu.enqueue_indirect_dma source(%dma_start3A_40 : memref<10000x128xf32, #tpu.memory_space<hbm>>) target(%arg25 : memref<80x128xf32, #tpu.memory_space<vmem>>) offsets(%arg17 : memref<80xi32, #tpu.memory_space<vmem>>) semaphore(%arg37 : memref<!tpu.dma_semaphore, #tpu.memory_space<semaphore_mem>>)
    %dma_start3A_41 = arith.constant 0 : i32
    %dma_start3A_42 = arith.constant 0 : i32
    %dma_start3A_43 = tpu.memref_slice %arg3[%dma_start3A_41, %dma_start3A_42] : memref<10000x128xf32, #tpu.memory_space<hbm>> -> memref<10000x128xf32, #tpu.memory_space<hbm>>
    tpu.enqueue_indirect_dma source(%dma_start3A_43 : memref<10000x128xf32, #tpu.memory_space<hbm>>) target(%arg29 : memref<80x128xf32, #tpu.memory_space<vmem>>) offsets(%arg21 : memref<80xi32, #tpu.memory_space<vmem>>) semaphore(%arg37 : memref<!tpu.dma_semaphore, #tpu.memory_space<semaphore_mem>>)
    %scan3A_44 = arith.constant 0 : i32
    %scan3A_45 = arith.constant 32 : i32
    %scan3A_46 = arith.addi %scan3A_44, %scan3A_45 : i32
    %scan3A_47 = arith.constant 1 : i32
    scf.for %scan3A_70 = %scan3A_44 to %scan3A_46 step %scan3A_47  : i32 {
      %mul3A_71 = arith.constant 4 : i32
      %mul3A_72 = arith.muli %scan3A_70, %mul3A_71 : i32
      %add3A_73 = arith.constant 0 : i32
      %add3A_74 = arith.addi %add3A_73, %mul3A_72 : i32
      %add3A_75 = arith.constant 0 : i32
      %add3A_76 = arith.addi %add3A_74, %add3A_75 : i32
      %lt3A = arith.constant 125 : i32
      %lt3A_77 = arith.cmpi slt, %add3A_76, %lt3A : i32
      %convert_element_type3A = arith.extui %lt3A_77 : i1 to i32
      %cond3A = arith.constant 0 : i32
      %cond3A_78 = arith.cmpi ne, %convert_element_type3A, %cond3A : i32
      scf.if %cond3A_78 {
        %dma_wait3A_100 = arith.constant 0 : i32
        %dma_wait3A_101 = arith.constant 0 : i32
        %dma_wait3A_102 = tpu.memref_slice %arg2[%dma_wait3A_100, %dma_wait3A_101] : memref<10000x128xf32, #tpu.memory_space<hbm>> -> memref<10000x128xf32, #tpu.memory_space<hbm>>
        tpu.wait_indirect_dma semaphore(%arg34 : memref<!tpu.dma_semaphore, #tpu.memory_space<semaphore_mem>>) src(%dma_wait3A_102 : memref<10000x128xf32, #tpu.memory_space<hbm>>) dst(%arg22 : memref<80x128xf32, #tpu.memory_space<vmem>>)
        %dma_wait3A_103 = arith.constant 0 : i32
        %dma_wait3A_104 = arith.constant 0 : i32
        %dma_wait3A_105 = tpu.memref_slice %arg3[%dma_wait3A_103, %dma_wait3A_104] : memref<10000x128xf32, #tpu.memory_space<hbm>> -> memref<10000x128xf32, #tpu.memory_space<hbm>>
        tpu.wait_indirect_dma semaphore(%arg34 : memref<!tpu.dma_semaphore, #tpu.memory_space<semaphore_mem>>) src(%dma_wait3A_105 : memref<10000x128xf32, #tpu.memory_space<hbm>>) dst(%arg26 : memref<80x128xf32, #tpu.memory_space<vmem>>)
        %scan3A_106 = arith.constant 0 : i32
        %scan3A_107 = arith.constant 5 : i32
        %scan3A_108 = arith.addi %scan3A_106, %scan3A_107 : i32
        %scan3A_109 = arith.constant 1 : i32
        scf.for %scan3A_140 = %scan3A_106 to %scan3A_108 step %scan3A_109  : i32 {
          %mul3A_141 = arith.constant 16 : i32
          %mul3A_142 = arith.muli %scan3A_140, %mul3A_141 : i32
          %add3A_143 = arith.constant 0 : i32
          %add3A_144 = arith.addi %add3A_143, %mul3A_142 : i32
          %get3A = arith.index_cast %add3A_144 : i32 to index
          %get3A_145 = tpu.vector_load %arg14[%get3A] {strides = array<i32>} : memref<80xi32, #tpu.memory_space<vmem>>, vector<16xi32>,
          %get3A_146 = arith.index_cast %add3A_144 : i32 to index
          %get3A_147 = tpu.vector_load %arg18[%get3A_146] {strides = array<i32>} : memref<80xi32, #tpu.memory_space<vmem>>, vector<16xi32>,
          %gather3A = tpu.vector_load_idx %arg10[%get3A_145] : memref<10000xf32, #tpu.memory_space<vmem>>[vector<16xi32>], vector<16xf32>,
          %gather3A_148 = tpu.vector_load_idx %arg10[%get3A_147] : memref<10000xf32, #tpu.memory_space<vmem>>[vector<16xi32>], vector<16xf32>,
          %sub3A = arith.subf %gather3A, %gather3A_148 : vector<16xf32>
          %gather3A_149 = tpu.vector_load_idx %arg11[%get3A_145] : memref<10000xf32, #tpu.memory_space<vmem>>[vector<16xi32>], vector<16xf32>,
          %gather3A_150 = tpu.vector_load_idx %arg11[%get3A_147] : memref<10000xf32, #tpu.memory_space<vmem>>[vector<16xi32>], vector<16xf32>,
          %sub3A_151 = arith.subf %gather3A_149, %gather3A_150 : vector<16xf32>
          %mul3A_152 = arith.mulf %sub3A, %sub3A : vector<16xf32>
          %mul3A_153 = arith.mulf %sub3A_151, %sub3A_151 : vector<16xf32>
          %add3A_154 = arith.addf %mul3A_152, %mul3A_153 : vector<16xf32>
          %swap3A = arith.index_cast %add3A_144 : i32 to index
          %swap3A_155 = tpu.vector_load %arg30[%swap3A] {strides = array<i32>} : memref<80xf32, #tpu.memory_space<vmem>>, vector<16xf32>,
          tpu.vector_store %arg30[%swap3A], %add3A_154 {strides = array<i32>} : memref<80xf32, #tpu.memory_space<vmem>>, vector<16xf32>,
        }
        %scan3A_110 = arith.constant 5 : i32
        %ge3A = arith.constant 2 : i32
        %ge3A_111 = arith.cmpi sge, %add3A_76, %ge3A : i32
        %convert_element_type3A_112 = arith.extui %ge3A_111 : i1 to i32
        %cond3A_113 = arith.constant 0 : i32
        %cond3A_114 = arith.cmpi ne, %convert_element_type3A_112, %cond3A_113 : i32
        scf.if %cond3A_114 {
          %sub3A = arith.constant 2 : i32
          %sub3A_140 = arith.subi %add3A_76, %sub3A : i32
          %mul3A_141 = arith.constant 32 : i32
          %mul3A_142 = arith.muli %sub3A_140, %mul3A_141 : i32
          %add3A_143 = arith.addi %mul3A_142, %add3A : i32
          %mul3A_144 = arith.constant 80 : i32
          %mul3A_145 = arith.muli %add3A_143, %mul3A_144 : i32
          %dma_wait3A_146 = arith.constant 0 : i32
          %dma_wait3A_147 = arith.constant 0 : i32
          %dma_wait3A_148 = tpu.memref_slice %arg8[%mul3A_145, %dma_wait3A_147] : memref<320000x128xf32, #tpu.memory_space<hbm>> -> memref<80x128xf32, #tpu.memory_space<hbm>>
          %dma_wait3A_149 = arith.constant 0 : i32
          %dma_wait3A_150 = arith.constant 0 : i32
          %dma_wait3A_151 = tpu.memref_slice %arg13[%arg1, %dma_wait3A_146, %dma_wait3A_149, %dma_wait3A_150] : memref<16x2x80x128xf32, #tpu.memory_space<vmem_shared>> -> memref<1x1x80x128xf32, #tpu.memory_space<vmem_shared>>
          %dma_wait3A_152 = tpu.memref_squeeze %dma_wait3A_151 : memref<1x1x80x128xf32, #tpu.memory_space<vmem_shared>> -> memref<80x128xf32, #tpu.memory_space<vmem_shared>>
          tpu.wait_dma2 semaphore(%arg38 : memref<!tpu.dma_semaphore, #tpu.memory_space<semaphore_mem>>) src(%dma_wait3A_152 : memref<80x128xf32, #tpu.memory_space<vmem_shared>>) dst(%dma_wait3A_148 : memref<80x128xf32, #tpu.memory_space<hbm>>)
        } else {
        }
        %run_scoped3A = arith.constant 0 : i32
        "tpu.region"() ({
          %run_scoped3A_140 = tpu.sem_alloc : memref<!tpu.dma_semaphore, #tpu.memory_space<semaphore_mem>>
          %dma_start3A_141 = arith.constant 0 : i32
          %dma_start3A_142 = arith.constant 0 : i32
          %dma_start3A_143 = tpu.memref_slice %arg13[%arg1, %run_scoped3A, %dma_start3A_141, %dma_start3A_142] : memref<16x2x80x128xf32, #tpu.memory_space<vmem_shared>> -> memref<1x1x80x128xf32, #tpu.memory_space<vmem_shared>>
          %dma_start3A_144 = tpu.memref_squeeze %dma_start3A_143 : memref<1x1x80x128xf32, #tpu.memory_space<vmem_shared>> -> memref<80x128xf32, #tpu.memory_space<vmem_shared>>
          %dma_start3A_145 = arith.constant 0 : i32
          %dma_start3A_146 = arith.constant 0 : i32
          %dma_start3A_147 = tpu.memref_slice %arg13[%arg1, %run_scoped3A, %dma_start3A_145, %dma_start3A_146] : memref<16x2x80x128xf32, #tpu.memory_space<vmem_shared>> -> memref<1x1x80x128xf32, #tpu.memory_space<vmem_shared>>
          %dma_start3A_148 = tpu.memref_squeeze %dma_start3A_147 : memref<1x1x80x128xf32, #tpu.memory_space<vmem_shared>> -> memref<80x128xf32, #tpu.memory_space<vmem_shared>>
          tpu.enqueue_dma source(%arg22 : memref<80x128xf32, #tpu.memory_space<vmem>>) target(%dma_start3A_148 : memref<80x128xf32, #tpu.memory_space<vmem_shared>>) target_semaphore(%run_scoped3A_140 : memref<!tpu.dma_semaphore, #tpu.memory_space<semaphore_mem>>)
          %dma_wait3A_149 = arith.constant 0 : i32
          %dma_wait3A_150 = arith.constant 0 : i32
          %dma_wait3A_151 = tpu.memref_slice %arg13[%arg1, %run_scoped3A, %dma_wait3A_149, %dma_wait3A_150] : memref<16x2x80x128xf32, #tpu.memory_space<vmem_shared>> -> memref<1x1x80x128xf32, #tpu.memory_space<vmem_shared>>
          %dma_wait3A_152 = tpu.memref_squeeze %dma_wait3A_151 : memref<1x1x80x128xf32, #tpu.memory_space<vmem_shared>> -> memref<80x128xf32, #tpu.memory_space<vmem_shared>>
          %dma_wait3A_153 = arith.constant 0 : i32
          %dma_wait3A_154 = arith.constant 0 : i32
          %dma_wait3A_155 = tpu.memref_slice %arg13[%arg1, %run_scoped3A, %dma_wait3A_153, %dma_wait3A_154] : memref<16x2x80x128xf32, #tpu.memory_space<vmem_shared>> -> memref<1x1x80x128xf32, #tpu.memory_space<vmem_shared>>
          %dma_wait3A_156 = tpu.memref_squeeze %dma_wait3A_155 : memref<1x1x80x128xf32, #tpu.memory_space<vmem_shared>> -> memref<80x128xf32, #tpu.memory_space<vmem_shared>>
          tpu.wait_dma2 semaphore(%run_scoped3A_140 : memref<!tpu.dma_semaphore, #tpu.memory_space<semaphore_mem>>) src(%arg22 : memref<80x128xf32, #tpu.memory_space<vmem>>) dst(%dma_wait3A_156 : memref<80x128xf32, #tpu.memory_space<vmem_shared>>)
          tpu.yield
        }) : () -> ()
        %run_scoped3A_115 = arith.constant 0 : i32
        "tpu.region"() ({
          %run_scoped3A_140 = tpu.sem_alloc : memref<!tpu.dma_semaphore, #tpu.memory_space<semaphore_mem>>
          %dma_start3A_141 = arith.constant 0 : i32
          %dma_start3A_142 = arith.constant 0 : i32
          %dma_start3A_143 = tpu.memref_slice %arg13[%arg1, %run_scoped3A_115, %dma_start3A_141, %dma_start3A_142] : memref<16x2x80x128xf32, #tpu.memory_space<vmem_shared>> -> memref<1x1x80x128xf32, #tpu.memory_space<vmem_shared>>
          %dma_start3A_144 = tpu.memref_squeeze %dma_start3A_143 : memref<1x1x80x128xf32, #tpu.memory_space<vmem_shared>> -> memref<80x128xf32, #tpu.memory_space<vmem_shared>>
          %dma_start3A_145 = arith.constant 0 : i32
          %dma_start3A_146 = arith.constant 0 : i32
          %dma_start3A_147 = tpu.memref_slice %dma_start3A_144[%dma_start3A_145, %dma_start3A_146] : memref<80x128xf32, #tpu.memory_space<vmem_shared>> -> memref<80x128xf32, #tpu.memory_space<vmem_shared>>
          tpu.enqueue_indirect_dma source(%arg26 : memref<80x128xf32, #tpu.memory_space<vmem>>) target(%dma_start3A_147 : memref<80x128xf32, #tpu.memory_space<vmem_shared>>) offsets(%arg12 : memref<80xi32, #tpu.memory_space<vmem>>) semaphore(%run_scoped3A_140 : memref<!tpu.dma_semaphore, #tpu.memory_space<semaphore_mem>>) {add = true}
          %dma_wait3A_148 = arith.constant 0 : i32
          %dma_wait3A_149 = arith.constant 0 : i32
          %dma_wait3A_150 = tpu.memref_slice %arg13[%arg1, %run_scoped3A_115, %dma_wait3A_148, %dma_wait3A_149] : memref<16x2x80x128xf32, #tpu.memory_space<vmem_shared>> -> memref<1x1x80x128xf32, #tpu.memory_space<vmem_shared>>
          %dma_wait3A_151 = tpu.memref_squeeze %dma_wait3A_150 : memref<1x1x80x128xf32, #tpu.memory_space<vmem_shared>> -> memref<80x128xf32, #tpu.memory_space<vmem_shared>>
          %dma_wait3A_152 = arith.constant 0 : i32
          %dma_wait3A_153 = arith.constant 0 : i32
          %dma_wait3A_154 = tpu.memref_slice %dma_wait3A_151[%dma_wait3A_152, %dma_wait3A_153] : memref<80x128xf32, #tpu.memory_space<vmem_shared>> -> memref<80x128xf32, #tpu.memory_space<vmem_shared>>
          tpu.wait_indirect_dma semaphore(%run_scoped3A_140 : memref<!tpu.dma_semaphore, #tpu.memory_space<semaphore_mem>>) src(%arg26 : memref<80x128xf32, #tpu.memory_space<vmem>>) dst(%dma_wait3A_154 : memref<80x128xf32, #tpu.memory_space<vmem_shared>>)
          tpu.yield
        }) : () -> ()
        %mul3A_116 = arith.constant 32 : i32
        %mul3A_117 = arith.muli %add3A_76, %mul3A_116 : i32
        %add3A_118 = arith.addi %mul3A_117, %add3A : i32
        %mul3A_119 = arith.constant 80 : i32
        %mul3A_120 = arith.muli %add3A_118, %mul3A_119 : i32
        %dma_start3A_121 = arith.constant 0 : i32
        %dma_start3A_122 = arith.constant 0 : i32
        %dma_start3A_123 = tpu.memref_slice %arg8[%mul3A_120, %dma_start3A_122] : memref<320000x128xf32, #tpu.memory_space<hbm>> -> memref<80x128xf32, #tpu.memory_space<hbm>>
        %dma_start3A_124 = arith.constant 0 : i32
        %dma_start3A_125 = arith.constant 0 : i32
        %dma_start3A_126 = tpu.memref_slice %arg13[%arg1, %dma_start3A_121, %dma_start3A_124, %dma_start3A_125] : memref<16x2x80x128xf32, #tpu.memory_space<vmem_shared>> -> memref<1x1x80x128xf32, #tpu.memory_space<vmem_shared>>
        %dma_start3A_127 = tpu.memref_squeeze %dma_start3A_126 : memref<1x1x80x128xf32, #tpu.memory_space<vmem_shared>> -> memref<80x128xf32, #tpu.memory_space<vmem_shared>>
        tpu.enqueue_dma source(%dma_start3A_127 : memref<80x128xf32, #tpu.memory_space<vmem_shared>>) target(%dma_start3A_123 : memref<80x128xf32, #tpu.memory_space<hbm>>) target_semaphore(%arg38 : memref<!tpu.dma_semaphore, #tpu.memory_space<semaphore_mem>>)
        %mul3A_128 = arith.constant 32 : i32
        %mul3A_129 = arith.muli %add3A_76, %mul3A_128 : i32
        %add3A_130 = arith.addi %mul3A_129, %add3A : i32
        %mul3A_131 = arith.constant 80 : i32
        %mul3A_132 = arith.muli %add3A_130, %mul3A_131 : i32
        "tpu.region"() ({
          %run_scoped3A_140 = tpu.sem_alloc : memref<!tpu.dma_semaphore, #tpu.memory_space<semaphore_mem>>
          %dma_start3A_141 = tpu.memref_slice %arg9[%mul3A_132] : memref<320000xf32, #tpu.memory_space<hbm>> -> memref<80xf32, #tpu.memory_space<hbm>>
          %dma_start3A_142 = tpu.memref_slice %arg9[%mul3A_132] : memref<320000xf32, #tpu.memory_space<hbm>> -> memref<80xf32, #tpu.memory_space<hbm>>
          tpu.enqueue_dma source(%arg30 : memref<80xf32, #tpu.memory_space<vmem>>) target(%dma_start3A_142 : memref<80xf32, #tpu.memory_space<hbm>>) target_semaphore(%run_scoped3A_140 : memref<!tpu.dma_semaphore, #tpu.memory_space<semaphore_mem>>)
          %dma_wait3A_143 = tpu.memref_slice %arg9[%mul3A_132] : memref<320000xf32, #tpu.memory_space<hbm>> -> memref<80xf32, #tpu.memory_space<hbm>>
          %dma_wait3A_144 = tpu.memref_slice %arg9[%mul3A_132] : memref<320000xf32, #tpu.memory_space<hbm>> -> memref<80xf32, #tpu.memory_space<hbm>>
          tpu.wait_dma2 semaphore(%run_scoped3A_140 : memref<!tpu.dma_semaphore, #tpu.memory_space<semaphore_mem>>) src(%arg30 : memref<80xf32, #tpu.memory_space<vmem>>) dst(%dma_wait3A_144 : memref<80xf32, #tpu.memory_space<hbm>>)
          tpu.yield
        }) : () -> ()
        %add3A_133 = arith.constant 4 : i32
        %add3A_134 = arith.addi %add3A_76, %add3A_133 : i32
        %lt3A_135 = arith.constant 125 : i32
        %lt3A_136 = arith.cmpi slt, %add3A_134, %lt3A_135 : i32
        %convert_element_type3A_137 = arith.extui %lt3A_136 : i1 to i32
        %cond3A_138 = arith.constant 0 : i32
        %cond3A_139 = arith.cmpi ne, %convert_element_type3A_137, %cond3A_138 : i32
        scf.if %cond3A_139 {
          %add3A_140 = arith.constant 4 : i32
          %add3A_141 = arith.addi %add3A_76, %add3A_140 : i32
          %mul3A_142 = arith.constant 32 : i32
          %mul3A_143 = arith.muli %add3A_141, %mul3A_142 : i32
          %add3A_144 = arith.addi %mul3A_143, %add3A : i32
          %mul3A_145 = arith.constant 80 : i32
          %mul3A_146 = arith.muli %add3A_144, %mul3A_145 : i32
          "tpu.region"() ({
            %run_scoped3A_153 = tpu.sem_alloc : memref<!tpu.dma_semaphore, #tpu.memory_space<semaphore_mem>>
            %dma_start3A_154 = tpu.memref_slice %arg4[%mul3A_146] : memref<320000xi32, #tpu.memory_space<hbm>> -> memref<80xi32, #tpu.memory_space<hbm>>
            %dma_start3A_155 = tpu.memref_slice %arg4[%mul3A_146] : memref<320000xi32, #tpu.memory_space<hbm>> -> memref<80xi32, #tpu.memory_space<hbm>>
            tpu.enqueue_dma source(%dma_start3A_155 : memref<80xi32, #tpu.memory_space<hbm>>) target(%arg14 : memref<80xi32, #tpu.memory_space<vmem>>) target_semaphore(%run_scoped3A_153 : memref<!tpu.dma_semaphore, #tpu.memory_space<semaphore_mem>>)
            %dma_wait3A_156 = tpu.memref_slice %arg4[%mul3A_146] : memref<320000xi32, #tpu.memory_space<hbm>> -> memref<80xi32, #tpu.memory_space<hbm>>
            %dma_wait3A_157 = tpu.memref_slice %arg4[%mul3A_146] : memref<320000xi32, #tpu.memory_space<hbm>> -> memref<80xi32, #tpu.memory_space<hbm>>
            tpu.wait_dma2 semaphore(%run_scoped3A_153 : memref<!tpu.dma_semaphore, #tpu.memory_space<semaphore_mem>>) src(%dma_wait3A_157 : memref<80xi32, #tpu.memory_space<hbm>>) dst(%arg14 : memref<80xi32, #tpu.memory_space<vmem>>)
            tpu.yield
          }) : () -> ()
          "tpu.region"() ({
            %run_scoped3A_153 = tpu.sem_alloc : memref<!tpu.dma_semaphore, #tpu.memory_space<semaphore_mem>>
            %dma_start3A_154 = tpu.memref_slice %arg5[%mul3A_146] : memref<320000xi32, #tpu.memory_space<hbm>> -> memref<80xi32, #tpu.memory_space<hbm>>
            %dma_start3A_155 = tpu.memref_slice %arg5[%mul3A_146] : memref<320000xi32, #tpu.memory_space<hbm>> -> memref<80xi32, #tpu.memory_space<hbm>>
            tpu.enqueue_dma source(%dma_start3A_155 : memref<80xi32, #tpu.memory_space<hbm>>) target(%arg18 : memref<80xi32, #tpu.memory_space<vmem>>) target_semaphore(%run_scoped3A_153 : memref<!tpu.dma_semaphore, #tpu.memory_space<semaphore_mem>>)
            %dma_wait3A_156 = tpu.memref_slice %arg5[%mul3A_146] : memref<320000xi32, #tpu.memory_space<hbm>> -> memref<80xi32, #tpu.memory_space<hbm>>
            %dma_wait3A_157 = tpu.memref_slice %arg5[%mul3A_146] : memref<320000xi32, #tpu.memory_space<hbm>> -> memref<80xi32, #tpu.memory_space<hbm>>
            tpu.wait_dma2 semaphore(%run_scoped3A_153 : memref<!tpu.dma_semaphore, #tpu.memory_space<semaphore_mem>>) src(%dma_wait3A_157 : memref<80xi32, #tpu.memory_space<hbm>>) dst(%arg18 : memref<80xi32, #tpu.memory_space<vmem>>)
            tpu.yield
          }) : () -> ()
          %dma_start3A_147 = arith.constant 0 : i32
          %dma_start3A_148 = arith.constant 0 : i32
          %dma_start3A_149 = tpu.memref_slice %arg2[%dma_start3A_147, %dma_start3A_148] : memref<10000x128xf32, #tpu.memory_space<hbm>> -> memref<10000x128xf32, #tpu.memory_space<hbm>>
          tpu.enqueue_indirect_dma source(%dma_start3A_149 : memref<10000x128xf32, #tpu.memory_space<hbm>>) target(%arg22 : memref<80x128xf32, #tpu.memory_space<vmem>>) offsets(%arg14 : memref<80xi32, #tpu.memory_space<vmem>>) semaphore(%arg34 : memref<!tpu.dma_semaphore, #tpu.memory_space<semaphore_mem>>)
          %dma_start3A_150 = arith.constant 0 : i32
          %dma_start3A_151 = arith.constant 0 : i32
          %dma_start3A_152 = tpu.memref_slice %arg3[%dma_start3A_150, %dma_start3A_151] : memref<10000x128xf32, #tpu.memory_space<hbm>> -> memref<10000x128xf32, #tpu.memory_space<hbm>>
          tpu.enqueue_indirect_dma source(%dma_start3A_152 : memref<10000x128xf32, #tpu.memory_space<hbm>>) target(%arg26 : memref<80x128xf32, #tpu.memory_space<vmem>>) offsets(%arg18 : memref<80xi32, #tpu.memory_space<vmem>>) semaphore(%arg34 : memref<!tpu.dma_semaphore, #tpu.memory_space<semaphore_mem>>)
        } else {
        }
      } else {
      }
      %add3A_79 = arith.constant 1 : i32
      %add3A_80 = arith.addi %add3A_74, %add3A_79 : i32
      %lt3A_81 = arith.constant 125 : i32
      %lt3A_82 = arith.cmpi slt, %add3A_80, %lt3A_81 : i32
      %convert_element_type3A_83 = arith.extui %lt3A_82 : i1 to i32
      %cond3A_84 = arith.constant 0 : i32
      %cond3A_85 = arith.cmpi ne, %convert_element_type3A_83, %cond3A_84 : i32
      scf.if %cond3A_85 {
        %dma_wait3A_100 = arith.constant 0 : i32
        %dma_wait3A_101 = arith.constant 0 : i32
        %dma_wait3A_102 = tpu.memref_slice %arg2[%dma_wait3A_100, %dma_wait3A_101] : memref<10000x128xf32, #tpu.memory_space<hbm>> -> memref<10000x128xf32, #tpu.memory_space<hbm>>
        tpu.wait_indirect_dma semaphore(%arg35 : memref<!tpu.dma_semaphore, #tpu.memory_space<semaphore_mem>>) src(%dma_wait3A_102 : memref<10000x128xf32, #tpu.memory_space<hbm>>) dst(%arg23 : memref<80x128xf32, #tpu.memory_space<vmem>>)
        %dma_wait3A_103 = arith.constant 0 : i32
        %dma_wait3A_104 = arith.constant 0 : i32
        %dma_wait3A_105 = tpu.memref_slice %arg3[%dma_wait3A_103, %dma_wait3A_104] : memref<10000x128xf32, #tpu.memory_space<hbm>> -> memref<10000x128xf32, #tpu.memory_space<hbm>>
        tpu.wait_indirect_dma semaphore(%arg35 : memref<!tpu.dma_semaphore, #tpu.memory_space<semaphore_mem>>) src(%dma_wait3A_105 : memref<10000x128xf32, #tpu.memory_space<hbm>>) dst(%arg27 : memref<80x128xf32, #tpu.memory_space<vmem>>)
        %scan3A_106 = arith.constant 0 : i32
        %scan3A_107 = arith.constant 5 : i32
        %scan3A_108 = arith.addi %scan3A_106, %scan3A_107 : i32
        %scan3A_109 = arith.constant 1 : i32
        scf.for %scan3A_140 = %scan3A_106 to %scan3A_108 step %scan3A_109  : i32 {
          %mul3A_141 = arith.constant 16 : i32
          %mul3A_142 = arith.muli %scan3A_140, %mul3A_141 : i32
          %add3A_143 = arith.constant 0 : i32
          %add3A_144 = arith.addi %add3A_143, %mul3A_142 : i32
          %get3A = arith.index_cast %add3A_144 : i32 to index
          %get3A_145 = tpu.vector_load %arg15[%get3A] {strides = array<i32>} : memref<80xi32, #tpu.memory_space<vmem>>, vector<16xi32>,
          %get3A_146 = arith.index_cast %add3A_144 : i32 to index
          %get3A_147 = tpu.vector_load %arg19[%get3A_146] {strides = array<i32>} : memref<80xi32, #tpu.memory_space<vmem>>, vector<16xi32>,
          %gather3A = tpu.vector_load_idx %arg10[%get3A_145] : memref<10000xf32, #tpu.memory_space<vmem>>[vector<16xi32>], vector<16xf32>,
          %gather3A_148 = tpu.vector_load_idx %arg10[%get3A_147] : memref<10000xf32, #tpu.memory_space<vmem>>[vector<16xi32>], vector<16xf32>,
          %sub3A = arith.subf %gather3A, %gather3A_148 : vector<16xf32>
          %gather3A_149 = tpu.vector_load_idx %arg11[%get3A_145] : memref<10000xf32, #tpu.memory_space<vmem>>[vector<16xi32>], vector<16xf32>,
          %gather3A_150 = tpu.vector_load_idx %arg11[%get3A_147] : memref<10000xf32, #tpu.memory_space<vmem>>[vector<16xi32>], vector<16xf32>,
          %sub3A_151 = arith.subf %gather3A_149, %gather3A_150 : vector<16xf32>
          %mul3A_152 = arith.mulf %sub3A, %sub3A : vector<16xf32>
          %mul3A_153 = arith.mulf %sub3A_151, %sub3A_151 : vector<16xf32>
          %add3A_154 = arith.addf %mul3A_152, %mul3A_153 : vector<16xf32>
          %swap3A = arith.index_cast %add3A_144 : i32 to index
          %swap3A_155 = tpu.vector_load %arg31[%swap3A] {strides = array<i32>} : memref<80xf32, #tpu.memory_space<vmem>>, vector<16xf32>,
          tpu.vector_store %arg31[%swap3A], %add3A_154 {strides = array<i32>} : memref<80xf32, #tpu.memory_space<vmem>>, vector<16xf32>,
        }
        %scan3A_110 = arith.constant 5 : i32
        %ge3A = arith.constant 2 : i32
        %ge3A_111 = arith.cmpi sge, %add3A_80, %ge3A : i32
        %convert_element_type3A_112 = arith.extui %ge3A_111 : i1 to i32
        %cond3A_113 = arith.constant 0 : i32
        %cond3A_114 = arith.cmpi ne, %convert_element_type3A_112, %cond3A_113 : i32
        scf.if %cond3A_114 {
          %sub3A = arith.constant 2 : i32
          %sub3A_140 = arith.subi %add3A_80, %sub3A : i32
          %mul3A_141 = arith.constant 32 : i32
          %mul3A_142 = arith.muli %sub3A_140, %mul3A_141 : i32
          %add3A_143 = arith.addi %mul3A_142, %add3A : i32
          %mul3A_144 = arith.constant 80 : i32
          %mul3A_145 = arith.muli %add3A_143, %mul3A_144 : i32
          %dma_wait3A_146 = arith.constant 1 : i32
          %dma_wait3A_147 = arith.constant 0 : i32
          %dma_wait3A_148 = tpu.memref_slice %arg8[%mul3A_145, %dma_wait3A_147] : memref<320000x128xf32, #tpu.memory_space<hbm>> -> memref<80x128xf32, #tpu.memory_space<hbm>>
          %dma_wait3A_149 = arith.constant 0 : i32
          %dma_wait3A_150 = arith.constant 0 : i32
          %dma_wait3A_151 = tpu.memref_slice %arg13[%arg1, %dma_wait3A_146, %dma_wait3A_149, %dma_wait3A_150] : memref<16x2x80x128xf32, #tpu.memory_space<vmem_shared>> -> memref<1x1x80x128xf32, #tpu.memory_space<vmem_shared>>
          %dma_wait3A_152 = tpu.memref_squeeze %dma_wait3A_151 : memref<1x1x80x128xf32, #tpu.memory_space<vmem_shared>> -> memref<80x128xf32, #tpu.memory_space<vmem_shared>>
          tpu.wait_dma2 semaphore(%arg39 : memref<!tpu.dma_semaphore, #tpu.memory_space<semaphore_mem>>) src(%dma_wait3A_152 : memref<80x128xf32, #tpu.memory_space<vmem_shared>>) dst(%dma_wait3A_148 : memref<80x128xf32, #tpu.memory_space<hbm>>)
        } else {
        }
        %run_scoped3A = arith.constant 1 : i32
        "tpu.region"() ({
          %run_scoped3A_140 = tpu.sem_alloc : memref<!tpu.dma_semaphore, #tpu.memory_space<semaphore_mem>>
          %dma_start3A_141 = arith.constant 0 : i32
          %dma_start3A_142 = arith.constant 0 : i32
          %dma_start3A_143 = tpu.memref_slice %arg13[%arg1, %run_scoped3A, %dma_start3A_141, %dma_start3A_142] : memref<16x2x80x128xf32, #tpu.memory_space<vmem_shared>> -> memref<1x1x80x128xf32, #tpu.memory_space<vmem_shared>>
          %dma_start3A_144 = tpu.memref_squeeze %dma_start3A_143 : memref<1x1x80x128xf32, #tpu.memory_space<vmem_shared>> -> memref<80x128xf32, #tpu.memory_space<vmem_shared>>
          %dma_start3A_145 = arith.constant 0 : i32
          %dma_start3A_146 = arith.constant 0 : i32
          %dma_start3A_147 = tpu.memref_slice %arg13[%arg1, %run_scoped3A, %dma_start3A_145, %dma_start3A_146] : memref<16x2x80x128xf32, #tpu.memory_space<vmem_shared>> -> memref<1x1x80x128xf32, #tpu.memory_space<vmem_shared>>
          %dma_start3A_148 = tpu.memref_squeeze %dma_start3A_147 : memref<1x1x80x128xf32, #tpu.memory_space<vmem_shared>> -> memref<80x128xf32, #tpu.memory_space<vmem_shared>>
          tpu.enqueue_dma source(%arg23 : memref<80x128xf32, #tpu.memory_space<vmem>>) target(%dma_start3A_148 : memref<80x128xf32, #tpu.memory_space<vmem_shared>>) target_semaphore(%run_scoped3A_140 : memref<!tpu.dma_semaphore, #tpu.memory_space<semaphore_mem>>)
          %dma_wait3A_149 = arith.constant 0 : i32
          %dma_wait3A_150 = arith.constant 0 : i32
          %dma_wait3A_151 = tpu.memref_slice %arg13[%arg1, %run_scoped3A, %dma_wait3A_149, %dma_wait3A_150] : memref<16x2x80x128xf32, #tpu.memory_space<vmem_shared>> -> memref<1x1x80x128xf32, #tpu.memory_space<vmem_shared>>
          %dma_wait3A_152 = tpu.memref_squeeze %dma_wait3A_151 : memref<1x1x80x128xf32, #tpu.memory_space<vmem_shared>> -> memref<80x128xf32, #tpu.memory_space<vmem_shared>>
          %dma_wait3A_153 = arith.constant 0 : i32
          %dma_wait3A_154 = arith.constant 0 : i32
          %dma_wait3A_155 = tpu.memref_slice %arg13[%arg1, %run_scoped3A, %dma_wait3A_153, %dma_wait3A_154] : memref<16x2x80x128xf32, #tpu.memory_space<vmem_shared>> -> memref<1x1x80x128xf32, #tpu.memory_space<vmem_shared>>
          %dma_wait3A_156 = tpu.memref_squeeze %dma_wait3A_155 : memref<1x1x80x128xf32, #tpu.memory_space<vmem_shared>> -> memref<80x128xf32, #tpu.memory_space<vmem_shared>>
          tpu.wait_dma2 semaphore(%run_scoped3A_140 : memref<!tpu.dma_semaphore, #tpu.memory_space<semaphore_mem>>) src(%arg23 : memref<80x128xf32, #tpu.memory_space<vmem>>) dst(%dma_wait3A_156 : memref<80x128xf32, #tpu.memory_space<vmem_shared>>)
          tpu.yield
        }) : () -> ()
        %run_scoped3A_115 = arith.constant 1 : i32
        "tpu.region"() ({
          %run_scoped3A_140 = tpu.sem_alloc : memref<!tpu.dma_semaphore, #tpu.memory_space<semaphore_mem>>
          %dma_start3A_141 = arith.constant 0 : i32
          %dma_start3A_142 = arith.constant 0 : i32
          %dma_start3A_143 = tpu.memref_slice %arg13[%arg1, %run_scoped3A_115, %dma_start3A_141, %dma_start3A_142] : memref<16x2x80x128xf32, #tpu.memory_space<vmem_shared>> -> memref<1x1x80x128xf32, #tpu.memory_space<vmem_shared>>
          %dma_start3A_144 = tpu.memref_squeeze %dma_start3A_143 : memref<1x1x80x128xf32, #tpu.memory_space<vmem_shared>> -> memref<80x128xf32, #tpu.memory_space<vmem_shared>>
          %dma_start3A_145 = arith.constant 0 : i32
          %dma_start3A_146 = arith.constant 0 : i32
          %dma_start3A_147 = tpu.memref_slice %dma_start3A_144[%dma_start3A_145, %dma_start3A_146] : memref<80x128xf32, #tpu.memory_space<vmem_shared>> -> memref<80x128xf32, #tpu.memory_space<vmem_shared>>
          tpu.enqueue_indirect_dma source(%arg27 : memref<80x128xf32, #tpu.memory_space<vmem>>) target(%dma_start3A_147 : memref<80x128xf32, #tpu.memory_space<vmem_shared>>) offsets(%arg12 : memref<80xi32, #tpu.memory_space<vmem>>) semaphore(%run_scoped3A_140 : memref<!tpu.dma_semaphore, #tpu.memory_space<semaphore_mem>>) {add = true}
          %dma_wait3A_148 = arith.constant 0 : i32
          %dma_wait3A_149 = arith.constant 0 : i32
          %dma_wait3A_150 = tpu.memref_slice %arg13[%arg1, %run_scoped3A_115, %dma_wait3A_148, %dma_wait3A_149] : memref<16x2x80x128xf32, #tpu.memory_space<vmem_shared>> -> memref<1x1x80x128xf32, #tpu.memory_space<vmem_shared>>
          %dma_wait3A_151 = tpu.memref_squeeze %dma_wait3A_150 : memref<1x1x80x128xf32, #tpu.memory_space<vmem_shared>> -> memref<80x128xf32, #tpu.memory_space<vmem_shared>>
          %dma_wait3A_152 = arith.constant 0 : i32
          %dma_wait3A_153 = arith.constant 0 : i32
          %dma_wait3A_154 = tpu.memref_slice %dma_wait3A_151[%dma_wait3A_152, %dma_wait3A_153] : memref<80x128xf32, #tpu.memory_space<vmem_shared>> -> memref<80x128xf32, #tpu.memory_space<vmem_shared>>
          tpu.wait_indirect_dma semaphore(%run_scoped3A_140 : memref<!tpu.dma_semaphore, #tpu.memory_space<semaphore_mem>>) src(%arg27 : memref<80x128xf32, #tpu.memory_space<vmem>>) dst(%dma_wait3A_154 : memref<80x128xf32, #tpu.memory_space<vmem_shared>>)
          tpu.yield
        }) : () -> ()
        %mul3A_116 = arith.constant 32 : i32
        %mul3A_117 = arith.muli %add3A_80, %mul3A_116 : i32
        %add3A_118 = arith.addi %mul3A_117, %add3A : i32
        %mul3A_119 = arith.constant 80 : i32
        %mul3A_120 = arith.muli %add3A_118, %mul3A_119 : i32
        %dma_start3A_121 = arith.constant 1 : i32
        %dma_start3A_122 = arith.constant 0 : i32
        %dma_start3A_123 = tpu.memref_slice %arg8[%mul3A_120, %dma_start3A_122] : memref<320000x128xf32, #tpu.memory_space<hbm>> -> memref<80x128xf32, #tpu.memory_space<hbm>>
        %dma_start3A_124 = arith.constant 0 : i32
        %dma_start3A_125 = arith.constant 0 : i32
        %dma_start3A_126 = tpu.memref_slice %arg13[%arg1, %dma_start3A_121, %dma_start3A_124, %dma_start3A_125] : memref<16x2x80x128xf32, #tpu.memory_space<vmem_shared>> -> memref<1x1x80x128xf32, #tpu.memory_space<vmem_shared>>
        %dma_start3A_127 = tpu.memref_squeeze %dma_start3A_126 : memref<1x1x80x128xf32, #tpu.memory_space<vmem_shared>> -> memref<80x128xf32, #tpu.memory_space<vmem_shared>>
        tpu.enqueue_dma source(%dma_start3A_127 : memref<80x128xf32, #tpu.memory_space<vmem_shared>>) target(%dma_start3A_123 : memref<80x128xf32, #tpu.memory_space<hbm>>) target_semaphore(%arg39 : memref<!tpu.dma_semaphore, #tpu.memory_space<semaphore_mem>>)
        %mul3A_128 = arith.constant 32 : i32
        %mul3A_129 = arith.muli %add3A_80, %mul3A_128 : i32
        %add3A_130 = arith.addi %mul3A_129, %add3A : i32
        %mul3A_131 = arith.constant 80 : i32
        %mul3A_132 = arith.muli %add3A_130, %mul3A_131 : i32
        "tpu.region"() ({
          %run_scoped3A_140 = tpu.sem_alloc : memref<!tpu.dma_semaphore, #tpu.memory_space<semaphore_mem>>
          %dma_start3A_141 = tpu.memref_slice %arg9[%mul3A_132] : memref<320000xf32, #tpu.memory_space<hbm>> -> memref<80xf32, #tpu.memory_space<hbm>>
          %dma_start3A_142 = tpu.memref_slice %arg9[%mul3A_132] : memref<320000xf32, #tpu.memory_space<hbm>> -> memref<80xf32, #tpu.memory_space<hbm>>
          tpu.enqueue_dma source(%arg31 : memref<80xf32, #tpu.memory_space<vmem>>) target(%dma_start3A_142 : memref<80xf32, #tpu.memory_space<hbm>>) target_semaphore(%run_scoped3A_140 : memref<!tpu.dma_semaphore, #tpu.memory_space<semaphore_mem>>)
          %dma_wait3A_143 = tpu.memref_slice %arg9[%mul3A_132] : memref<320000xf32, #tpu.memory_space<hbm>> -> memref<80xf32, #tpu.memory_space<hbm>>
          %dma_wait3A_144 = tpu.memref_slice %arg9[%mul3A_132] : memref<320000xf32, #tpu.memory_space<hbm>> -> memref<80xf32, #tpu.memory_space<hbm>>
          tpu.wait_dma2 semaphore(%run_scoped3A_140 : memref<!tpu.dma_semaphore, #tpu.memory_space<semaphore_mem>>) src(%arg31 : memref<80xf32, #tpu.memory_space<vmem>>) dst(%dma_wait3A_144 : memref<80xf32, #tpu.memory_space<hbm>>)
          tpu.yield
        }) : () -> ()
        %add3A_133 = arith.constant 4 : i32
        %add3A_134 = arith.addi %add3A_80, %add3A_133 : i32
        %lt3A_135 = arith.constant 125 : i32
        %lt3A_136 = arith.cmpi slt, %add3A_134, %lt3A_135 : i32
        %convert_element_type3A_137 = arith.extui %lt3A_136 : i1 to i32
        %cond3A_138 = arith.constant 0 : i32
        %cond3A_139 = arith.cmpi ne, %convert_element_type3A_137, %cond3A_138 : i32
        scf.if %cond3A_139 {
          %add3A_140 = arith.constant 4 : i32
          %add3A_141 = arith.addi %add3A_80, %add3A_140 : i32
          %mul3A_142 = arith.constant 32 : i32
          %mul3A_143 = arith.muli %add3A_141, %mul3A_142 : i32
          %add3A_144 = arith.addi %mul3A_143, %add3A : i32
          %mul3A_145 = arith.constant 80 : i32
          %mul3A_146 = arith.muli %add3A_144, %mul3A_145 : i32
          "tpu.region"() ({
            %run_scoped3A_153 = tpu.sem_alloc : memref<!tpu.dma_semaphore, #tpu.memory_space<semaphore_mem>>
            %dma_start3A_154 = tpu.memref_slice %arg4[%mul3A_146] : memref<320000xi32, #tpu.memory_space<hbm>> -> memref<80xi32, #tpu.memory_space<hbm>>
            %dma_start3A_155 = tpu.memref_slice %arg4[%mul3A_146] : memref<320000xi32, #tpu.memory_space<hbm>> -> memref<80xi32, #tpu.memory_space<hbm>>
            tpu.enqueue_dma source(%dma_start3A_155 : memref<80xi32, #tpu.memory_space<hbm>>) target(%arg15 : memref<80xi32, #tpu.memory_space<vmem>>) target_semaphore(%run_scoped3A_153 : memref<!tpu.dma_semaphore, #tpu.memory_space<semaphore_mem>>)
            %dma_wait3A_156 = tpu.memref_slice %arg4[%mul3A_146] : memref<320000xi32, #tpu.memory_space<hbm>> -> memref<80xi32, #tpu.memory_space<hbm>>
            %dma_wait3A_157 = tpu.memref_slice %arg4[%mul3A_146] : memref<320000xi32, #tpu.memory_space<hbm>> -> memref<80xi32, #tpu.memory_space<hbm>>
            tpu.wait_dma2 semaphore(%run_scoped3A_153 : memref<!tpu.dma_semaphore, #tpu.memory_space<semaphore_mem>>) src(%dma_wait3A_157 : memref<80xi32, #tpu.memory_space<hbm>>) dst(%arg15 : memref<80xi32, #tpu.memory_space<vmem>>)
            tpu.yield
          }) : () -> ()
          "tpu.region"() ({
            %run_scoped3A_153 = tpu.sem_alloc : memref<!tpu.dma_semaphore, #tpu.memory_space<semaphore_mem>>
            %dma_start3A_154 = tpu.memref_slice %arg5[%mul3A_146] : memref<320000xi32, #tpu.memory_space<hbm>> -> memref<80xi32, #tpu.memory_space<hbm>>
            %dma_start3A_155 = tpu.memref_slice %arg5[%mul3A_146] : memref<320000xi32, #tpu.memory_space<hbm>> -> memref<80xi32, #tpu.memory_space<hbm>>
            tpu.enqueue_dma source(%dma_start3A_155 : memref<80xi32, #tpu.memory_space<hbm>>) target(%arg19 : memref<80xi32, #tpu.memory_space<vmem>>) target_semaphore(%run_scoped3A_153 : memref<!tpu.dma_semaphore, #tpu.memory_space<semaphore_mem>>)
            %dma_wait3A_156 = tpu.memref_slice %arg5[%mul3A_146] : memref<320000xi32, #tpu.memory_space<hbm>> -> memref<80xi32, #tpu.memory_space<hbm>>
            %dma_wait3A_157 = tpu.memref_slice %arg5[%mul3A_146] : memref<320000xi32, #tpu.memory_space<hbm>> -> memref<80xi32, #tpu.memory_space<hbm>>
            tpu.wait_dma2 semaphore(%run_scoped3A_153 : memref<!tpu.dma_semaphore, #tpu.memory_space<semaphore_mem>>) src(%dma_wait3A_157 : memref<80xi32, #tpu.memory_space<hbm>>) dst(%arg19 : memref<80xi32, #tpu.memory_space<vmem>>)
            tpu.yield
          }) : () -> ()
          %dma_start3A_147 = arith.constant 0 : i32
          %dma_start3A_148 = arith.constant 0 : i32
          %dma_start3A_149 = tpu.memref_slice %arg2[%dma_start3A_147, %dma_start3A_148] : memref<10000x128xf32, #tpu.memory_space<hbm>> -> memref<10000x128xf32, #tpu.memory_space<hbm>>
          tpu.enqueue_indirect_dma source(%dma_start3A_149 : memref<10000x128xf32, #tpu.memory_space<hbm>>) target(%arg23 : memref<80x128xf32, #tpu.memory_space<vmem>>) offsets(%arg15 : memref<80xi32, #tpu.memory_space<vmem>>) semaphore(%arg35 : memref<!tpu.dma_semaphore, #tpu.memory_space<semaphore_mem>>)
          %dma_start3A_150 = arith.constant 0 : i32
          %dma_start3A_151 = arith.constant 0 : i32
          %dma_start3A_152 = tpu.memref_slice %arg3[%dma_start3A_150, %dma_start3A_151] : memref<10000x128xf32, #tpu.memory_space<hbm>> -> memref<10000x128xf32, #tpu.memory_space<hbm>>
          tpu.enqueue_indirect_dma source(%dma_start3A_152 : memref<10000x128xf32, #tpu.memory_space<hbm>>) target(%arg27 : memref<80x128xf32, #tpu.memory_space<vmem>>) offsets(%arg19 : memref<80xi32, #tpu.memory_space<vmem>>) semaphore(%arg35 : memref<!tpu.dma_semaphore, #tpu.memory_space<semaphore_mem>>)
        } else {
        }
      } else {
      }
      %add3A_86 = arith.constant 2 : i32
      %add3A_87 = arith.addi %add3A_74, %add3A_86 : i32
      %lt3A_88 = arith.constant 125 : i32
      %lt3A_89 = arith.cmpi slt, %add3A_87, %lt3A_88 : i32
      %convert_element_type3A_90 = arith.extui %lt3A_89 : i1 to i32
      %cond3A_91 = arith.constant 0 : i32
      %cond3A_92 = arith.cmpi ne, %convert_element_type3A_90, %cond3A_91 : i32
      scf.if %cond3A_92 {
        %dma_wait3A_100 = arith.constant 0 : i32
        %dma_wait3A_101 = arith.constant 0 : i32
        %dma_wait3A_102 = tpu.memref_slice %arg2[%dma_wait3A_100, %dma_wait3A_101] : memref<10000x128xf32, #tpu.memory_space<hbm>> -> memref<10000x128xf32, #tpu.memory_space<hbm>>
        tpu.wait_indirect_dma semaphore(%arg36 : memref<!tpu.dma_semaphore, #tpu.memory_space<semaphore_mem>>) src(%dma_wait3A_102 : memref<10000x128xf32, #tpu.memory_space<hbm>>) dst(%arg24 : memref<80x128xf32, #tpu.memory_space<vmem>>)
        %dma_wait3A_103 = arith.constant 0 : i32
        %dma_wait3A_104 = arith.constant 0 : i32
        %dma_wait3A_105 = tpu.memref_slice %arg3[%dma_wait3A_103, %dma_wait3A_104] : memref<10000x128xf32, #tpu.memory_space<hbm>> -> memref<10000x128xf32, #tpu.memory_space<hbm>>
        tpu.wait_indirect_dma semaphore(%arg36 : memref<!tpu.dma_semaphore, #tpu.memory_space<semaphore_mem>>) src(%dma_wait3A_105 : memref<10000x128xf32, #tpu.memory_space<hbm>>) dst(%arg28 : memref<80x128xf32, #tpu.memory_space<vmem>>)
        %scan3A_106 = arith.constant 0 : i32
        %scan3A_107 = arith.constant 5 : i32
        %scan3A_108 = arith.addi %scan3A_106, %scan3A_107 : i32
        %scan3A_109 = arith.constant 1 : i32
        scf.for %scan3A_140 = %scan3A_106 to %scan3A_108 step %scan3A_109  : i32 {
          %mul3A_141 = arith.constant 16 : i32
          %mul3A_142 = arith.muli %scan3A_140, %mul3A_141 : i32
          %add3A_143 = arith.constant 0 : i32
          %add3A_144 = arith.addi %add3A_143, %mul3A_142 : i32
          %get3A = arith.index_cast %add3A_144 : i32 to index
          %get3A_145 = tpu.vector_load %arg16[%get3A] {strides = array<i32>} : memref<80xi32, #tpu.memory_space<vmem>>, vector<16xi32>,
          %get3A_146 = arith.index_cast %add3A_144 : i32 to index
          %get3A_147 = tpu.vector_load %arg20[%get3A_146] {strides = array<i32>} : memref<80xi32, #tpu.memory_space<vmem>>, vector<16xi32>,
          %gather3A = tpu.vector_load_idx %arg10[%get3A_145] : memref<10000xf32, #tpu.memory_space<vmem>>[vector<16xi32>], vector<16xf32>,
          %gather3A_148 = tpu.vector_load_idx %arg10[%get3A_147] : memref<10000xf32, #tpu.memory_space<vmem>>[vector<16xi32>], vector<16xf32>,
          %sub3A = arith.subf %gather3A, %gather3A_148 : vector<16xf32>
          %gather3A_149 = tpu.vector_load_idx %arg11[%get3A_145] : memref<10000xf32, #tpu.memory_space<vmem>>[vector<16xi32>], vector<16xf32>,
          %gather3A_150 = tpu.vector_load_idx %arg11[%get3A_147] : memref<10000xf32, #tpu.memory_space<vmem>>[vector<16xi32>], vector<16xf32>,
          %sub3A_151 = arith.subf %gather3A_149, %gather3A_150 : vector<16xf32>
          %mul3A_152 = arith.mulf %sub3A, %sub3A : vector<16xf32>
          %mul3A_153 = arith.mulf %sub3A_151, %sub3A_151 : vector<16xf32>
          %add3A_154 = arith.addf %mul3A_152, %mul3A_153 : vector<16xf32>
          %swap3A = arith.index_cast %add3A_144 : i32 to index
          %swap3A_155 = tpu.vector_load %arg32[%swap3A] {strides = array<i32>} : memref<80xf32, #tpu.memory_space<vmem>>, vector<16xf32>,
          tpu.vector_store %arg32[%swap3A], %add3A_154 {strides = array<i32>} : memref<80xf32, #tpu.memory_space<vmem>>, vector<16xf32>,
        }
        %scan3A_110 = arith.constant 5 : i32
        %ge3A = arith.constant 2 : i32
        %ge3A_111 = arith.cmpi sge, %add3A_87, %ge3A : i32
        %convert_element_type3A_112 = arith.extui %ge3A_111 : i1 to i32
        %cond3A_113 = arith.constant 0 : i32
        %cond3A_114 = arith.cmpi ne, %convert_element_type3A_112, %cond3A_113 : i32
        scf.if %cond3A_114 {
          %sub3A = arith.constant 2 : i32
          %sub3A_140 = arith.subi %add3A_87, %sub3A : i32
          %mul3A_141 = arith.constant 32 : i32
          %mul3A_142 = arith.muli %sub3A_140, %mul3A_141 : i32
          %add3A_143 = arith.addi %mul3A_142, %add3A : i32
          %mul3A_144 = arith.constant 80 : i32
          %mul3A_145 = arith.muli %add3A_143, %mul3A_144 : i32
          %dma_wait3A_146 = arith.constant 0 : i32
          %dma_wait3A_147 = arith.constant 0 : i32
          %dma_wait3A_148 = tpu.memref_slice %arg8[%mul3A_145, %dma_wait3A_147] : memref<320000x128xf32, #tpu.memory_space<hbm>> -> memref<80x128xf32, #tpu.memory_space<hbm>>
          %dma_wait3A_149 = arith.constant 0 : i32
          %dma_wait3A_150 = arith.constant 0 : i32
          %dma_wait3A_151 = tpu.memref_slice %arg13[%arg1, %dma_wait3A_146, %dma_wait3A_149, %dma_wait3A_150] : memref<16x2x80x128xf32, #tpu.memory_space<vmem_shared>> -> memref<1x1x80x128xf32, #tpu.memory_space<vmem_shared>>
          %dma_wait3A_152 = tpu.memref_squeeze %dma_wait3A_151 : memref<1x1x80x128xf32, #tpu.memory_space<vmem_shared>> -> memref<80x128xf32, #tpu.memory_space<vmem_shared>>
          tpu.wait_dma2 semaphore(%arg38 : memref<!tpu.dma_semaphore, #tpu.memory_space<semaphore_mem>>) src(%dma_wait3A_152 : memref<80x128xf32, #tpu.memory_space<vmem_shared>>) dst(%dma_wait3A_148 : memref<80x128xf32, #tpu.memory_space<hbm>>)
        } else {
        }
        %run_scoped3A = arith.constant 0 : i32
        "tpu.region"() ({
          %run_scoped3A_140 = tpu.sem_alloc : memref<!tpu.dma_semaphore, #tpu.memory_space<semaphore_mem>>
          %dma_start3A_141 = arith.constant 0 : i32
          %dma_start3A_142 = arith.constant 0 : i32
          %dma_start3A_143 = tpu.memref_slice %arg13[%arg1, %run_scoped3A, %dma_start3A_141, %dma_start3A_142] : memref<16x2x80x128xf32, #tpu.memory_space<vmem_shared>> -> memref<1x1x80x128xf32, #tpu.memory_space<vmem_shared>>
          %dma_start3A_144 = tpu.memref_squeeze %dma_start3A_143 : memref<1x1x80x128xf32, #tpu.memory_space<vmem_shared>> -> memref<80x128xf32, #tpu.memory_space<vmem_shared>>
          %dma_start3A_145 = arith.constant 0 : i32
          %dma_start3A_146 = arith.constant 0 : i32
          %dma_start3A_147 = tpu.memref_slice %arg13[%arg1, %run_scoped3A, %dma_start3A_145, %dma_start3A_146] : memref<16x2x80x128xf32, #tpu.memory_space<vmem_shared>> -> memref<1x1x80x128xf32, #tpu.memory_space<vmem_shared>>
          %dma_start3A_148 = tpu.memref_squeeze %dma_start3A_147 : memref<1x1x80x128xf32, #tpu.memory_space<vmem_shared>> -> memref<80x128xf32, #tpu.memory_space<vmem_shared>>
          tpu.enqueue_dma source(%arg24 : memref<80x128xf32, #tpu.memory_space<vmem>>) target(%dma_start3A_148 : memref<80x128xf32, #tpu.memory_space<vmem_shared>>) target_semaphore(%run_scoped3A_140 : memref<!tpu.dma_semaphore, #tpu.memory_space<semaphore_mem>>)
          %dma_wait3A_149 = arith.constant 0 : i32
          %dma_wait3A_150 = arith.constant 0 : i32
          %dma_wait3A_151 = tpu.memref_slice %arg13[%arg1, %run_scoped3A, %dma_wait3A_149, %dma_wait3A_150] : memref<16x2x80x128xf32, #tpu.memory_space<vmem_shared>> -> memref<1x1x80x128xf32, #tpu.memory_space<vmem_shared>>
          %dma_wait3A_152 = tpu.memref_squeeze %dma_wait3A_151 : memref<1x1x80x128xf32, #tpu.memory_space<vmem_shared>> -> memref<80x128xf32, #tpu.memory_space<vmem_shared>>
          %dma_wait3A_153 = arith.constant 0 : i32
          %dma_wait3A_154 = arith.constant 0 : i32
          %dma_wait3A_155 = tpu.memref_slice %arg13[%arg1, %run_scoped3A, %dma_wait3A_153, %dma_wait3A_154] : memref<16x2x80x128xf32, #tpu.memory_space<vmem_shared>> -> memref<1x1x80x128xf32, #tpu.memory_space<vmem_shared>>
          %dma_wait3A_156 = tpu.memref_squeeze %dma_wait3A_155 : memref<1x1x80x128xf32, #tpu.memory_space<vmem_shared>> -> memref<80x128xf32, #tpu.memory_space<vmem_shared>>
          tpu.wait_dma2 semaphore(%run_scoped3A_140 : memref<!tpu.dma_semaphore, #tpu.memory_space<semaphore_mem>>) src(%arg24 : memref<80x128xf32, #tpu.memory_space<vmem>>) dst(%dma_wait3A_156 : memref<80x128xf32, #tpu.memory_space<vmem_shared>>)
          tpu.yield
        }) : () -> ()
        %run_scoped3A_115 = arith.constant 0 : i32
        "tpu.region"() ({
          %run_scoped3A_140 = tpu.sem_alloc : memref<!tpu.dma_semaphore, #tpu.memory_space<semaphore_mem>>
          %dma_start3A_141 = arith.constant 0 : i32
          %dma_start3A_142 = arith.constant 0 : i32
          %dma_start3A_143 = tpu.memref_slice %arg13[%arg1, %run_scoped3A_115, %dma_start3A_141, %dma_start3A_142] : memref<16x2x80x128xf32, #tpu.memory_space<vmem_shared>> -> memref<1x1x80x128xf32, #tpu.memory_space<vmem_shared>>
          %dma_start3A_144 = tpu.memref_squeeze %dma_start3A_143 : memref<1x1x80x128xf32, #tpu.memory_space<vmem_shared>> -> memref<80x128xf32, #tpu.memory_space<vmem_shared>>
          %dma_start3A_145 = arith.constant 0 : i32
          %dma_start3A_146 = arith.constant 0 : i32
          %dma_start3A_147 = tpu.memref_slice %dma_start3A_144[%dma_start3A_145, %dma_start3A_146] : memref<80x128xf32, #tpu.memory_space<vmem_shared>> -> memref<80x128xf32, #tpu.memory_space<vmem_shared>>
          tpu.enqueue_indirect_dma source(%arg28 : memref<80x128xf32, #tpu.memory_space<vmem>>) target(%dma_start3A_147 : memref<80x128xf32, #tpu.memory_space<vmem_shared>>) offsets(%arg12 : memref<80xi32, #tpu.memory_space<vmem>>) semaphore(%run_scoped3A_140 : memref<!tpu.dma_semaphore, #tpu.memory_space<semaphore_mem>>) {add = true}
          %dma_wait3A_148 = arith.constant 0 : i32
          %dma_wait3A_149 = arith.constant 0 : i32
          %dma_wait3A_150 = tpu.memref_slice %arg13[%arg1, %run_scoped3A_115, %dma_wait3A_148, %dma_wait3A_149] : memref<16x2x80x128xf32, #tpu.memory_space<vmem_shared>> -> memref<1x1x80x128xf32, #tpu.memory_space<vmem_shared>>
          %dma_wait3A_151 = tpu.memref_squeeze %dma_wait3A_150 : memref<1x1x80x128xf32, #tpu.memory_space<vmem_shared>> -> memref<80x128xf32, #tpu.memory_space<vmem_shared>>
          %dma_wait3A_152 = arith.constant 0 : i32
          %dma_wait3A_153 = arith.constant 0 : i32
          %dma_wait3A_154 = tpu.memref_slice %dma_wait3A_151[%dma_wait3A_152, %dma_wait3A_153] : memref<80x128xf32, #tpu.memory_space<vmem_shared>> -> memref<80x128xf32, #tpu.memory_space<vmem_shared>>
          tpu.wait_indirect_dma semaphore(%run_scoped3A_140 : memref<!tpu.dma_semaphore, #tpu.memory_space<semaphore_mem>>) src(%arg28 : memref<80x128xf32, #tpu.memory_space<vmem>>) dst(%dma_wait3A_154 : memref<80x128xf32, #tpu.memory_space<vmem_shared>>)
          tpu.yield
        }) : () -> ()
        %mul3A_116 = arith.constant 32 : i32
        %mul3A_117 = arith.muli %add3A_87, %mul3A_116 : i32
        %add3A_118 = arith.addi %mul3A_117, %add3A : i32
        %mul3A_119 = arith.constant 80 : i32
        %mul3A_120 = arith.muli %add3A_118, %mul3A_119 : i32
        %dma_start3A_121 = arith.constant 0 : i32
        %dma_start3A_122 = arith.constant 0 : i32
        %dma_start3A_123 = tpu.memref_slice %arg8[%mul3A_120, %dma_start3A_122] : memref<320000x128xf32, #tpu.memory_space<hbm>> -> memref<80x128xf32, #tpu.memory_space<hbm>>
        %dma_start3A_124 = arith.constant 0 : i32
        %dma_start3A_125 = arith.constant 0 : i32
        %dma_start3A_126 = tpu.memref_slice %arg13[%arg1, %dma_start3A_121, %dma_start3A_124, %dma_start3A_125] : memref<16x2x80x128xf32, #tpu.memory_space<vmem_shared>> -> memref<1x1x80x128xf32, #tpu.memory_space<vmem_shared>>
        %dma_start3A_127 = tpu.memref_squeeze %dma_start3A_126 : memref<1x1x80x128xf32, #tpu.memory_space<vmem_shared>> -> memref<80x128xf32, #tpu.memory_space<vmem_shared>>
        tpu.enqueue_dma source(%dma_start3A_127 : memref<80x128xf32, #tpu.memory_space<vmem_shared>>) target(%dma_start3A_123 : memref<80x128xf32, #tpu.memory_space<hbm>>) target_semaphore(%arg38 : memref<!tpu.dma_semaphore, #tpu.memory_space<semaphore_mem>>)
        %mul3A_128 = arith.constant 32 : i32
        %mul3A_129 = arith.muli %add3A_87, %mul3A_128 : i32
        %add3A_130 = arith.addi %mul3A_129, %add3A : i32
        %mul3A_131 = arith.constant 80 : i32
        %mul3A_132 = arith.muli %add3A_130, %mul3A_131 : i32
        "tpu.region"() ({
          %run_scoped3A_140 = tpu.sem_alloc : memref<!tpu.dma_semaphore, #tpu.memory_space<semaphore_mem>>
          %dma_start3A_141 = tpu.memref_slice %arg9[%mul3A_132] : memref<320000xf32, #tpu.memory_space<hbm>> -> memref<80xf32, #tpu.memory_space<hbm>>
          %dma_start3A_142 = tpu.memref_slice %arg9[%mul3A_132] : memref<320000xf32, #tpu.memory_space<hbm>> -> memref<80xf32, #tpu.memory_space<hbm>>
          tpu.enqueue_dma source(%arg32 : memref<80xf32, #tpu.memory_space<vmem>>) target(%dma_start3A_142 : memref<80xf32, #tpu.memory_space<hbm>>) target_semaphore(%run_scoped3A_140 : memref<!tpu.dma_semaphore, #tpu.memory_space<semaphore_mem>>)
          %dma_wait3A_143 = tpu.memref_slice %arg9[%mul3A_132] : memref<320000xf32, #tpu.memory_space<hbm>> -> memref<80xf32, #tpu.memory_space<hbm>>
          %dma_wait3A_144 = tpu.memref_slice %arg9[%mul3A_132] : memref<320000xf32, #tpu.memory_space<hbm>> -> memref<80xf32, #tpu.memory_space<hbm>>
          tpu.wait_dma2 semaphore(%run_scoped3A_140 : memref<!tpu.dma_semaphore, #tpu.memory_space<semaphore_mem>>) src(%arg32 : memref<80xf32, #tpu.memory_space<vmem>>) dst(%dma_wait3A_144 : memref<80xf32, #tpu.memory_space<hbm>>)
          tpu.yield
        }) : () -> ()
        %add3A_133 = arith.constant 4 : i32
        %add3A_134 = arith.addi %add3A_87, %add3A_133 : i32
        %lt3A_135 = arith.constant 125 : i32
        %lt3A_136 = arith.cmpi slt, %add3A_134, %lt3A_135 : i32
        %convert_element_type3A_137 = arith.extui %lt3A_136 : i1 to i32
        %cond3A_138 = arith.constant 0 : i32
        %cond3A_139 = arith.cmpi ne, %convert_element_type3A_137, %cond3A_138 : i32
        scf.if %cond3A_139 {
          %add3A_140 = arith.constant 4 : i32
          %add3A_141 = arith.addi %add3A_87, %add3A_140 : i32
          %mul3A_142 = arith.constant 32 : i32
          %mul3A_143 = arith.muli %add3A_141, %mul3A_142 : i32
          %add3A_144 = arith.addi %mul3A_143, %add3A : i32
          %mul3A_145 = arith.constant 80 : i32
          %mul3A_146 = arith.muli %add3A_144, %mul3A_145 : i32
          "tpu.region"() ({
            %run_scoped3A_153 = tpu.sem_alloc : memref<!tpu.dma_semaphore, #tpu.memory_space<semaphore_mem>>
            %dma_start3A_154 = tpu.memref_slice %arg4[%mul3A_146] : memref<320000xi32, #tpu.memory_space<hbm>> -> memref<80xi32, #tpu.memory_space<hbm>>
            %dma_start3A_155 = tpu.memref_slice %arg4[%mul3A_146] : memref<320000xi32, #tpu.memory_space<hbm>> -> memref<80xi32, #tpu.memory_space<hbm>>
            tpu.enqueue_dma source(%dma_start3A_155 : memref<80xi32, #tpu.memory_space<hbm>>) target(%arg16 : memref<80xi32, #tpu.memory_space<vmem>>) target_semaphore(%run_scoped3A_153 : memref<!tpu.dma_semaphore, #tpu.memory_space<semaphore_mem>>)
            %dma_wait3A_156 = tpu.memref_slice %arg4[%mul3A_146] : memref<320000xi32, #tpu.memory_space<hbm>> -> memref<80xi32, #tpu.memory_space<hbm>>
            %dma_wait3A_157 = tpu.memref_slice %arg4[%mul3A_146] : memref<320000xi32, #tpu.memory_space<hbm>> -> memref<80xi32, #tpu.memory_space<hbm>>
            tpu.wait_dma2 semaphore(%run_scoped3A_153 : memref<!tpu.dma_semaphore, #tpu.memory_space<semaphore_mem>>) src(%dma_wait3A_157 : memref<80xi32, #tpu.memory_space<hbm>>) dst(%arg16 : memref<80xi32, #tpu.memory_space<vmem>>)
            tpu.yield
          }) : () -> ()
          "tpu.region"() ({
            %run_scoped3A_153 = tpu.sem_alloc : memref<!tpu.dma_semaphore, #tpu.memory_space<semaphore_mem>>
            %dma_start3A_154 = tpu.memref_slice %arg5[%mul3A_146] : memref<320000xi32, #tpu.memory_space<hbm>> -> memref<80xi32, #tpu.memory_space<hbm>>
            %dma_start3A_155 = tpu.memref_slice %arg5[%mul3A_146] : memref<320000xi32, #tpu.memory_space<hbm>> -> memref<80xi32, #tpu.memory_space<hbm>>
            tpu.enqueue_dma source(%dma_start3A_155 : memref<80xi32, #tpu.memory_space<hbm>>) target(%arg20 : memref<80xi32, #tpu.memory_space<vmem>>) target_semaphore(%run_scoped3A_153 : memref<!tpu.dma_semaphore, #tpu.memory_space<semaphore_mem>>)
            %dma_wait3A_156 = tpu.memref_slice %arg5[%mul3A_146] : memref<320000xi32, #tpu.memory_space<hbm>> -> memref<80xi32, #tpu.memory_space<hbm>>
            %dma_wait3A_157 = tpu.memref_slice %arg5[%mul3A_146] : memref<320000xi32, #tpu.memory_space<hbm>> -> memref<80xi32, #tpu.memory_space<hbm>>
            tpu.wait_dma2 semaphore(%run_scoped3A_153 : memref<!tpu.dma_semaphore, #tpu.memory_space<semaphore_mem>>) src(%dma_wait3A_157 : memref<80xi32, #tpu.memory_space<hbm>>) dst(%arg20 : memref<80xi32, #tpu.memory_space<vmem>>)
            tpu.yield
          }) : () -> ()
          %dma_start3A_147 = arith.constant 0 : i32
          %dma_start3A_148 = arith.constant 0 : i32
          %dma_start3A_149 = tpu.memref_slice %arg2[%dma_start3A_147, %dma_start3A_148] : memref<10000x128xf32, #tpu.memory_space<hbm>> -> memref<10000x128xf32, #tpu.memory_space<hbm>>
          tpu.enqueue_indirect_dma source(%dma_start3A_149 : memref<10000x128xf32, #tpu.memory_space<hbm>>) target(%arg24 : memref<80x128xf32, #tpu.memory_space<vmem>>) offsets(%arg16 : memref<80xi32, #tpu.memory_space<vmem>>) semaphore(%arg36 : memref<!tpu.dma_semaphore, #tpu.memory_space<semaphore_mem>>)
          %dma_start3A_150 = arith.constant 0 : i32
          %dma_start3A_151 = arith.constant 0 : i32
          %dma_start3A_152 = tpu.memref_slice %arg3[%dma_start3A_150, %dma_start3A_151] : memref<10000x128xf32, #tpu.memory_space<hbm>> -> memref<10000x128xf32, #tpu.memory_space<hbm>>
          tpu.enqueue_indirect_dma source(%dma_start3A_152 : memref<10000x128xf32, #tpu.memory_space<hbm>>) target(%arg28 : memref<80x128xf32, #tpu.memory_space<vmem>>) offsets(%arg20 : memref<80xi32, #tpu.memory_space<vmem>>) semaphore(%arg36 : memref<!tpu.dma_semaphore, #tpu.memory_space<semaphore_mem>>)
        } else {
        }
      } else {
      }
      %add3A_93 = arith.constant 3 : i32
      %add3A_94 = arith.addi %add3A_74, %add3A_93 : i32
      %lt3A_95 = arith.constant 125 : i32
      %lt3A_96 = arith.cmpi slt, %add3A_94, %lt3A_95 : i32
      %convert_element_type3A_97 = arith.extui %lt3A_96 : i1 to i32
      %cond3A_98 = arith.constant 0 : i32
      %cond3A_99 = arith.cmpi ne, %convert_element_type3A_97, %cond3A_98 : i32
      scf.if %cond3A_99 {
        %dma_wait3A_100 = arith.constant 0 : i32
        %dma_wait3A_101 = arith.constant 0 : i32
        %dma_wait3A_102 = tpu.memref_slice %arg2[%dma_wait3A_100, %dma_wait3A_101] : memref<10000x128xf32, #tpu.memory_space<hbm>> -> memref<10000x128xf32, #tpu.memory_space<hbm>>
        tpu.wait_indirect_dma semaphore(%arg37 : memref<!tpu.dma_semaphore, #tpu.memory_space<semaphore_mem>>) src(%dma_wait3A_102 : memref<10000x128xf32, #tpu.memory_space<hbm>>) dst(%arg25 : memref<80x128xf32, #tpu.memory_space<vmem>>)
        %dma_wait3A_103 = arith.constant 0 : i32
        %dma_wait3A_104 = arith.constant 0 : i32
        %dma_wait3A_105 = tpu.memref_slice %arg3[%dma_wait3A_103, %dma_wait3A_104] : memref<10000x128xf32, #tpu.memory_space<hbm>> -> memref<10000x128xf32, #tpu.memory_space<hbm>>
        tpu.wait_indirect_dma semaphore(%arg37 : memref<!tpu.dma_semaphore, #tpu.memory_space<semaphore_mem>>) src(%dma_wait3A_105 : memref<10000x128xf32, #tpu.memory_space<hbm>>) dst(%arg29 : memref<80x128xf32, #tpu.memory_space<vmem>>)
        %scan3A_106 = arith.constant 0 : i32
        %scan3A_107 = arith.constant 5 : i32
        %scan3A_108 = arith.addi %scan3A_106, %scan3A_107 : i32
        %scan3A_109 = arith.constant 1 : i32
        scf.for %scan3A_140 = %scan3A_106 to %scan3A_108 step %scan3A_109  : i32 {
          %mul3A_141 = arith.constant 16 : i32
          %mul3A_142 = arith.muli %scan3A_140, %mul3A_141 : i32
          %add3A_143 = arith.constant 0 : i32
          %add3A_144 = arith.addi %add3A_143, %mul3A_142 : i32
          %get3A = arith.index_cast %add3A_144 : i32 to index
          %get3A_145 = tpu.vector_load %arg17[%get3A] {strides = array<i32>} : memref<80xi32, #tpu.memory_space<vmem>>, vector<16xi32>,
          %get3A_146 = arith.index_cast %add3A_144 : i32 to index
          %get3A_147 = tpu.vector_load %arg21[%get3A_146] {strides = array<i32>} : memref<80xi32, #tpu.memory_space<vmem>>, vector<16xi32>,
          %gather3A = tpu.vector_load_idx %arg10[%get3A_145] : memref<10000xf32, #tpu.memory_space<vmem>>[vector<16xi32>], vector<16xf32>,
          %gather3A_148 = tpu.vector_load_idx %arg10[%get3A_147] : memref<10000xf32, #tpu.memory_space<vmem>>[vector<16xi32>], vector<16xf32>,
          %sub3A = arith.subf %gather3A, %gather3A_148 : vector<16xf32>
          %gather3A_149 = tpu.vector_load_idx %arg11[%get3A_145] : memref<10000xf32, #tpu.memory_space<vmem>>[vector<16xi32>], vector<16xf32>,
          %gather3A_150 = tpu.vector_load_idx %arg11[%get3A_147] : memref<10000xf32, #tpu.memory_space<vmem>>[vector<16xi32>], vector<16xf32>,
          %sub3A_151 = arith.subf %gather3A_149, %gather3A_150 : vector<16xf32>
          %mul3A_152 = arith.mulf %sub3A, %sub3A : vector<16xf32>
          %mul3A_153 = arith.mulf %sub3A_151, %sub3A_151 : vector<16xf32>
          %add3A_154 = arith.addf %mul3A_152, %mul3A_153 : vector<16xf32>
          %swap3A = arith.index_cast %add3A_144 : i32 to index
          %swap3A_155 = tpu.vector_load %arg33[%swap3A] {strides = array<i32>} : memref<80xf32, #tpu.memory_space<vmem>>, vector<16xf32>,
          tpu.vector_store %arg33[%swap3A], %add3A_154 {strides = array<i32>} : memref<80xf32, #tpu.memory_space<vmem>>, vector<16xf32>,
        }
        %scan3A_110 = arith.constant 5 : i32
        %ge3A = arith.constant 2 : i32
        %ge3A_111 = arith.cmpi sge, %add3A_94, %ge3A : i32
        %convert_element_type3A_112 = arith.extui %ge3A_111 : i1 to i32
        %cond3A_113 = arith.constant 0 : i32
        %cond3A_114 = arith.cmpi ne, %convert_element_type3A_112, %cond3A_113 : i32
        scf.if %cond3A_114 {
          %sub3A = arith.constant 2 : i32
          %sub3A_140 = arith.subi %add3A_94, %sub3A : i32
          %mul3A_141 = arith.constant 32 : i32
          %mul3A_142 = arith.muli %sub3A_140, %mul3A_141 : i32
          %add3A_143 = arith.addi %mul3A_142, %add3A : i32
          %mul3A_144 = arith.constant 80 : i32
          %mul3A_145 = arith.muli %add3A_143, %mul3A_144 : i32
          %dma_wait3A_146 = arith.constant 1 : i32
          %dma_wait3A_147 = arith.constant 0 : i32
          %dma_wait3A_148 = tpu.memref_slice %arg8[%mul3A_145, %dma_wait3A_147] : memref<320000x128xf32, #tpu.memory_space<hbm>> -> memref<80x128xf32, #tpu.memory_space<hbm>>
          %dma_wait3A_149 = arith.constant 0 : i32
          %dma_wait3A_150 = arith.constant 0 : i32
          %dma_wait3A_151 = tpu.memref_slice %arg13[%arg1, %dma_wait3A_146, %dma_wait3A_149, %dma_wait3A_150] : memref<16x2x80x128xf32, #tpu.memory_space<vmem_shared>> -> memref<1x1x80x128xf32, #tpu.memory_space<vmem_shared>>
          %dma_wait3A_152 = tpu.memref_squeeze %dma_wait3A_151 : memref<1x1x80x128xf32, #tpu.memory_space<vmem_shared>> -> memref<80x128xf32, #tpu.memory_space<vmem_shared>>
          tpu.wait_dma2 semaphore(%arg39 : memref<!tpu.dma_semaphore, #tpu.memory_space<semaphore_mem>>) src(%dma_wait3A_152 : memref<80x128xf32, #tpu.memory_space<vmem_shared>>) dst(%dma_wait3A_148 : memref<80x128xf32, #tpu.memory_space<hbm>>)
        } else {
        }
        %run_scoped3A = arith.constant 1 : i32
        "tpu.region"() ({
          %run_scoped3A_140 = tpu.sem_alloc : memref<!tpu.dma_semaphore, #tpu.memory_space<semaphore_mem>>
          %dma_start3A_141 = arith.constant 0 : i32
          %dma_start3A_142 = arith.constant 0 : i32
          %dma_start3A_143 = tpu.memref_slice %arg13[%arg1, %run_scoped3A, %dma_start3A_141, %dma_start3A_142] : memref<16x2x80x128xf32, #tpu.memory_space<vmem_shared>> -> memref<1x1x80x128xf32, #tpu.memory_space<vmem_shared>>
          %dma_start3A_144 = tpu.memref_squeeze %dma_start3A_143 : memref<1x1x80x128xf32, #tpu.memory_space<vmem_shared>> -> memref<80x128xf32, #tpu.memory_space<vmem_shared>>
          %dma_start3A_145 = arith.constant 0 : i32
          %dma_start3A_146 = arith.constant 0 : i32
          %dma_start3A_147 = tpu.memref_slice %arg13[%arg1, %run_scoped3A, %dma_start3A_145, %dma_start3A_146] : memref<16x2x80x128xf32, #tpu.memory_space<vmem_shared>> -> memref<1x1x80x128xf32, #tpu.memory_space<vmem_shared>>
          %dma_start3A_148 = tpu.memref_squeeze %dma_start3A_147 : memref<1x1x80x128xf32, #tpu.memory_space<vmem_shared>> -> memref<80x128xf32, #tpu.memory_space<vmem_shared>>
          tpu.enqueue_dma source(%arg25 : memref<80x128xf32, #tpu.memory_space<vmem>>) target(%dma_start3A_148 : memref<80x128xf32, #tpu.memory_space<vmem_shared>>) target_semaphore(%run_scoped3A_140 : memref<!tpu.dma_semaphore, #tpu.memory_space<semaphore_mem>>)
          %dma_wait3A_149 = arith.constant 0 : i32
          %dma_wait3A_150 = arith.constant 0 : i32
          %dma_wait3A_151 = tpu.memref_slice %arg13[%arg1, %run_scoped3A, %dma_wait3A_149, %dma_wait3A_150] : memref<16x2x80x128xf32, #tpu.memory_space<vmem_shared>> -> memref<1x1x80x128xf32, #tpu.memory_space<vmem_shared>>
          %dma_wait3A_152 = tpu.memref_squeeze %dma_wait3A_151 : memref<1x1x80x128xf32, #tpu.memory_space<vmem_shared>> -> memref<80x128xf32, #tpu.memory_space<vmem_shared>>
          %dma_wait3A_153 = arith.constant 0 : i32
          %dma_wait3A_154 = arith.constant 0 : i32
          %dma_wait3A_155 = tpu.memref_slice %arg13[%arg1, %run_scoped3A, %dma_wait3A_153, %dma_wait3A_154] : memref<16x2x80x128xf32, #tpu.memory_space<vmem_shared>> -> memref<1x1x80x128xf32, #tpu.memory_space<vmem_shared>>
          %dma_wait3A_156 = tpu.memref_squeeze %dma_wait3A_155 : memref<1x1x80x128xf32, #tpu.memory_space<vmem_shared>> -> memref<80x128xf32, #tpu.memory_space<vmem_shared>>
          tpu.wait_dma2 semaphore(%run_scoped3A_140 : memref<!tpu.dma_semaphore, #tpu.memory_space<semaphore_mem>>) src(%arg25 : memref<80x128xf32, #tpu.memory_space<vmem>>) dst(%dma_wait3A_156 : memref<80x128xf32, #tpu.memory_space<vmem_shared>>)
          tpu.yield
        }) : () -> ()
        %run_scoped3A_115 = arith.constant 1 : i32
        "tpu.region"() ({
          %run_scoped3A_140 = tpu.sem_alloc : memref<!tpu.dma_semaphore, #tpu.memory_space<semaphore_mem>>
          %dma_start3A_141 = arith.constant 0 : i32
          %dma_start3A_142 = arith.constant 0 : i32
          %dma_start3A_143 = tpu.memref_slice %arg13[%arg1, %run_scoped3A_115, %dma_start3A_141, %dma_start3A_142] : memref<16x2x80x128xf32, #tpu.memory_space<vmem_shared>> -> memref<1x1x80x128xf32, #tpu.memory_space<vmem_shared>>
          %dma_start3A_144 = tpu.memref_squeeze %dma_start3A_143 : memref<1x1x80x128xf32, #tpu.memory_space<vmem_shared>> -> memref<80x128xf32, #tpu.memory_space<vmem_shared>>
          %dma_start3A_145 = arith.constant 0 : i32
          %dma_start3A_146 = arith.constant 0 : i32
          %dma_start3A_147 = tpu.memref_slice %dma_start3A_144[%dma_start3A_145, %dma_start3A_146] : memref<80x128xf32, #tpu.memory_space<vmem_shared>> -> memref<80x128xf32, #tpu.memory_space<vmem_shared>>
          tpu.enqueue_indirect_dma source(%arg29 : memref<80x128xf32, #tpu.memory_space<vmem>>) target(%dma_start3A_147 : memref<80x128xf32, #tpu.memory_space<vmem_shared>>) offsets(%arg12 : memref<80xi32, #tpu.memory_space<vmem>>) semaphore(%run_scoped3A_140 : memref<!tpu.dma_semaphore, #tpu.memory_space<semaphore_mem>>) {add = true}
          %dma_wait3A_148 = arith.constant 0 : i32
          %dma_wait3A_149 = arith.constant 0 : i32
          %dma_wait3A_150 = tpu.memref_slice %arg13[%arg1, %run_scoped3A_115, %dma_wait3A_148, %dma_wait3A_149] : memref<16x2x80x128xf32, #tpu.memory_space<vmem_shared>> -> memref<1x1x80x128xf32, #tpu.memory_space<vmem_shared>>
          %dma_wait3A_151 = tpu.memref_squeeze %dma_wait3A_150 : memref<1x1x80x128xf32, #tpu.memory_space<vmem_shared>> -> memref<80x128xf32, #tpu.memory_space<vmem_shared>>
          %dma_wait3A_152 = arith.constant 0 : i32
          %dma_wait3A_153 = arith.constant 0 : i32
          %dma_wait3A_154 = tpu.memref_slice %dma_wait3A_151[%dma_wait3A_152, %dma_wait3A_153] : memref<80x128xf32, #tpu.memory_space<vmem_shared>> -> memref<80x128xf32, #tpu.memory_space<vmem_shared>>
          tpu.wait_indirect_dma semaphore(%run_scoped3A_140 : memref<!tpu.dma_semaphore, #tpu.memory_space<semaphore_mem>>) src(%arg29 : memref<80x128xf32, #tpu.memory_space<vmem>>) dst(%dma_wait3A_154 : memref<80x128xf32, #tpu.memory_space<vmem_shared>>)
          tpu.yield
        }) : () -> ()
        %mul3A_116 = arith.constant 32 : i32
        %mul3A_117 = arith.muli %add3A_94, %mul3A_116 : i32
        %add3A_118 = arith.addi %mul3A_117, %add3A : i32
        %mul3A_119 = arith.constant 80 : i32
        %mul3A_120 = arith.muli %add3A_118, %mul3A_119 : i32
        %dma_start3A_121 = arith.constant 1 : i32
        %dma_start3A_122 = arith.constant 0 : i32
        %dma_start3A_123 = tpu.memref_slice %arg8[%mul3A_120, %dma_start3A_122] : memref<320000x128xf32, #tpu.memory_space<hbm>> -> memref<80x128xf32, #tpu.memory_space<hbm>>
        %dma_start3A_124 = arith.constant 0 : i32
        %dma_start3A_125 = arith.constant 0 : i32
        %dma_start3A_126 = tpu.memref_slice %arg13[%arg1, %dma_start3A_121, %dma_start3A_124, %dma_start3A_125] : memref<16x2x80x128xf32, #tpu.memory_space<vmem_shared>> -> memref<1x1x80x128xf32, #tpu.memory_space<vmem_shared>>
        %dma_start3A_127 = tpu.memref_squeeze %dma_start3A_126 : memref<1x1x80x128xf32, #tpu.memory_space<vmem_shared>> -> memref<80x128xf32, #tpu.memory_space<vmem_shared>>
        tpu.enqueue_dma source(%dma_start3A_127 : memref<80x128xf32, #tpu.memory_space<vmem_shared>>) target(%dma_start3A_123 : memref<80x128xf32, #tpu.memory_space<hbm>>) target_semaphore(%arg39 : memref<!tpu.dma_semaphore, #tpu.memory_space<semaphore_mem>>)
        %mul3A_128 = arith.constant 32 : i32
        %mul3A_129 = arith.muli %add3A_94, %mul3A_128 : i32
        %add3A_130 = arith.addi %mul3A_129, %add3A : i32
        %mul3A_131 = arith.constant 80 : i32
        %mul3A_132 = arith.muli %add3A_130, %mul3A_131 : i32
        "tpu.region"() ({
          %run_scoped3A_140 = tpu.sem_alloc : memref<!tpu.dma_semaphore, #tpu.memory_space<semaphore_mem>>
          %dma_start3A_141 = tpu.memref_slice %arg9[%mul3A_132] : memref<320000xf32, #tpu.memory_space<hbm>> -> memref<80xf32, #tpu.memory_space<hbm>>
          %dma_start3A_142 = tpu.memref_slice %arg9[%mul3A_132] : memref<320000xf32, #tpu.memory_space<hbm>> -> memref<80xf32, #tpu.memory_space<hbm>>
          tpu.enqueue_dma source(%arg33 : memref<80xf32, #tpu.memory_space<vmem>>) target(%dma_start3A_142 : memref<80xf32, #tpu.memory_space<hbm>>) target_semaphore(%run_scoped3A_140 : memref<!tpu.dma_semaphore, #tpu.memory_space<semaphore_mem>>)
          %dma_wait3A_143 = tpu.memref_slice %arg9[%mul3A_132] : memref<320000xf32, #tpu.memory_space<hbm>> -> memref<80xf32, #tpu.memory_space<hbm>>
          %dma_wait3A_144 = tpu.memref_slice %arg9[%mul3A_132] : memref<320000xf32, #tpu.memory_space<hbm>> -> memref<80xf32, #tpu.memory_space<hbm>>
          tpu.wait_dma2 semaphore(%run_scoped3A_140 : memref<!tpu.dma_semaphore, #tpu.memory_space<semaphore_mem>>) src(%arg33 : memref<80xf32, #tpu.memory_space<vmem>>) dst(%dma_wait3A_144 : memref<80xf32, #tpu.memory_space<hbm>>)
          tpu.yield
        }) : () -> ()
        %add3A_133 = arith.constant 4 : i32
        %add3A_134 = arith.addi %add3A_94, %add3A_133 : i32
        %lt3A_135 = arith.constant 125 : i32
        %lt3A_136 = arith.cmpi slt, %add3A_134, %lt3A_135 : i32
        %convert_element_type3A_137 = arith.extui %lt3A_136 : i1 to i32
        %cond3A_138 = arith.constant 0 : i32
        %cond3A_139 = arith.cmpi ne, %convert_element_type3A_137, %cond3A_138 : i32
        scf.if %cond3A_139 {
          %add3A_140 = arith.constant 4 : i32
          %add3A_141 = arith.addi %add3A_94, %add3A_140 : i32
          %mul3A_142 = arith.constant 32 : i32
          %mul3A_143 = arith.muli %add3A_141, %mul3A_142 : i32
          %add3A_144 = arith.addi %mul3A_143, %add3A : i32
          %mul3A_145 = arith.constant 80 : i32
          %mul3A_146 = arith.muli %add3A_144, %mul3A_145 : i32
          "tpu.region"() ({
            %run_scoped3A_153 = tpu.sem_alloc : memref<!tpu.dma_semaphore, #tpu.memory_space<semaphore_mem>>
            %dma_start3A_154 = tpu.memref_slice %arg4[%mul3A_146] : memref<320000xi32, #tpu.memory_space<hbm>> -> memref<80xi32, #tpu.memory_space<hbm>>
            %dma_start3A_155 = tpu.memref_slice %arg4[%mul3A_146] : memref<320000xi32, #tpu.memory_space<hbm>> -> memref<80xi32, #tpu.memory_space<hbm>>
            tpu.enqueue_dma source(%dma_start3A_155 : memref<80xi32, #tpu.memory_space<hbm>>) target(%arg17 : memref<80xi32, #tpu.memory_space<vmem>>) target_semaphore(%run_scoped3A_153 : memref<!tpu.dma_semaphore, #tpu.memory_space<semaphore_mem>>)
            %dma_wait3A_156 = tpu.memref_slice %arg4[%mul3A_146] : memref<320000xi32, #tpu.memory_space<hbm>> -> memref<80xi32, #tpu.memory_space<hbm>>
            %dma_wait3A_157 = tpu.memref_slice %arg4[%mul3A_146] : memref<320000xi32, #tpu.memory_space<hbm>> -> memref<80xi32, #tpu.memory_space<hbm>>
            tpu.wait_dma2 semaphore(%run_scoped3A_153 : memref<!tpu.dma_semaphore, #tpu.memory_space<semaphore_mem>>) src(%dma_wait3A_157 : memref<80xi32, #tpu.memory_space<hbm>>) dst(%arg17 : memref<80xi32, #tpu.memory_space<vmem>>)
            tpu.yield
          }) : () -> ()
          "tpu.region"() ({
            %run_scoped3A_153 = tpu.sem_alloc : memref<!tpu.dma_semaphore, #tpu.memory_space<semaphore_mem>>
            %dma_start3A_154 = tpu.memref_slice %arg5[%mul3A_146] : memref<320000xi32, #tpu.memory_space<hbm>> -> memref<80xi32, #tpu.memory_space<hbm>>
            %dma_start3A_155 = tpu.memref_slice %arg5[%mul3A_146] : memref<320000xi32, #tpu.memory_space<hbm>> -> memref<80xi32, #tpu.memory_space<hbm>>
            tpu.enqueue_dma source(%dma_start3A_155 : memref<80xi32, #tpu.memory_space<hbm>>) target(%arg21 : memref<80xi32, #tpu.memory_space<vmem>>) target_semaphore(%run_scoped3A_153 : memref<!tpu.dma_semaphore, #tpu.memory_space<semaphore_mem>>)
            %dma_wait3A_156 = tpu.memref_slice %arg5[%mul3A_146] : memref<320000xi32, #tpu.memory_space<hbm>> -> memref<80xi32, #tpu.memory_space<hbm>>
            %dma_wait3A_157 = tpu.memref_slice %arg5[%mul3A_146] : memref<320000xi32, #tpu.memory_space<hbm>> -> memref<80xi32, #tpu.memory_space<hbm>>
            tpu.wait_dma2 semaphore(%run_scoped3A_153 : memref<!tpu.dma_semaphore, #tpu.memory_space<semaphore_mem>>) src(%dma_wait3A_157 : memref<80xi32, #tpu.memory_space<hbm>>) dst(%arg21 : memref<80xi32, #tpu.memory_space<vmem>>)
            tpu.yield
          }) : () -> ()
          %dma_start3A_147 = arith.constant 0 : i32
          %dma_start3A_148 = arith.constant 0 : i32
          %dma_start3A_149 = tpu.memref_slice %arg2[%dma_start3A_147, %dma_start3A_148] : memref<10000x128xf32, #tpu.memory_space<hbm>> -> memref<10000x128xf32, #tpu.memory_space<hbm>>
          tpu.enqueue_indirect_dma source(%dma_start3A_149 : memref<10000x128xf32, #tpu.memory_space<hbm>>) target(%arg25 : memref<80x128xf32, #tpu.memory_space<vmem>>) offsets(%arg17 : memref<80xi32, #tpu.memory_space<vmem>>) semaphore(%arg37 : memref<!tpu.dma_semaphore, #tpu.memory_space<semaphore_mem>>)
          %dma_start3A_150 = arith.constant 0 : i32
          %dma_start3A_151 = arith.constant 0 : i32
          %dma_start3A_152 = tpu.memref_slice %arg3[%dma_start3A_150, %dma_start3A_151] : memref<10000x128xf32, #tpu.memory_space<hbm>> -> memref<10000x128xf32, #tpu.memory_space<hbm>>
          tpu.enqueue_indirect_dma source(%dma_start3A_152 : memref<10000x128xf32, #tpu.memory_space<hbm>>) target(%arg29 : memref<80x128xf32, #tpu.memory_space<vmem>>) offsets(%arg21 : memref<80xi32, #tpu.memory_space<vmem>>) semaphore(%arg37 : memref<!tpu.dma_semaphore, #tpu.memory_space<semaphore_mem>>)
        } else {
        }
      } else {
      }
    }
    %scan3A_48 = arith.constant 32 : i32
    %add3A_49 = arith.constant 3936 : i32
    %add3A_50 = arith.addi %add3A_49, %add3A : i32
    %mul3A_51 = arith.constant 80 : i32
    %mul3A_52 = arith.muli %add3A_50, %mul3A_51 : i32
    %dma_wait3A = arith.constant 1 : i32
    %dma_wait3A_53 = arith.constant 0 : i32
    %dma_wait3A_54 = tpu.memref_slice %arg8[%mul3A_52, %dma_wait3A_53] : memref<320000x128xf32, #tpu.memory_space<hbm>> -> memref<80x128xf32, #tpu.memory_space<hbm>>
    %dma_wait3A_55 = arith.constant 0 : i32
    %dma_wait3A_56 = arith.constant 0 : i32
    %dma_wait3A_57 = tpu.memref_slice %arg13[%arg1, %dma_wait3A, %dma_wait3A_55, %dma_wait3A_56] : memref<16x2x80x128xf32, #tpu.memory_space<vmem_shared>> -> memref<1x1x80x128xf32, #tpu.memory_space<vmem_shared>>
    %dma_wait3A_58 = tpu.memref_squeeze %dma_wait3A_57 : memref<1x1x80x128xf32, #tpu.memory_space<vmem_shared>> -> memref<80x128xf32, #tpu.memory_space<vmem_shared>>
    tpu.wait_dma2 semaphore(%arg39 : memref<!tpu.dma_semaphore, #tpu.memory_space<semaphore_mem>>) src(%dma_wait3A_58 : memref<80x128xf32, #tpu.memory_space<vmem_shared>>) dst(%dma_wait3A_54 : memref<80x128xf32, #tpu.memory_space<hbm>>)
    %add3A_59 = arith.constant 3968 : i32
    %add3A_60 = arith.addi %add3A_59, %add3A : i32
    %mul3A_61 = arith.constant 80 : i32
    %mul3A_62 = arith.muli %add3A_60, %mul3A_61 : i32
    %dma_wait3A_63 = arith.constant 0 : i32
    %dma_wait3A_64 = arith.constant 0 : i32
    %dma_wait3A_65 = tpu.memref_slice %arg8[%mul3A_62, %dma_wait3A_64] : memref<320000x128xf32, #tpu.memory_space<hbm>> -> memref<80x128xf32, #tpu.memory_space<hbm>>
    %dma_wait3A_66 = arith.constant 0 : i32
    %dma_wait3A_67 = arith.constant 0 : i32
    %dma_wait3A_68 = tpu.memref_slice %arg13[%arg1, %dma_wait3A_63, %dma_wait3A_66, %dma_wait3A_67] : memref<16x2x80x128xf32, #tpu.memory_space<vmem_shared>> -> memref<1x1x80x128xf32, #tpu.memory_space<vmem_shared>>
    %dma_wait3A_69 = tpu.memref_squeeze %dma_wait3A_68 : memref<1x1x80x128xf32, #tpu.memory_space<vmem_shared>> -> memref<80x128xf32, #tpu.memory_space<vmem_shared>>
    tpu.wait_dma2 semaphore(%arg38 : memref<!tpu.dma_semaphore, #tpu.memory_space<semaphore_mem>>) src(%dma_wait3A_69 : memref<80x128xf32, #tpu.memory_space<vmem_shared>>) dst(%dma_wait3A_65 : memref<80x128xf32, #tpu.memory_space<hbm>>)
    return
  }
}

module attributes {stable_mosaic.version = 14 : i64} {
  func.func @_prep_body(%arg0: i32, %arg1: memref<2000x128xf32, #tpu.memory_space<vmem>>, %arg2: memref<128x128xf32, #tpu.memory_space<vmem>>, %arg3: memref<1x128xf32, #tpu.memory_space<vmem>>, %arg4: memref<128x128xf32, #tpu.memory_space<vmem>>, %arg5: memref<128x128xf32, #tpu.memory_space<vmem>>, %arg6: memref<1x128xf32, #tpu.memory_space<vmem>>, %arg7: memref<2000x128xf32, #tpu.memory_space<vmem>>, %arg8: memref<2000x128xf32, #tpu.memory_space<vmem>>, %arg9: memref<2000x128xf32, #tpu.memory_space<vmem>>) attributes {dimension_semantics = [#tpu.dimension_semantics<arbitrary>], iteration_bounds = array<i64: 5>, scalar_prefetch = 0 : i64, scratch_operands = 0 : i64, tpu.core_type = #tpu.core_type<tc>, window_params = [{transform_indices = @transform_0, window_bounds = array<i64: 2000, 128>}, {pipeline_mode = #tpu.pipeline_mode<synchronous>, transform_indices = @transform_1, window_bounds = array<i64: 128, 128>}, {pipeline_mode = #tpu.pipeline_mode<synchronous>, transform_indices = @transform_2, window_bounds = array<i64: 1, 128>}, {pipeline_mode = #tpu.pipeline_mode<synchronous>, transform_indices = @transform_3, window_bounds = array<i64: 128, 128>}, {pipeline_mode = #tpu.pipeline_mode<synchronous>, transform_indices = @transform_4, window_bounds = array<i64: 128, 128>}, {pipeline_mode = #tpu.pipeline_mode<synchronous>, transform_indices = @transform_5, window_bounds = array<i64: 1, 128>}, {transform_indices = @transform_6, window_bounds = array<i64: 2000, 128>}, {transform_indices = @transform_7, window_bounds = array<i64: 2000, 128>}, {transform_indices = @transform_8, window_bounds = array<i64: 2000, 128>}]} {
    %get3A = arith.constant 0 : index
    %get3A_0 = arith.constant 0 : index
    %get3A_1 = vector.load %arg1[%get3A, %get3A_0] : memref<2000x128xf32, #tpu.memory_space<vmem>>, vector<2000x128xf32>
    %get3A_2 = arith.constant 0 : index
    %get3A_3 = arith.constant 0 : index
    %get3A_4 = vector.load %arg2[%get3A_2, %get3A_3] : memref<128x128xf32, #tpu.memory_space<vmem>>, vector<128x128xf32>
    %dot_general3A = arith.constant dense<0.000000e+00> : vector<2000x128xf32>
    %dot_general3A_5 = tpu.matmul %get3A_1, %get3A_4, %dot_general3A {dimension_numbers = #tpu.dot_dimension_numbers<[1], [0], [0], [1], [0, 0, 1, 1], [], []>, transpose_lhs_hint = false} : vector<2000x128xf32>, vector<128x128xf32>, vector<2000x128xf32> -> vector<2000x128xf32>
    %get3A_6 = arith.constant 0 : index
    %get3A_7 = arith.constant 0 : index
    %get3A_8 = vector.load %arg3[%get3A_6, %get3A_7] : memref<1x128xf32, #tpu.memory_space<vmem>>, vector<1x128xf32>
    %add3A = vector.broadcast %get3A_8 : vector<1x128xf32> to vector<2000x128xf32>
    %add3A_9 = arith.addf %dot_general3A_5, %add3A : vector<2000x128xf32>
    %swap3A = arith.constant 0 : index
    %swap3A_10 = arith.constant 0 : index
    %swap3A_11 = vector.load %arg7[%swap3A, %swap3A_10] : memref<2000x128xf32, #tpu.memory_space<vmem>>, vector<2000x128xf32>
    tpu.vector_store %arg7[%swap3A, %swap3A_10], %add3A_9 {strides = array<i32>} : memref<2000x128xf32, #tpu.memory_space<vmem>>, vector<2000x128xf32>,
    %get3A_12 = arith.constant 0 : index
    %get3A_13 = arith.constant 0 : index
    %get3A_14 = vector.load %arg4[%get3A_12, %get3A_13] : memref<128x128xf32, #tpu.memory_space<vmem>>, vector<128x128xf32>
    %dot_general3A_15 = arith.constant dense<0.000000e+00> : vector<2000x128xf32>
    %dot_general3A_16 = tpu.matmul %add3A_9, %get3A_14, %dot_general3A_15 {dimension_numbers = #tpu.dot_dimension_numbers<[1], [0], [0], [1], [0, 0, 1, 1], [], []>, transpose_lhs_hint = false} : vector<2000x128xf32>, vector<128x128xf32>, vector<2000x128xf32> -> vector<2000x128xf32>
    %swap3A_17 = arith.constant 0 : index
    %swap3A_18 = arith.constant 0 : index
    %swap3A_19 = vector.load %arg8[%swap3A_17, %swap3A_18] : memref<2000x128xf32, #tpu.memory_space<vmem>>, vector<2000x128xf32>
    tpu.vector_store %arg8[%swap3A_17, %swap3A_18], %dot_general3A_16 {strides = array<i32>} : memref<2000x128xf32, #tpu.memory_space<vmem>>, vector<2000x128xf32>,
    %get3A_20 = arith.constant 0 : index
    %get3A_21 = arith.constant 0 : index
    %get3A_22 = vector.load %arg5[%get3A_20, %get3A_21] : memref<128x128xf32, #tpu.memory_space<vmem>>, vector<128x128xf32>
    %dot_general3A_23 = arith.constant dense<0.000000e+00> : vector<2000x128xf32>
    %dot_general3A_24 = tpu.matmul %add3A_9, %get3A_22, %dot_general3A_23 {dimension_numbers = #tpu.dot_dimension_numbers<[1], [0], [0], [1], [0, 0, 1, 1], [], []>, transpose_lhs_hint = false} : vector<2000x128xf32>, vector<128x128xf32>, vector<2000x128xf32> -> vector<2000x128xf32>
    %get3A_25 = arith.constant 0 : index
    %get3A_26 = arith.constant 0 : index
    %get3A_27 = vector.load %arg6[%get3A_25, %get3A_26] : memref<1x128xf32, #tpu.memory_space<vmem>>, vector<1x128xf32>
    %add3A_28 = vector.broadcast %get3A_27 : vector<1x128xf32> to vector<2000x128xf32>
    %add3A_29 = arith.addf %dot_general3A_24, %add3A_28 : vector<2000x128xf32>
    %swap3A_30 = arith.constant 0 : index
    %swap3A_31 = arith.constant 0 : index
    %swap3A_32 = vector.load %arg9[%swap3A_30, %swap3A_31] : memref<2000x128xf32, #tpu.memory_space<vmem>>, vector<2000x128xf32>
    tpu.vector_store %arg9[%swap3A_30, %swap3A_31], %add3A_29 {strides = array<i32>} : memref<2000x128xf32, #tpu.memory_space<vmem>>, vector<2000x128xf32>,
    return
  }
  func.func @transform_0(%arg0: i32) -> (i32, i32) {
    %c0_i32 = arith.constant 0 : i32
    %c0_i32_0 = arith.constant 0 : i32
    return %arg0, %c0_i32 : i32, i32
  }
  func.func @transform_1(%arg0: i32) -> (i32, i32) {
    %c0_i32 = arith.constant 0 : i32
    %c0_i32_0 = arith.constant 0 : i32
    %c0_i32_1 = arith.constant 0 : i32
    return %c0_i32, %c0_i32_0 : i32, i32
  }
  func.func @transform_2(%arg0: i32) -> (i32, i32) {
    %c0_i32 = arith.constant 0 : i32
    %c0_i32_0 = arith.constant 0 : i32
    %c0_i32_1 = arith.constant 0 : i32
    return %c0_i32, %c0_i32_0 : i32, i32
  }
  func.func @transform_3(%arg0: i32) -> (i32, i32) {
    %c0_i32 = arith.constant 0 : i32
    %c0_i32_0 = arith.constant 0 : i32
    %c0_i32_1 = arith.constant 0 : i32
    return %c0_i32, %c0_i32_0 : i32, i32
  }
  func.func @transform_4(%arg0: i32) -> (i32, i32) {
    %c0_i32 = arith.constant 0 : i32
    %c0_i32_0 = arith.constant 0 : i32
    %c0_i32_1 = arith.constant 0 : i32
    return %c0_i32, %c0_i32_0 : i32, i32
  }
  func.func @transform_5(%arg0: i32) -> (i32, i32) {
    %c0_i32 = arith.constant 0 : i32
    %c0_i32_0 = arith.constant 0 : i32
    %c0_i32_1 = arith.constant 0 : i32
    return %c0_i32, %c0_i32_0 : i32, i32
  }
  func.func @transform_6(%arg0: i32) -> (i32, i32) {
    %c0_i32 = arith.constant 0 : i32
    %c0_i32_0 = arith.constant 0 : i32
    return %arg0, %c0_i32 : i32, i32
  }
  func.func @transform_7(%arg0: i32) -> (i32, i32) {
    %c0_i32 = arith.constant 0 : i32
    %c0_i32_0 = arith.constant 0 : i32
    return %arg0, %c0_i32 : i32, i32
  }
  func.func @transform_8(%arg0: i32) -> (i32, i32) {
    %c0_i32 = arith.constant 0 : i32
    %c0_i32_0 = arith.constant 0 : i32
    return %arg0, %c0_i32 : i32, i32
  }
}

module attributes {stable_mosaic.version = 14 : i64} {
  func.func @_edge_body(%arg0: i32, %arg1: memref<6400x128xf32, #tpu.memory_space<vmem>>, %arg2: memref<1x50x128xf32, #tpu.memory_space<vmem>>, %arg3: memref<128x128xf32, #tpu.memory_space<vmem>>, %arg4: memref<128x128xf32, #tpu.memory_space<vmem>>, %arg5: memref<1x128xf32, #tpu.memory_space<vmem>>, %arg6: memref<128x128xf32, #tpu.memory_space<vmem>>, %arg7: memref<1x1xf32, #tpu.memory_space<vmem>>, %arg8: memref<6400x128xf32, #tpu.memory_space<vmem>>) attributes {dimension_semantics = [#tpu.dimension_semantics<arbitrary>], iteration_bounds = array<i64: 50>, scalar_prefetch = 0 : i64, scratch_operands = 0 : i64, tpu.core_type = #tpu.core_type<tc>, window_params = [{transform_indices = @transform_0, window_bounds = array<i64: 6400, 128>}, {transform_indices = @transform_1, window_bounds = array<i64: 1, 50, 128>}, {pipeline_mode = #tpu.pipeline_mode<synchronous>, transform_indices = @transform_2, window_bounds = array<i64: 128, 128>}, {pipeline_mode = #tpu.pipeline_mode<synchronous>, transform_indices = @transform_3, window_bounds = array<i64: 128, 128>}, {pipeline_mode = #tpu.pipeline_mode<synchronous>, transform_indices = @transform_4, window_bounds = array<i64: 1, 128>}, {pipeline_mode = #tpu.pipeline_mode<synchronous>, transform_indices = @transform_5, window_bounds = array<i64: 128, 128>}, {pipeline_mode = #tpu.pipeline_mode<synchronous>, transform_indices = @transform_6, window_bounds = array<i64: 1, 1>}, {transform_indices = @transform_7, window_bounds = array<i64: 6400, 128>}]} {
    %get3A = arith.constant 0 : index
    %get3A_0 = arith.constant 0 : index
    %get3A_1 = arith.constant 0 : index
    %get3A_2 = vector.load %arg2[%get3A, %get3A_0, %get3A_1] : memref<1x50x128xf32, #tpu.memory_space<vmem>>, vector<1x50x128xf32>
    %get3A_3 = vector.shape_cast %get3A_2 : vector<1x50x128xf32> to vector<50x128xf32>
    %sqrt3A = math.sqrt %get3A_3 : vector<50x128xf32>
    %iota3A = tpu.iota {dimensions = array<i32: 0>} : vector<6400x50xi32>
    %iota3A_4 = tpu.iota {dimensions = array<i32: 1>} : vector<6400x50xi32>
    %jit3A = arith.constant 128 : i32
    %div3A = vector.broadcast %jit3A : i32 to vector<6400x50xi32>
    %div3A_5 = arith.divsi %iota3A, %div3A : vector<6400x50xi32>
    %sign3A = arith.constant 0 : i32
    %sign3A_6 = vector.broadcast %sign3A : i32 to vector<6400x50xi32>
    %sign3A_7 = arith.cmpi sgt, %iota3A, %sign3A_6 : vector<6400x50xi32>
    %sign3A_8 = arith.extui %sign3A_7 : vector<6400x50xi1> to vector<6400x50xi32>
    %sign3A_9 = arith.constant 0 : i32
    %sign3A_10 = vector.broadcast %sign3A_9 : i32 to vector<6400x50xi32>
    %sign3A_11 = arith.cmpi slt, %iota3A, %sign3A_10 : vector<6400x50xi32>
    %sign3A_12 = arith.extui %sign3A_11 : vector<6400x50xi1> to vector<6400x50xi32>
    %sign3A_13 = arith.subi %sign3A_8, %sign3A_12 : vector<6400x50xi32>
    %sign3A_14 = arith.constant 0 : i32
    %sign3A_15 = arith.cmpi sgt, %jit3A, %sign3A_14 : i32
    %sign3A_16 = arith.extui %sign3A_15 : i1 to i32
    %sign3A_17 = arith.constant 0 : i32
    %sign3A_18 = arith.cmpi slt, %jit3A, %sign3A_17 : i32
    %sign3A_19 = arith.extui %sign3A_18 : i1 to i32
    %sign3A_20 = arith.subi %sign3A_16, %sign3A_19 : i32
    %ne3A = vector.broadcast %sign3A_20 : i32 to vector<6400x50xi32>
    %ne3A_21 = arith.cmpi ne, %sign3A_13, %ne3A : vector<6400x50xi32>
    %rem3A = vector.broadcast %jit3A : i32 to vector<6400x50xi32>
    %rem3A_22 = arith.remsi %iota3A, %rem3A : vector<6400x50xi32>
    %ne3A_23 = arith.constant 0 : i32
    %ne3A_24 = vector.broadcast %ne3A_23 : i32 to vector<6400x50xi32>
    %ne3A_25 = arith.cmpi ne, %rem3A_22, %ne3A_24 : vector<6400x50xi32>
    %and3A = arith.andi %ne3A_21, %ne3A_25 : vector<6400x50xi1>
    %sub3A = arith.constant 1 : i32
    %sub3A_26 = vector.broadcast %sub3A : i32 to vector<6400x50xi32>
    %sub3A_27 = arith.subi %div3A_5, %sub3A_26 : vector<6400x50xi32>
    %select_n3A = arith.select %and3A, %sub3A_27, %div3A_5 : vector<6400x50xi1>, vector<6400x50xi32>
    %eq3A = arith.cmpi eq, %iota3A_4, %select_n3A : vector<6400x50xi32>
    %convert_element_type3A = arith.extui %eq3A : vector<6400x50xi1> to vector<6400x50xi32>
    %convert_element_type3A_28 = arith.sitofp %convert_element_type3A : vector<6400x50xi32> to vector<6400x50xf32>
    %dot_general3A = arith.constant dense<0.000000e+00> : vector<6400x128xf32>
    %dot_general3A_29 = tpu.matmul %convert_element_type3A_28, %sqrt3A, %dot_general3A {dimension_numbers = #tpu.dot_dimension_numbers<[1], [0], [0], [1], [0, 0, 1, 1], [], []>, transpose_lhs_hint = false} : vector<6400x50xf32>, vector<50x128xf32>, vector<6400x128xf32> -> vector<6400x128xf32>
    %iota3A_30 = tpu.iota {dimensions = array<i32: 0>} : vector<6400x128xi32>
    %iota3A_31 = tpu.iota {dimensions = array<i32: 1>} : vector<6400x128xi32>
    %jit3A_32 = arith.constant 128 : i32
    %eq3A_33 = arith.constant 0 : i32
    %eq3A_34 = arith.cmpi eq, %jit3A_32, %eq3A_33 : i32
    %jit3A_35 = arith.constant 1 : i32
    %select_n3A_36 = arith.select %eq3A_34, %jit3A_35, %jit3A_32 : i32
    %rem3A_37 = vector.broadcast %select_n3A_36 : i32 to vector<6400x128xi32>
    %rem3A_38 = arith.remsi %iota3A_30, %rem3A_37 : vector<6400x128xi32>
    %ne3A_39 = arith.constant 0 : i32
    %ne3A_40 = vector.broadcast %ne3A_39 : i32 to vector<6400x128xi32>
    %ne3A_41 = arith.cmpi ne, %rem3A_38, %ne3A_40 : vector<6400x128xi32>
    %lt3A = arith.constant 0 : i32
    %lt3A_42 = vector.broadcast %lt3A : i32 to vector<6400x128xi32>
    %lt3A_43 = arith.cmpi slt, %rem3A_38, %lt3A_42 : vector<6400x128xi32>
    %lt3A_44 = arith.constant 0 : i32
    %lt3A_45 = arith.cmpi slt, %select_n3A_36, %lt3A_44 : i32
    %ne3A_46 = vector.broadcast %lt3A_45 : i1 to vector<6400x128xi1>
    %ne3A_47 = vector.broadcast %ne3A_46 : vector<6400x128xi1> to vector<6400x128xi1>
    %ne3A_48 = arith.xori %lt3A_43, %ne3A_47 : vector<6400x128xi1>
    %and3A_49 = arith.andi %ne3A_48, %ne3A_41 : vector<6400x128xi1>
    %add3A = vector.broadcast %select_n3A_36 : i32 to vector<6400x128xi32>
    %add3A_50 = arith.addi %rem3A_38, %add3A : vector<6400x128xi32>
    %select_n3A_51 = arith.select %and3A_49, %add3A_50, %rem3A_38 : vector<6400x128xi1>, vector<6400x128xi32>
    %eq3A_52 = arith.cmpi eq, %iota3A_31, %select_n3A_51 : vector<6400x128xi32>
    %jit3A_53 = arith.constant 0.000000e+00 : f32
    %broadcast_in_dim3A = vector.broadcast %jit3A_53 : f32 to vector<6400x128xf32>
    %select_n3A_54 = arith.select %eq3A_52, %dot_general3A_29, %broadcast_in_dim3A : vector<6400x128xi1>, vector<6400x128xf32>
    %get3A_55 = arith.constant 0 : index
    %get3A_56 = arith.constant 0 : index
    %get3A_57 = vector.load %arg3[%get3A_55, %get3A_56] : memref<128x128xf32, #tpu.memory_space<vmem>>, vector<128x128xf32>
    %dot_general3A_58 = arith.constant dense<0.000000e+00> : vector<6400x128xf32>
    %dot_general3A_59 = tpu.matmul %select_n3A_54, %get3A_57, %dot_general3A_58 {dimension_numbers = #tpu.dot_dimension_numbers<[1], [0], [0], [1], [0, 0, 1, 1], [], []>, transpose_lhs_hint = false} : vector<6400x128xf32>, vector<128x128xf32>, vector<6400x128xf32> -> vector<6400x128xf32>
    %get3A_60 = arith.constant 0 : index
    %get3A_61 = arith.constant 0 : index
    %get3A_62 = vector.load %arg1[%get3A_60, %get3A_61] : memref<6400x128xf32, #tpu.memory_space<vmem>>, vector<6400x128xf32>
    %add3A_63 = arith.addf %get3A_62, %dot_general3A_59 : vector<6400x128xf32>
    %convert_element_type3A_64 = arith.truncf %add3A_63 : vector<6400x128xf32> to vector<6400x128xbf16>
    %logistic3A = arith.negf %convert_element_type3A_64 : vector<6400x128xbf16>
    %logistic3A_65 = math.exp %logistic3A : vector<6400x128xbf16>
    %logistic3A_66 = arith.constant 1.000000e+00 : bf16
    %logistic3A_67 = vector.broadcast %logistic3A_66 : bf16 to vector<6400x128xbf16>
    %logistic3A_68 = arith.addf %logistic3A_67, %logistic3A_65 : vector<6400x128xbf16>
    %logistic3A_69 = arith.divf %logistic3A_67, %logistic3A_68 : vector<6400x128xbf16>
    %mul3A = arith.mulf %convert_element_type3A_64, %logistic3A_69 : vector<6400x128xbf16>
    %get3A_70 = arith.constant 0 : index
    %get3A_71 = arith.constant 0 : index
    %get3A_72 = vector.load %arg4[%get3A_70, %get3A_71] : memref<128x128xf32, #tpu.memory_space<vmem>>, vector<128x128xf32>
    %convert_element_type3A_73 = arith.truncf %get3A_72 : vector<128x128xf32> to vector<128x128xbf16>
    %dot_general3A_74 = arith.constant dense<0.000000e+00> : vector<6400x128xf32>
    %dot_general3A_75 = tpu.matmul %mul3A, %convert_element_type3A_73, %dot_general3A_74 {dimension_numbers = #tpu.dot_dimension_numbers<[1], [0], [0], [1], [0, 0, 1, 1], [], []>, transpose_lhs_hint = false} : vector<6400x128xbf16>, vector<128x128xbf16>, vector<6400x128xf32> -> vector<6400x128xf32>
    %get3A_76 = arith.constant 0 : index
    %get3A_77 = arith.constant 0 : index
    %get3A_78 = vector.load %arg5[%get3A_76, %get3A_77] : memref<1x128xf32, #tpu.memory_space<vmem>>, vector<1x128xf32>
    %add3A_79 = vector.broadcast %get3A_78 : vector<1x128xf32> to vector<6400x128xf32>
    %add3A_80 = arith.addf %dot_general3A_75, %add3A_79 : vector<6400x128xf32>
    %convert_element_type3A_81 = arith.truncf %add3A_80 : vector<6400x128xf32> to vector<6400x128xbf16>
    %logistic3A_82 = arith.negf %convert_element_type3A_81 : vector<6400x128xbf16>
    %logistic3A_83 = math.exp %logistic3A_82 : vector<6400x128xbf16>
    %logistic3A_84 = arith.constant 1.000000e+00 : bf16
    %logistic3A_85 = vector.broadcast %logistic3A_84 : bf16 to vector<6400x128xbf16>
    %logistic3A_86 = arith.addf %logistic3A_85, %logistic3A_83 : vector<6400x128xbf16>
    %logistic3A_87 = arith.divf %logistic3A_85, %logistic3A_86 : vector<6400x128xbf16>
    %mul3A_88 = arith.mulf %convert_element_type3A_81, %logistic3A_87 : vector<6400x128xbf16>
    %get3A_89 = arith.constant 0 : index
    %get3A_90 = arith.constant 0 : index
    %get3A_91 = vector.load %arg6[%get3A_89, %get3A_90] : memref<128x128xf32, #tpu.memory_space<vmem>>, vector<128x128xf32>
    %convert_element_type3A_92 = arith.truncf %get3A_91 : vector<128x128xf32> to vector<128x128xbf16>
    %dot_general3A_93 = arith.constant dense<0.000000e+00> : vector<6400x128xf32>
    %dot_general3A_94 = tpu.matmul %mul3A_88, %convert_element_type3A_92, %dot_general3A_93 {dimension_numbers = #tpu.dot_dimension_numbers<[1], [0], [0], [1], [0, 0, 1, 1], [], []>, transpose_lhs_hint = false} : vector<6400x128xbf16>, vector<128x128xbf16>, vector<6400x128xf32> -> vector<6400x128xf32>
    %get3A_95 = arith.constant 0 : index
    %get3A_96 = arith.constant 0 : index
    %get3A_97 = vector.load %arg7[%get3A_95, %get3A_96] : memref<1x1xf32, #tpu.memory_space<vmem>>, vector<1x1xf32>
    %add3A_98 = vector.broadcast %get3A_97 : vector<1x1xf32> to vector<6400x128xf32>
    %add3A_99 = arith.addf %dot_general3A_94, %add3A_98 : vector<6400x128xf32>
    %convert_element_type3A_100 = arith.truncf %add3A_99 : vector<6400x128xf32> to vector<6400x128xbf16>
    %logistic3A_101 = arith.negf %convert_element_type3A_100 : vector<6400x128xbf16>
    %logistic3A_102 = math.exp %logistic3A_101 : vector<6400x128xbf16>
    %logistic3A_103 = arith.constant 1.000000e+00 : bf16
    %logistic3A_104 = vector.broadcast %logistic3A_103 : bf16 to vector<6400x128xbf16>
    %logistic3A_105 = arith.addf %logistic3A_104, %logistic3A_102 : vector<6400x128xbf16>
    %logistic3A_106 = arith.divf %logistic3A_104, %logistic3A_105 : vector<6400x128xbf16>
    %mul3A_107 = arith.mulf %logistic3A_106, %mul3A_88 : vector<6400x128xbf16>
    %convert_element_type3A_108 = arith.extf %mul3A_107 : vector<6400x128xbf16> to vector<6400x128xf32>
    %swap3A = arith.constant 0 : index
    %swap3A_109 = arith.constant 0 : index
    %swap3A_110 = vector.load %arg8[%swap3A, %swap3A_109] : memref<6400x128xf32, #tpu.memory_space<vmem>>, vector<6400x128xf32>
    tpu.vector_store %arg8[%swap3A, %swap3A_109], %convert_element_type3A_108 {strides = array<i32>} : memref<6400x128xf32, #tpu.memory_space<vmem>>, vector<6400x128xf32>,
    return
  }
  func.func @transform_0(%arg0: i32) -> (i32, i32) {
    %c0_i32 = arith.constant 0 : i32
    %c0_i32_0 = arith.constant 0 : i32
    return %arg0, %c0_i32 : i32, i32
  }
  func.func @transform_1(%arg0: i32) -> (i32, i32, i32) {
    %c0_i32 = arith.constant 0 : i32
    %c0_i32_0 = arith.constant 0 : i32
    %c0_i32_1 = arith.constant 0 : i32
    return %arg0, %c0_i32, %c0_i32_0 : i32, i32, i32
  }
  func.func @transform_2(%arg0: i32) -> (i32, i32) {
    %c0_i32 = arith.constant 0 : i32
    %c0_i32_0 = arith.constant 0 : i32
    %c0_i32_1 = arith.constant 0 : i32
    return %c0_i32, %c0_i32_0 : i32, i32
  }
  func.func @transform_3(%arg0: i32) -> (i32, i32) {
    %c0_i32 = arith.constant 0 : i32
    %c0_i32_0 = arith.constant 0 : i32
    %c0_i32_1 = arith.constant 0 : i32
    return %c0_i32, %c0_i32_0 : i32, i32
  }
  func.func @transform_4(%arg0: i32) -> (i32, i32) {
    %c0_i32 = arith.constant 0 : i32
    %c0_i32_0 = arith.constant 0 : i32
    %c0_i32_1 = arith.constant 0 : i32
    return %c0_i32, %c0_i32_0 : i32, i32
  }
  func.func @transform_5(%arg0: i32) -> (i32, i32) {
    %c0_i32 = arith.constant 0 : i32
    %c0_i32_0 = arith.constant 0 : i32
    %c0_i32_1 = arith.constant 0 : i32
    return %c0_i32, %c0_i32_0 : i32, i32
  }
  func.func @transform_6(%arg0: i32) -> (i32, i32) {
    %c0_i32 = arith.constant 0 : i32
    %c0_i32_0 = arith.constant 0 : i32
    %c0_i32_1 = arith.constant 0 : i32
    return %c0_i32, %c0_i32_0 : i32, i32
  }
  func.func @transform_7(%arg0: i32) -> (i32, i32) {
    %c0_i32 = arith.constant 0 : i32
    %c0_i32_0 = arith.constant 0 : i32
    return %arg0, %c0_i32 : i32, i32
  }
}

module attributes {stable_mosaic.version = 14 : i64} {
  func.func @_node_body(%arg0: i32, %arg1: memref<2000x128xf32, #tpu.memory_space<vmem>>, %arg2: memref<2x2000x128xf32, #tpu.memory_space<vmem>>, %arg3: memref<128x128xf32, #tpu.memory_space<vmem>>, %arg4: memref<128x128xf32, #tpu.memory_space<vmem>>, %arg5: memref<1x128xf32, #tpu.memory_space<vmem>>, %arg6: memref<128x128xf32, #tpu.memory_space<vmem>>, %arg7: memref<1x128xf32, #tpu.memory_space<vmem>>, %arg8: memref<128x128xf32, #tpu.memory_space<vmem>>, %arg9: memref<1x128xf32, #tpu.memory_space<vmem>>, %arg10: memref<1x128xf32, #tpu.memory_space<vmem>>, %arg11: memref<1x1xf32, #tpu.memory_space<vmem>>, %arg12: memref<2000x1xf32, #tpu.memory_space<vmem>>) attributes {dimension_semantics = [#tpu.dimension_semantics<arbitrary>], iteration_bounds = array<i64: 5>, scalar_prefetch = 0 : i64, scratch_operands = 0 : i64, tpu.core_type = #tpu.core_type<tc>, window_params = [{transform_indices = @transform_0, window_bounds = array<i64: 2000, 128>}, {transform_indices = @transform_1, window_bounds = array<i64: 2, 2000, 128>}, {pipeline_mode = #tpu.pipeline_mode<synchronous>, transform_indices = @transform_2, window_bounds = array<i64: 128, 128>}, {pipeline_mode = #tpu.pipeline_mode<synchronous>, transform_indices = @transform_3, window_bounds = array<i64: 128, 128>}, {pipeline_mode = #tpu.pipeline_mode<synchronous>, transform_indices = @transform_4, window_bounds = array<i64: 1, 128>}, {pipeline_mode = #tpu.pipeline_mode<synchronous>, transform_indices = @transform_5, window_bounds = array<i64: 128, 128>}, {pipeline_mode = #tpu.pipeline_mode<synchronous>, transform_indices = @transform_6, window_bounds = array<i64: 1, 128>}, {pipeline_mode = #tpu.pipeline_mode<synchronous>, transform_indices = @transform_7, window_bounds = array<i64: 128, 128>}, {pipeline_mode = #tpu.pipeline_mode<synchronous>, transform_indices = @transform_8, window_bounds = array<i64: 1, 128>}, {pipeline_mode = #tpu.pipeline_mode<synchronous>, transform_indices = @transform_9, window_bounds = array<i64: 1, 128>}, {pipeline_mode = #tpu.pipeline_mode<synchronous>, transform_indices = @transform_10, window_bounds = array<i64: 1, 1>}, {transform_indices = @transform_11, window_bounds = array<i64: 2000, 1>}]} {
    %get3A = arith.constant 0 : index
    %get3A_0 = arith.constant 0 : index
    %get3A_1 = vector.load %arg1[%get3A, %get3A_0] : memref<2000x128xf32, #tpu.memory_space<vmem>>, vector<2000x128xf32>
    %get3A_2 = arith.constant 0 : index
    %get3A_3 = arith.constant 0 : index
    %get3A_4 = arith.constant 0 : index
    %get3A_5 = vector.load %arg2[%get3A_2, %get3A_3, %get3A_4] : memref<2x2000x128xf32, #tpu.memory_space<vmem>>, vector<1x2000x128xf32>
    %get3A_6 = vector.shape_cast %get3A_5 : vector<1x2000x128xf32> to vector<2000x128xf32>
    %get3A_7 = arith.constant 1 : index
    %get3A_8 = arith.constant 0 : index
    %get3A_9 = arith.constant 0 : index
    %get3A_10 = vector.load %arg2[%get3A_7, %get3A_8, %get3A_9] : memref<2x2000x128xf32, #tpu.memory_space<vmem>>, vector<1x2000x128xf32>
    %get3A_11 = vector.shape_cast %get3A_10 : vector<1x2000x128xf32> to vector<2000x128xf32>
    %add3A = arith.addf %get3A_6, %get3A_11 : vector<2000x128xf32>
    %get3A_12 = arith.constant 0 : index
    %get3A_13 = arith.constant 0 : index
    %get3A_14 = vector.load %arg3[%get3A_12, %get3A_13] : memref<128x128xf32, #tpu.memory_space<vmem>>, vector<128x128xf32>
    %dot_general3A = arith.constant dense<0.000000e+00> : vector<2000x128xf32>
    %dot_general3A_15 = tpu.matmul %get3A_1, %get3A_14, %dot_general3A {dimension_numbers = #tpu.dot_dimension_numbers<[1], [0], [0], [1], [0, 0, 1, 1], [], []>, transpose_lhs_hint = false} : vector<2000x128xf32>, vector<128x128xf32>, vector<2000x128xf32> -> vector<2000x128xf32>
    %get3A_16 = arith.constant 0 : index
    %get3A_17 = arith.constant 0 : index
    %get3A_18 = vector.load %arg4[%get3A_16, %get3A_17] : memref<128x128xf32, #tpu.memory_space<vmem>>, vector<128x128xf32>
    %dot_general3A_19 = arith.constant dense<0.000000e+00> : vector<2000x128xf32>
    %dot_general3A_20 = tpu.matmul %add3A, %get3A_18, %dot_general3A_19 {dimension_numbers = #tpu.dot_dimension_numbers<[1], [0], [0], [1], [0, 0, 1, 1], [], []>, transpose_lhs_hint = false} : vector<2000x128xf32>, vector<128x128xf32>, vector<2000x128xf32> -> vector<2000x128xf32>
    %add3A_21 = arith.addf %dot_general3A_15, %dot_general3A_20 : vector<2000x128xf32>
    %get3A_22 = arith.constant 0 : index
    %get3A_23 = arith.constant 0 : index
    %get3A_24 = vector.load %arg5[%get3A_22, %get3A_23] : memref<1x128xf32, #tpu.memory_space<vmem>>, vector<1x128xf32>
    %add3A_25 = vector.broadcast %get3A_24 : vector<1x128xf32> to vector<2000x128xf32>
    %add3A_26 = arith.addf %add3A_21, %add3A_25 : vector<2000x128xf32>
    %logistic3A = arith.negf %add3A_26 : vector<2000x128xf32>
    %logistic3A_27 = math.exp %logistic3A : vector<2000x128xf32>
    %logistic3A_28 = arith.constant 1.000000e+00 : f32
    %logistic3A_29 = vector.broadcast %logistic3A_28 : f32 to vector<2000x128xf32>
    %logistic3A_30 = arith.addf %logistic3A_29, %logistic3A_27 : vector<2000x128xf32>
    %logistic3A_31 = arith.divf %logistic3A_29, %logistic3A_30 : vector<2000x128xf32>
    %mul3A = arith.mulf %add3A_26, %logistic3A_31 : vector<2000x128xf32>
    %get3A_32 = arith.constant 0 : index
    %get3A_33 = arith.constant 0 : index
    %get3A_34 = vector.load %arg6[%get3A_32, %get3A_33] : memref<128x128xf32, #tpu.memory_space<vmem>>, vector<128x128xf32>
    %dot_general3A_35 = arith.constant dense<0.000000e+00> : vector<2000x128xf32>
    %dot_general3A_36 = tpu.matmul %mul3A, %get3A_34, %dot_general3A_35 {dimension_numbers = #tpu.dot_dimension_numbers<[1], [0], [0], [1], [0, 0, 1, 1], [], []>, transpose_lhs_hint = false} : vector<2000x128xf32>, vector<128x128xf32>, vector<2000x128xf32> -> vector<2000x128xf32>
    %add3A_37 = arith.addf %get3A_1, %dot_general3A_36 : vector<2000x128xf32>
    %get3A_38 = arith.constant 0 : index
    %get3A_39 = arith.constant 0 : index
    %get3A_40 = vector.load %arg7[%get3A_38, %get3A_39] : memref<1x128xf32, #tpu.memory_space<vmem>>, vector<1x128xf32>
    %add3A_41 = vector.broadcast %get3A_40 : vector<1x128xf32> to vector<2000x128xf32>
    %add3A_42 = arith.addf %add3A_37, %add3A_41 : vector<2000x128xf32>
    %get3A_43 = arith.constant 0 : index
    %get3A_44 = arith.constant 0 : index
    %get3A_45 = vector.load %arg8[%get3A_43, %get3A_44] : memref<128x128xf32, #tpu.memory_space<vmem>>, vector<128x128xf32>
    %dot_general3A_46 = arith.constant dense<0.000000e+00> : vector<2000x128xf32>
    %dot_general3A_47 = tpu.matmul %add3A_42, %get3A_45, %dot_general3A_46 {dimension_numbers = #tpu.dot_dimension_numbers<[1], [0], [0], [1], [0, 0, 1, 1], [], []>, transpose_lhs_hint = false} : vector<2000x128xf32>, vector<128x128xf32>, vector<2000x128xf32> -> vector<2000x128xf32>
    %get3A_48 = arith.constant 0 : index
    %get3A_49 = arith.constant 0 : index
    %get3A_50 = vector.load %arg9[%get3A_48, %get3A_49] : memref<1x128xf32, #tpu.memory_space<vmem>>, vector<1x128xf32>
    %add3A_51 = vector.broadcast %get3A_50 : vector<1x128xf32> to vector<2000x128xf32>
    %add3A_52 = arith.addf %dot_general3A_47, %add3A_51 : vector<2000x128xf32>
    %tanh3A = math.tanh %add3A_52 : vector<2000x128xf32>
    %get3A_53 = arith.constant 0 : index
    %get3A_54 = arith.constant 0 : index
    %get3A_55 = vector.load %arg10[%get3A_53, %get3A_54] : memref<1x128xf32, #tpu.memory_space<vmem>>, vector<1x128xf32>
    %mul3A_56 = vector.broadcast %get3A_55 : vector<1x128xf32> to vector<2000x128xf32>
    %mul3A_57 = arith.mulf %tanh3A, %mul3A_56 : vector<2000x128xf32>
    %reduce_sum3A = arith.constant dense<0.000000e+00> : vector<2000xf32>
    %reduce_sum3A_58 = vector.multi_reduction <add>, %mul3A_57, %reduce_sum3A [1] : vector<2000x128xf32> to vector<2000xf32>
    %broadcast_in_dim3A = vector.shape_cast %reduce_sum3A_58 : vector<2000xf32> to vector<2000x1xf32>
    %get3A_59 = arith.constant 0 : index
    %get3A_60 = arith.constant 0 : index
    %get3A_61 = vector.load %arg11[%get3A_59, %get3A_60] : memref<1x1xf32, #tpu.memory_space<vmem>>, vector<1x1xf32>
    %add3A_62 = vector.broadcast %get3A_61 : vector<1x1xf32> to vector<2000x1xf32>
    %add3A_63 = arith.addf %broadcast_in_dim3A, %add3A_62 : vector<2000x1xf32>
    %swap3A = arith.constant 0 : index
    %swap3A_64 = arith.constant 0 : index
    %swap3A_65 = vector.load %arg12[%swap3A, %swap3A_64] : memref<2000x1xf32, #tpu.memory_space<vmem>>, vector<2000x1xf32>
    tpu.vector_store %arg12[%swap3A, %swap3A_64], %add3A_63 {strides = array<i32>} : memref<2000x1xf32, #tpu.memory_space<vmem>>, vector<2000x1xf32>,
    return
  }
  func.func @transform_0(%arg0: i32) -> (i32, i32) {
    %c0_i32 = arith.constant 0 : i32
    %c0_i32_0 = arith.constant 0 : i32
    return %arg0, %c0_i32 : i32, i32
  }
  func.func @transform_1(%arg0: i32) -> (i32, i32, i32) {
    %c0_i32 = arith.constant 0 : i32
    %c0_i32_0 = arith.constant 0 : i32
    %c0_i32_1 = arith.constant 0 : i32
    return %c0_i32, %arg0, %c0_i32_0 : i32, i32, i32
  }
  func.func @transform_2(%arg0: i32) -> (i32, i32) {
    %c0_i32 = arith.constant 0 : i32
    %c0_i32_0 = arith.constant 0 : i32
    %c0_i32_1 = arith.constant 0 : i32
    return %c0_i32, %c0_i32_0 : i32, i32
  }
  func.func @transform_3(%arg0: i32) -> (i32, i32) {
    %c0_i32 = arith.constant 0 : i32
    %c0_i32_0 = arith.constant 0 : i32
    %c0_i32_1 = arith.constant 0 : i32
    return %c0_i32, %c0_i32_0 : i32, i32
  }
  func.func @transform_4(%arg0: i32) -> (i32, i32) {
    %c0_i32 = arith.constant 0 : i32
    %c0_i32_0 = arith.constant 0 : i32
    %c0_i32_1 = arith.constant 0 : i32
    return %c0_i32, %c0_i32_0 : i32, i32
  }
  func.func @transform_5(%arg0: i32) -> (i32, i32) {
    %c0_i32 = arith.constant 0 : i32
    %c0_i32_0 = arith.constant 0 : i32
    %c0_i32_1 = arith.constant 0 : i32
    return %c0_i32, %c0_i32_0 : i32, i32
  }
  func.func @transform_6(%arg0: i32) -> (i32, i32) {
    %c0_i32 = arith.constant 0 : i32
    %c0_i32_0 = arith.constant 0 : i32
    %c0_i32_1 = arith.constant 0 : i32
    return %c0_i32, %c0_i32_0 : i32, i32
  }
  func.func @transform_7(%arg0: i32) -> (i32, i32) {
    %c0_i32 = arith.constant 0 : i32
    %c0_i32_0 = arith.constant 0 : i32
    %c0_i32_1 = arith.constant 0 : i32
    return %c0_i32, %c0_i32_0 : i32, i32
  }
  func.func @transform_8(%arg0: i32) -> (i32, i32) {
    %c0_i32 = arith.constant 0 : i32
    %c0_i32_0 = arith.constant 0 : i32
    %c0_i32_1 = arith.constant 0 : i32
    return %c0_i32, %c0_i32_0 : i32, i32
  }
  func.func @transform_9(%arg0: i32) -> (i32, i32) {
    %c0_i32 = arith.constant 0 : i32
    %c0_i32_0 = arith.constant 0 : i32
    %c0_i32_1 = arith.constant 0 : i32
    return %c0_i32, %c0_i32_0 : i32, i32
  }
  func.func @transform_10(%arg0: i32) -> (i32, i32) {
    %c0_i32 = arith.constant 0 : i32
    %c0_i32_0 = arith.constant 0 : i32
    %c0_i32_1 = arith.constant 0 : i32
    return %c0_i32, %c0_i32_0 : i32, i32
  }
  func.func @transform_11(%arg0: i32) -> (i32, i32) {
    %c0_i32 = arith.constant 0 : i32
    %c0_i32_0 = arith.constant 0 : i32
    return %arg0, %c0_i32 : i32, i32
  }
}

</mosaic_0001>

<sc_bundles>
// kernel: kernel.10.cloned.1.call-start
scs
__scs_entry_jumppad:
0x0: {  	(pc) =	sbr.rel $0x88, $3  }
0x1: {  	(tag) =	ssettag $0x0;
	lr =	simm.s32 $0x1  }
0x2: {  	[smem:$0x3F8F] =	sst lr;
	_ =	strace $0xD0000000  }
0x3: {  	_ = 	snop  }
0x4: {  	_ = 	snop  }
0x5: {  	_ = 	snop  }
0x6: {  	_ = 	snop  }
0x7: {  	_ = 	snop  }
__scs_overlays_trampoline_lowered:
0x8: {  	[smem:$0x3F9E] =	sst s0  }
0x9: {  	[smem:$0x3F9F] =	sst s1  }
0xa: {  	[smem:$0x3FA0] =	sst s2  }
0xb: {  	[smem:$0x3FA1] =	sst s3  }
0xc: {  	[smem:$0x3FA2] =	sst s4  }
0xd: {  	[smem:$0x3FA3] =	sst s5  }
0xe: {  	[smem:$0x3FA4] =	sst s6  }
0xf: {  	[smem:$0x3FA5] =	sst s7  }
0x10: {  	[smem:$0x3FA6] =	sst s8  }
0x11: {  	[smem:$0x3FA7] =	sst s9;
	s0 =	simm.s32 @!p0 $0x0  }
0x12: {  	s1 =	sld [smem:$0x3F8D];
	s0 =	simm.s32 @p0 $0x1  }
0x13: {  	[smem:$0x3FA8] =	sst s0;
	s0 =	simm.s32 @!p1 $0x0  }
0x14: {  	s2 =	sld [smem:$0x3F8C];
	s0 =	simm.s32 @p1 $0x1  }
0x15: {  	[smem:$0x3FA9] =	sst s0;
	s0 =	simm.s32 @!p2 $0x0  }
0x16: {  	s3 =	sld [smem:$0x3FDB];
	s0 =	simm.s32 @p2 $0x1  }
0x17: {  	s4 =	simm.s32 $0x1BF5;
	[smem:$0x3FAB] =	sst s0  }
0x18: {  	s0 =	sld [smem:$0x3F8E];
	_ =	swait.ge [sflag:s4], $0x0  }
0x19: {  	s7 =	sld [smem:$0x3F8F]  }
0x1a: {  	s8 =	sadd.s32 $0xFFFFE003, lr  }
0x1b: {  	s9 =	sadd.s32 $0xFFFFFEF7, lr;
	s5 =	simm.s32 $0xFFFFFFFF;
	p2 =	slt.u32 s8, $0xFFFFF086  }
0x1c: {  	p1 =	slt.u32 s9, $0xF7A;
	s5 =	simm.s32 @!p2 $0x0  }
0x1d: {  	s5 =	simm.s32 @p1 $0x1;
	p0 =	seq.s32 s7, s2  }
0x1e: {  	s7 =	smul.u32 @!p0 $0xF7A, s2;
	p2 =	seq.s32 @!p0 s5, $0x0  }
0x1f: {  	s9 =	smul.u32 $0xF7A, s1;
	s8 =	simm.s32 @!p0 $0x1BF5;
	p2 =	por !p2, p0  }
0x20: {  	[sflag:s8] =	ssyncset.s32 @!p0 $0xFFFFF086;
	s6 =	sadd.s32 @!p0 s3, s7;
	s7 =	simm.s32 @!p0 $0x108  }
0x21: {  	s3 =	sadd.s32 s3, s9;
	s6 =	sadd.s32 @!p0 $0x88, s6;
	s7 =	simm.s32 @p2 $0x1082  }
0x22: {  	[simem:s7], [sflag:s8] =	dma.local @!p0 [hbm:s6], $0xF7A  }
0x23: {  	s9 =	sor.u32 $0xD0000000, s2;
	s6 =	simm.s32 $0x108;
	_ =	swait.ge @!p0 [sflag:s8], $0x0  }
0x24: {  	s3 =	sadd.s32 $0x88, s3;
	s6 =	simm.s32 @!p1 $0x1082;
	[sflag:s4] =	ssyncset.s32 $0xFFFFF086  }
0x25: {  	[simem:s6], [sflag:s4] =	dma.local [hbm:s3], $0xF7A  }
0x26: {  	[smem:$0x3F8F] =	sst s1;
	(tag) =	ssettag s2;
	_ =	strace s9  }
0x27: {  	s1 =	sld [smem:$0x3F9F]  }
0x28: {  	s2 =	sld [smem:$0x3FA0]  }
0x29: {  	s4 =	sld [smem:$0x3FA2]  }
0x2a: {  	p0 =	seq.s32 s5, $0x0;
	s5 =	sld [smem:$0x3FA3]  }
0x2b: {  	s6 =	sld [smem:$0x3FA4]  }
0x2c: {  	s7 =	sld [smem:$0x3FA5]  }
0x2d: {  	s3 =	simm.s32 $0x108;
	s8 =	sld [smem:$0x3FA6]  }
0x2e: {  	s3 =	simm.s32 @!p0 $0x1082;
	s9 =	sld [smem:$0x3FA7]  }
0x2f: {  	lr =	sadd.s32 s0, s3;
	s0 =	sld [smem:$0x3F9E]  }
0x30: {  	s3 =	sld [smem:$0x3FA1]  }
0x31: {  	[smem:$0x3FAA] =	sst s10  }
0x32: {  	s10 =	sld [smem:$0x3FA8];
	_ =	sdelay $0x3  }
0x33: {  	p0 =	seq.s32 s10, $0x1;
	s10 =	sld [smem:$0x3FAA];
	_ =	sdelay $0x3  }
0x34: {  	[smem:$0x3FAA] =	sst s10  }
0x35: {  	s10 =	sld [smem:$0x3FA9];
	_ =	sdelay $0x3  }
0x36: {  	p1 =	seq.s32 s10, $0x1;
	s10 =	sld [smem:$0x3FAA];
	_ =	sdelay $0x3  }
0x37: {  	[smem:$0x3FAA] =	sst s10  }
0x38: {  	s10 =	sld [smem:$0x3FAB]  }
0x39: {  	_ = 	snop;
	(pc) =	sbr.ind lr, $3  }
0x3a: {  	_ = 	snop  }
0x3b: {  	_ = 	snop  }
0x3c: {  	p2 =	seq.s32 s10, $0x1;
	s10 =	sld [smem:$0x3FAA]  }
0x3d: {  	_ =	shalt  }
0x3e: {  	_ =	shalt  }
0x3f: {  	_ =	shalt  }
0x40: {  	_ =	shalt  }
0x41: {  	_ =	shalt  }
0x42: {  	_ =	shalt  }
0x43: {  	_ =	shalt  }
0x44: {  	_ =	shalt  }
0x45: {  	_ =	shalt  }
0x46: {  	_ =	shalt  }
0x47: {  	_ =	shalt  }
0x48: {  	_ =	shalt  }
0x49: {  	_ =	shalt  }
0x4a: {  	_ =	shalt  }
0x4b: {  	_ =	shalt  }
0x4c: {  	_ =	shalt  }
0x4d: {  	_ =	shalt  }
0x4e: {  	_ =	shalt  }
0x4f: {  	_ =	shalt  }
0x50: {  	_ =	shalt  }
0x51: {  	_ =	shalt  }
0x52: {  	_ =	shalt  }
0x53: {  	_ =	shalt  }
0x54: {  	_ =	shalt  }
0x55: {  	_ =	shalt  }
0x56: {  	_ =	shalt  }
0x57: {  	_ =	shalt  }
0x58: {  	_ =	shalt  }
0x59: {  	_ =	shalt  }
0x5a: {  	_ =	shalt  }
0x5b: {  	_ =	shalt  }
0x5c: {  	_ =	shalt  }
0x5d: {  	_ =	shalt  }
0x5e: {  	_ =	shalt  }
0x5f: {  	_ =	shalt  }
0x60: {  	_ =	shalt  }
0x61: {  	_ =	shalt  }
0x62: {  	_ =	shalt  }
0x63: {  	_ =	shalt  }
0x64: {  	_ =	shalt  }
0x65: {  	_ =	shalt  }
0x66: {  	_ =	shalt  }
0x67: {  	_ =	shalt  }
0x68: {  	_ =	shalt  }
0x69: {  	_ =	shalt  }
0x6a: {  	_ =	shalt  }
0x6b: {  	_ =	shalt  }
0x6c: {  	_ =	shalt  }
0x6d: {  	_ =	shalt  }
0x6e: {  	_ =	shalt  }
0x6f: {  	_ =	shalt  }
0x70: {  	_ =	shalt  }
0x71: {  	_ =	shalt  }
0x72: {  	_ =	shalt  }
0x73: {  	_ =	shalt  }
0x74: {  	_ =	shalt  }
0x75: {  	_ =	shalt  }
0x76: {  	_ =	shalt  }
0x77: {  	_ =	shalt  }
0x78: {  	_ =	shalt  }
0x79: {  	_ =	shalt  }
0x7a: {  	_ =	shalt  }
0x7b: {  	_ =	shalt  }
0x7c: {  	_ =	shalt  }
0x7d: {  	_ =	shalt  }
0x7e: {  	_ =	shalt  }
0x7f: {  	_ =	shalt  }
0x80: {  	_ =	shalt  }
0x81: {  	_ =	shalt  }
0x82: {  	_ =	shalt  }
0x83: {  	_ =	shalt  }
0x84: {  	_ =	shalt  }
0x85: {  	_ =	shalt  }
0x86: {  	_ =	shalt  }
0x87: {  	_ =	shalt  }
.Lfunc_end0:
.L_simem_size_0:
called_computation.1_lowered:
.L_overlay_start_0:
0x88: {  	s2 =	sld [smem:$0x3FD9]  }
0x89: {  	s3 =	sld [smem:$0x3FFE];
	_ =	sdelay $0x1  }
0x8a: {  	s1 =	srdreg.scid  }
0x8b: {  	s0 =	sand.u32 $0x1, s1  }
0x8c: {  	s16 =	sshll.u32 s0, $0xA;
	s2 =	sadd.s32 s3, s2  }
0x8d: {  	s2 =	sadd.s32 s2, s16  }
0x8e: {  	[smem:$0x3FB6] =	sst s2  }
0x8f: {  	_ = 	snop  }
0x90: {  	(tm) =	ssettm $0x1  }
0x91: {  	s17 =	sld [smem:$0x3FFB];
	_ =	sdelay $0x3  }
0x92: {  	_ =	strace s17  }
0x93: {  	s2 =	sld [smem:$0x3FFC];
	_ =	sdelay $0x3  }
0x94: {  	_ =	strace s2  }
0x95: {  	s2 =	sld [smem:$0x3FFD];
	_ =	sdelay $0x3  }
0x96: {  	_ =	strace s2  }
0x97: {  	_ =	strace $0x8FFFFFFF  }
0x98: {  	s18 =	sld [smem:$0x3FDB];
	_ =	sdelay $0x1  }
0x99: {  	s19 =	simm.s32 $_scs_section_size  }
0x9a: {  	s4 =	simm.s32 $_size__tile_overlayer_lowered;
	s5 =	simm.s32 $_tile_overlayer_lowered  }
0x9b: {  	s22 =	simm.s32 $0x1BFF;
	s21 =	sshll.u32 s5, $0x1;
	s2 =	sadd.s32 s19, s18  }
0x9c: {  	s6 =	simm.s32 $0x0;
	s20 =	sshll.u32 s4, $0x1;
	s4 =	sadd.s32 s21, s2  }
0x9d: {  	[timem:s6], [sflag:s22] =	dma.local [hbm:s4], s20  }
0x9e: {  	_ =	swait.ge [sflag:s22], s20  }
0x9f: {  	s3 =	ssub.s32 $0x0, s20;
	[sflag:s22] =	ssyncset.done $0x0  }
0xa0: {  	[sflag:s22] =	ssyncadd.s32 s3;
	_ =	sdelay $0x1  }
0xa1: {  	s23 =	simm.s32 $0x1B8B  }
0xa2: {  	_ =	swait.ge [sflag:s23], $0x1  }
0xa3: {  	[sflag:s23] =	ssyncset.done $0x0  }
0xa4: {  	s25 =	simm.s32 $0x1B8E;
	s24 =	sld [smem:$0x3FFE];
	[sflag:s23] =	ssyncadd.s32 $0xFFFFFFFF  }
0xa5: {  	s26 =	simm.s32 $execute0_lowered;
	[smem:$0x3FD2] =	sst s25  }
0xa6: {  	s4 =	sshll.u32 s26, $0x1;
	_ =	strace $0x80000049;
	[dreg:$0x1] =	wrdreg $0xFFFFFFFF  }
0xa7: {  	s28 =	simm.s32 $_size_execute0_lowered;
	s2 =	sadd.s32 s2, s4;
	[dreg:$0x0] =	wrdreg $0x0  }
0xa8: {  	s4 =	sshll.u32 s28, $0x1;
	[dreg:$0x2] =	wrdreg s2  }
0xa9: {  	[dreg:$0x3] =	wrdreg s4  }
0xaa: {  	[dreg:$0x4] =	wrdreg $0xC0  }
0xab: {  	_ =	task [dreg:s6], $0x5FFFF  }
0xac: {  	[dreg:$0x1] =	wrdreg $0xFFFFFFFF  }
0xad: {  	[dreg:$0x0] =	wrdreg $0x60  }
0xae: {  	[dreg:$0x2] =	wrdreg s24  }
0xaf: {  	[dreg:$0x3] =	wrdreg $0x10000  }
0xb0: {  	[dreg:$0x4] =	wrdreg $0x9  }
0xb1: {  	_ =	task.clear_ibuf [dreg:s6], $0x5FFFF;
	_ =	strace $0x90000049  }
0xb2: {  	s29 =	simm.s32 $0x9;
	_ =	strace $0x8000004B  }
0xb3: {  	_ =	swait.ge [sflag:s29], $0x1  }
0xb4: {  	[sflag:s29] =	ssyncadd.s32 $0xFFFFFFFF  }
0xb5: {  	_ =	strace $0x9000004B  }
0xb6: {  	_ =	sfence  }
0xb7: {  	s30 =	sld [smem:$0x0];
	_ =	sdelay $0x2  }
0xb8: {  	s31 =	sshll.u32 s1, $0xD;
	s1 =	sshrl.u32 s1, $0x2  }
0xb9: {  	s3 =	sand.u32 $0x4000, s31;
	s1 =	sadd.s32 s1, s30  }
0xba: {  	s0 =	sor.u32 s3, s0;
	s1 =	sshll.u32 s1, $0x11  }
0xbb: {  	s0 =	sor.u32 s1, s0  }
0xbc: {  	s0 =	sadd.s32 $0x8F2B, s0  }
0xbd: {  	[sflag:s0] =	ssyncadd.remote.s32 $0x1  }
0xbe: {  	_ =	sfence.sel $0xFFFF  }
0xbf: {  	[dreg:$0x0] =	wrdreg $0xFFFFFFFF;
	(pc) =	sbr.abs _section_cstart, $3  }
0xc0: {  	[dreg:$0x1] =	wrdreg $0xFFFFFFFF  }
0xc1: {  	_ =	task.clear_ibuf [dreg:s6], $0x2FFFF;
	_ =	strace $0x9FFFFFFF  }
0xc2: {  	(tm) =	ssettm $0x7FFFFFFF  }
0xc3: {  	_ =	shalt  }
tec
execute0_lowered:
.L_overlay_start_1:
0x0: {  	(tag) =	ssettag $0x1  }
0x1: {  	s0 =	rddreg [dreg:$0x0];
	s12 =	stileid.u32  }
0x2: {  	s1 =	rddreg [dreg:$0x1];
	s5 =	smul.u32 $0x14000, s12  }
0x3: {  	s2 =	srdreg.scid;
	s3 =	simm.s32 $0x0;
	s21 =	smul.u32 $0x50000, s12  }
0x4: {  	s2 =	sand.u32 $0x1, s2;
	[smem:$0x7FF] =	sst s3;
	s16 =	smul.u32 $0xA00, s12  }
0x5: {  	s6 =	sadd.s32 $0x578200, s0;
	s7 =	sshll.u32 s12, $0x1;
	s19 =	smul.u32 $0x14, s12  }
0x6: {  	s8 =	sadd.s32 $0xC400, s0;
	s4 =	smul.u32 $0x140000, s2;
	s20 =	sor.u32 s2, s7  }
0x7: {  	s12 =	simm.s32 $0x17A00;
	s22 =	ssub.s32 $0x2, s2;
	s9 =	smul.u32 $0xA, s20  }
0x8: {  	_ =	strace $0x8000004A;
	s10 =	smul.u32 $0x50, s20;
	s11 =	sshrl.u32 s22, $0x1  }
0x9: {  	s7 =	sshrl.u32 s21, $0x2;
	s21 =	smul.u32 $0xA, s2;
	s4 =	sadd.s32 s5, s4  }
0xa: {  	s5 =	smul.u32 $0x500, s20;
	s11 =	ssub.s32 s22, s11;
	s4 =	sshrl.u32 s4, $0x3  }
0xb: {  	s23 =	sadd.s32 $0xA00, s10;
	s9 =	sadd.s32 s8, s9;
	s29 =	sadd.s32 $0x1E00, s10  }
0xc: {  	s13 =	smax.u32 s11, $0x1;
	s0 =	sadd.s32 s4, s0;
	[dreg:$0x3] =	wrdreg s9  }
0xd: {  	s5 =	sadd.s32 s6, s5;
	s24 =	sshrl.u32 s23, $0x3;
	[dreg:$0xc] =	wrdreg s13  }
0xe: {  	s31 =	sshrl.u32 s29, $0x3;
	[dreg:$0x4] =	wrdreg s5;
	s5 =	sadd.s32 s8, s24  }
0xf: {  	s4 =	sadd.s32 s7, s1;
	s7 =	sadd.s32 s8, s31;
	[dreg:$0x5] =	wrdreg s5  }
0x10: {  	s2 =	smul.u32 $0x500, s2;
	s0 =	sadd.s32 $0x8C400, s0;
	[dreg:$0x9] =	wrdreg s7  }
0x11: {  	s26 =	sadd.s32 $0x1400, s10;
	s14 =	sadd.s32 $0x1000, s4;
	[dreg:$0xb] =	wrdreg s0  }
0x12: {  	s11 =	simm.s32 $0x15080;
	s15 =	sadd.s32 $0x2000, s4;
	[dreg:$0xd] =	wrdreg s14  }
0x13: {  	s25 =	sshll.u32 s23, $0x4;
	s17 =	sadd.s32 $0x3000, s4;
	[dreg:$0xe] =	wrdreg s15  }
0x14: {  	s28 =	sshrl.u32 s26, $0x3;
	s18 =	sadd.s32 $0x4000, s4;
	[dreg:$0xf] =	wrdreg s17  }
0x15: {  	s30 =	sshll.u32 s26, $0x4;
	s20 =	sadd.s32 $0x5000, s4;
	[dreg:$0x10] =	wrdreg s18  }
0x16: {  	s10 =	sshll.u32 s29, $0x4;
	s22 =	sadd.s32 $0x6000, s4;
	[dreg:$0x11] =	wrdreg s20  }
0x17: {  	s9 =	simm.s32 $0x15000;
	s23 =	sadd.s32 $0x7000, s4;
	[dreg:$0x12] =	wrdreg s22  }
0x18: {  	s13 =	simm.s32 $0x15180;
	s24 =	sadd.s32 $0x8000, s4;
	[dreg:$0x13] =	wrdreg s23  }
0x19: {  	s26 =	sadd.s32 $0xA000, s4;
	s29 =	sadd.s32 $0xC000, s4;
	[dreg:$0x14] =	wrdreg s24  }
0x1a: {  	s31 =	sadd.s32 $0xE000, s4;
	s5 =	sadd.s32 s6, s25;
	[dreg:$0x16] =	wrdreg s26  }
0x1b: {  	s0 =	sadd.s32 s16, s6;
	s25 =	sadd.s32 $0x9000, s4;
	[dreg:$0x18] =	wrdreg s29  }
0x1c: {  	[dreg:$0x1a] =	wrdreg s31;
	s7 =	sadd.s32 $0x13000, s4;
	s14 =	simm.s32 $0x1CA00  }
0x1d: {  	s15 =	simm.s32 $0x1;
	s16 =	simm.s32 $0x50;
	[dreg:$0x6] =	wrdreg s5  }
0x1e: {  	s17 =	simm.s32 $0x2;
	s5 =	sadd.s32 s8, s28;
	[dreg:$0x15] =	wrdreg s25  }
0x1f: {  	s18 =	simm.s32 $0x4;
	s28 =	sadd.s32 $0xB000, s4;
	[dreg:$0x7] =	wrdreg s5  }
0x20: {  	s23 =	sadd.s32 s2, s0;
	s5 =	sadd.s32 s6, s30;
	[dreg:$0x17] =	wrdreg s28  }
0x21: {  	s0 =	sadd.s32 $0xF000, s4;
	s30 =	sadd.s32 $0xD000, s4;
	[dreg:$0x8] =	wrdreg s5  }
0x22: {  	s2 =	sadd.s32 $0x10000, s4;
	s5 =	sadd.s32 s6, s10;
	[dreg:$0x19] =	wrdreg s30  }
0x23: {  	s6 =	sadd.s32 $0x12000, s4;
	[dreg:$0xa] =	wrdreg s5;
	s5 =	sadd.s32 s19, s8  }
0x24: {  	s10 =	simm.s32 $0x15200;
	s8 =	simm.s32 $0x5;
	s5 =	sadd.s32 s21, s5  }
0x25: {  	v0 =	vimm.f32 $0.0e+00;
	s19 =	simm.s32 $0x0;
	s25 =	sadd.s32 $0x500, s5;
	s5 =	sadd.s32 $0x11000, s4  }
.LBB2_1:
0x26: {  	s20 =	simm.s32 $0x0;
	s21 =	simm.s32 $0x200  }
.LBB2_2:
0x27: {  	p0 =	sne.s32 s21, $0x3E00;
	[tilespmem:s20+$0x70] =	vst v0  }
0x28: {  	[tilespmem:s20+$0x0] =	vst v0  }
0x29: {  	[tilespmem:s20+$0x10] =	vst v0  }
.Ltmp0:
0x2a: {  	[tilespmem:s20+$0x20] =	vst v0;
	(pc) =	sbr.rel @p0 .LBB2_2-.Ltmp0, $4  }
0x2b: {  	[tilespmem:s20+$0x30] =	vst v0  }
0x2c: {  	[tilespmem:s20+$0x40] =	vst v0  }
0x2d: {  	[tilespmem:s20+$0x50] =	vst v0  }
0x2e: {  	[tilespmem:s20+$0x60] =	vst v0;
	s20 =	sshra.s32 s21, $0x2;
	s21 =	sadd.s32 $0x200, s21  }
0x2f: {  	[tilespmem:s20+$0x70] =	vst v0  }
0x30: {  	[tilespmem:s20+$0x0] =	vst v0  }
0x31: {  	[tilespmem:s20+$0x10] =	vst v0  }
0x32: {  	[tilespmem:s20+$0x20] =	vst v0  }
0x33: {  	[tilespmem:s20+$0x30] =	vst v0  }
0x34: {  	[tilespmem:s20+$0x40] =	vst v0  }
0x35: {  	[tilespmem:s20+$0x50] =	vst v0  }
0x36: {  	[tilespmem:s20+$0x60] =	vst v0;
	s20 =	simm.s32 $0x0  }
0x37: {  	[spmem:s4] =	stream.linear.scatter [tilespmem:s20], [sflag:$0x5], $0x1000, $0x38;
	[tilespmem:$0x1F200] =	vst v63  }
0x38: {  	_ =	swait.ge [sflag:s8], $0x1000  }
0x39: {  	[sflag:s8] =	ssyncset.done $0x0  }
0x3a: {  	s21 =	rddreg [dreg:$0xd];
	[sflag:s8] =	ssyncadd.s32 $0xFFFFF000  }
0x3b: {  	[spmem:s21] =	stream.linear.scatter [tilespmem:s20], [sflag:$0x5], $0x1000, $0x38;
	[tilespmem:$0x1F200] =	vst v63  }
0x3c: {  	_ =	swait.ge [sflag:s8], $0x1000  }
0x3d: {  	[sflag:s8] =	ssyncset.done $0x0  }
0x3e: {  	s30 =	rddreg [dreg:$0xe];
	[sflag:s8] =	ssyncadd.s32 $0xFFFFF000  }
0x3f: {  	[spmem:s30] =	stream.linear.scatter [tilespmem:s20], [sflag:$0x5], $0x1000, $0x38;
	[tilespmem:$0x1F200] =	vst v63  }
0x40: {  	_ =	swait.ge [sflag:s8], $0x1000  }
0x41: {  	[sflag:s8] =	ssyncset.done $0x0  }
0x42: {  	s31 =	rddreg [dreg:$0xf];
	[sflag:s8] =	ssyncadd.s32 $0xFFFFF000  }
0x43: {  	[spmem:s31] =	stream.linear.scatter [tilespmem:s20], [sflag:$0x5], $0x1000, $0x38;
	[tilespmem:$0x1F200] =	vst v63  }
0x44: {  	_ =	swait.ge [sflag:s8], $0x1000  }
0x45: {  	[sflag:s8] =	ssyncset.done $0x0  }
0x46: {  	s22 =	rddreg [dreg:$0x10];
	[sflag:s8] =	ssyncadd.s32 $0xFFFFF000  }
0x47: {  	[spmem:s22] =	stream.linear.scatter [tilespmem:s20], [sflag:$0x5], $0x1000, $0x38;
	[tilespmem:$0x1F200] =	vst v63  }
0x48: {  	_ =	swait.ge [sflag:s8], $0x1000  }
0x49: {  	[sflag:s8] =	ssyncset.done $0x0  }
0x4a: {  	s24 =	rddreg [dreg:$0x11];
	[sflag:s8] =	ssyncadd.s32 $0xFFFFF000  }
0x4b: {  	[spmem:s24] =	stream.linear.scatter [tilespmem:s20], [sflag:$0x5], $0x1000, $0x38;
	[tilespmem:$0x1F200] =	vst v63  }
0x4c: {  	_ =	swait.ge [sflag:s8], $0x1000  }
0x4d: {  	[sflag:s8] =	ssyncset.done $0x0  }
0x4e: {  	s26 =	rddreg [dreg:$0x12];
	[sflag:s8] =	ssyncadd.s32 $0xFFFFF000  }
0x4f: {  	[spmem:s26] =	stream.linear.scatter [tilespmem:s20], [sflag:$0x5], $0x1000, $0x38;
	[tilespmem:$0x1F200] =	vst v63  }
0x50: {  	_ =	swait.ge [sflag:s8], $0x1000  }
0x51: {  	[sflag:s8] =	ssyncset.done $0x0  }
0x52: {  	s28 =	rddreg [dreg:$0x13];
	[sflag:s8] =	ssyncadd.s32 $0xFFFFF000  }
0x53: {  	[spmem:s28] =	stream.linear.scatter [tilespmem:s20], [sflag:$0x5], $0x1000, $0x38;
	[tilespmem:$0x1F200] =	vst v63  }
0x54: {  	_ =	swait.ge [sflag:s8], $0x1000  }
0x55: {  	[sflag:s8] =	ssyncset.done $0x0  }
0x56: {  	s29 =	rddreg [dreg:$0x14];
	[sflag:s8] =	ssyncadd.s32 $0xFFFFF000  }
0x57: {  	[spmem:s29] =	stream.linear.scatter [tilespmem:s20], [sflag:$0x5], $0x1000, $0x38;
	[tilespmem:$0x1F200] =	vst v63  }
0x58: {  	_ =	swait.ge [sflag:s8], $0x1000  }
0x59: {  	[sflag:s8] =	ssyncset.done $0x0  }
0x5a: {  	s30 =	rddreg [dreg:$0x15];
	[sflag:s8] =	ssyncadd.s32 $0xFFFFF000  }
0x5b: {  	[spmem:s30] =	stream.linear.scatter [tilespmem:s20], [sflag:$0x5], $0x1000, $0x38;
	[tilespmem:$0x1F200] =	vst v63  }
0x5c: {  	_ =	swait.ge [sflag:s8], $0x1000  }
0x5d: {  	[sflag:s8] =	ssyncset.done $0x0  }
0x5e: {  	s31 =	rddreg [dreg:$0x16];
	[sflag:s8] =	ssyncadd.s32 $0xFFFFF000  }
0x5f: {  	[spmem:s31] =	stream.linear.scatter [tilespmem:s20], [sflag:$0x5], $0x1000, $0x38;
	[tilespmem:$0x1F200] =	vst v63  }
0x60: {  	_ =	swait.ge [sflag:s8], $0x1000  }
0x61: {  	[sflag:s8] =	ssyncset.done $0x0  }
0x62: {  	s22 =	rddreg [dreg:$0x17];
	[sflag:s8] =	ssyncadd.s32 $0xFFFFF000  }
0x63: {  	[spmem:s22] =	stream.linear.scatter [tilespmem:s20], [sflag:$0x5], $0x1000, $0x38;
	[tilespmem:$0x1F200] =	vst v63  }
0x64: {  	_ =	swait.ge [sflag:s8], $0x1000  }
0x65: {  	[sflag:s8] =	ssyncset.done $0x0  }
0x66: {  	s24 =	rddreg [dreg:$0x18];
	[sflag:s8] =	ssyncadd.s32 $0xFFFFF000  }
0x67: {  	[spmem:s24] =	stream.linear.scatter [tilespmem:s20], [sflag:$0x5], $0x1000, $0x38;
	[tilespmem:$0x1F200] =	vst v63  }
0x68: {  	_ =	swait.ge [sflag:s8], $0x1000  }
0x69: {  	[sflag:s8] =	ssyncset.done $0x0  }
0x6a: {  	s26 =	rddreg [dreg:$0x19];
	[sflag:s8] =	ssyncadd.s32 $0xFFFFF000  }
0x6b: {  	[spmem:s26] =	stream.linear.scatter [tilespmem:s20], [sflag:$0x5], $0x1000, $0x38;
	[tilespmem:$0x1F200] =	vst v63  }
0x6c: {  	_ =	swait.ge [sflag:s8], $0x1000  }
0x6d: {  	[sflag:s8] =	ssyncset.done $0x0  }
0x6e: {  	s28 =	rddreg [dreg:$0x1a];
	[sflag:s8] =	ssyncadd.s32 $0xFFFFF000  }
0x6f: {  	[spmem:s28] =	stream.linear.scatter [tilespmem:s20], [sflag:$0x5], $0x1000, $0x38;
	[tilespmem:$0x1F200] =	vst v63  }
0x70: {  	_ =	swait.ge [sflag:s8], $0x1000  }
0x71: {  	[sflag:s8] =	ssyncset.done $0x0  }
0x72: {  	[sflag:s8] =	ssyncadd.s32 $0xFFFFF000  }
0x73: {  	[spmem:s0] =	stream.linear.scatter [tilespmem:s20], [sflag:$0x5], $0x1000, $0x38;
	[tilespmem:$0x1F200] =	vst v63  }
0x74: {  	_ =	swait.ge [sflag:s8], $0x1000  }
0x75: {  	[sflag:s8] =	ssyncset.done $0x0  }
0x76: {  	[sflag:s8] =	ssyncadd.s32 $0xFFFFF000  }
0x77: {  	[spmem:s2] =	stream.linear.scatter [tilespmem:s20], [sflag:$0x5], $0x1000, $0x38;
	[tilespmem:$0x1F200] =	vst v63  }
0x78: {  	_ =	swait.ge [sflag:s8], $0x1000  }
0x79: {  	[sflag:s8] =	ssyncset.done $0x0  }
0x7a: {  	[sflag:s8] =	ssyncadd.s32 $0xFFFFF000  }
0x7b: {  	[spmem:s5] =	stream.linear.scatter [tilespmem:s20], [sflag:$0x5], $0x1000, $0x38;
	[tilespmem:$0x1F200] =	vst v63  }
0x7c: {  	_ =	swait.ge [sflag:s8], $0x1000  }
0x7d: {  	[sflag:s8] =	ssyncset.done $0x0  }
0x7e: {  	[sflag:s8] =	ssyncadd.s32 $0xFFFFF000  }
0x7f: {  	[spmem:s6] =	stream.linear.scatter [tilespmem:s20], [sflag:$0x5], $0x1000, $0x38;
	[tilespmem:$0x1F200] =	vst v63  }
0x80: {  	_ =	swait.ge [sflag:s8], $0x1000  }
0x81: {  	[sflag:s8] =	ssyncset.done $0x0  }
0x82: {  	[sflag:s8] =	ssyncadd.s32 $0xFFFFF000  }
0x83: {  	[spmem:s7] =	stream.linear.scatter [tilespmem:s20], [sflag:$0x5], $0x1000, $0x38;
	[tilespmem:$0x1F200] =	vst v63  }
0x84: {  	_ =	swait.ge [sflag:s8], $0x1000  }
0x85: {  	[sflag:s8] =	ssyncset.done $0x0  }
0x86: {  	[sflag:s8] =	ssyncadd.s32 $0xFFFFF000  }
0x87: {  	[bflag:$0x0] =	sbarrier.arrive $0xFFFF  }
0x88: {  	s29 =	rddreg [dreg:$0x3]  }
0x89: {  	[tilespmem:s9], [sflag:$0x1] =	stream.linear.gather [hbm4b:s29+s20], $0x50, $0x38;
	[tilespmem:$0x1F200] =	vst v63  }
0x8a: {  	s30 =	rddreg [dreg:$0x4]  }
0x8b: {  	[tilespmem:s10], [sflag:$0x1] =	stream.linear.gather [hbm4b:s30+s20], $0x2800, $0x38;
	[tilespmem:$0x1F200] =	vst v63  }
0x8c: {  	s31 =	rddreg [dreg:$0x5]  }
0x8d: {  	[tilespmem:s11], [sflag:$0x2] =	stream.linear.gather [hbm4b:s31+s20], $0x50, $0x38;
	[tilespmem:$0x1F200] =	vst v63  }
0x8e: {  	s22 =	rddreg [dreg:$0x6]  }
0x8f: {  	[tilespmem:s12], [sflag:$0x2] =	stream.linear.gather [hbm4b:s22+s20], $0x2800, $0x38;
	[tilespmem:$0x1F200] =	vst v63  }
0x90: {  	s24 =	rddreg [dreg:$0x7];
	s22 =	simm.s32 $0x15100  }
0x91: {  	[tilespmem:s22], [sflag:$0x3] =	stream.linear.gather [hbm4b:s24+s20], $0x50, $0x38;
	[tilespmem:$0x1F200] =	vst v63  }
0x92: {  	s28 =	simm.s32 $0x1A200;
	s26 =	rddreg [dreg:$0x8]  }
0x93: {  	[tilespmem:s28], [sflag:$0x3] =	stream.linear.gather [hbm4b:s26+s20], $0x2800, $0x38;
	[tilespmem:$0x1F200] =	vst v63  }
0x94: {  	s29 =	rddreg [dreg:$0x9]  }
0x95: {  	[tilespmem:s13], [sflag:$0x4] =	stream.linear.gather [hbm4b:s29+s20], $0x50, $0x38;
	[tilespmem:$0x1F200] =	vst v63  }
0x96: {  	s30 =	rddreg [dreg:$0xa]  }
0x97: {  	[tilespmem:s14], [sflag:$0x4] =	stream.linear.gather [hbm4b:s30+s20], $0x2800, $0x38;
	[tilespmem:$0x1F200] =	vst v63  }
0x98: {  	_ =	swait.ge [sflag:s15], $0x50  }
0x99: {  	[sflag:s15] =	ssyncset.done $0x0  }
0x9a: {  	[sflag:s15] =	ssyncadd.s32 $0xFFFFFFB0  }
0x9b: {  	_ =	swait.ge [sflag:s15], $0x2800  }
0x9c: {  	[sflag:s15] =	ssyncset.done $0x0  }
0x9d: {  	[sflag:s15] =	ssyncadd.s32 $0xFFFFD800  }
0x9e: {  	[spmem:s1] =	stream.indirect.scatter.add.f32 [tilespmem:s10], [sflag:$0x5], $0x80, s9, s16, $0xb8;
	[tilespmem:$0x1F200] =	vst v63  }
0x9f: {  	_ =	swait.ge [sflag:s8], $0x2800  }
0xa0: {  	[sflag:s8] =	ssyncset.done $0x0  }
0xa1: {  	s31 =	sadd.s32 $0x0, s23;
	[sflag:s8] =	ssyncadd.s32 $0xFFFFD800  }
0xa2: {  	[tilespmem:s9], [sflag:$0x1] =	stream.linear.gather [hbm4b:s25+s3], $0x50, $0x38;
	[tilespmem:$0x1F200] =	vst v63  }
0xa3: {  	s20 =	sadd.s32 $0x28000, s31  }
0xa4: {  	[tilespmem:s10], [sflag:$0x1] =	stream.linear.gather [hbm4b:s20+s3], $0x2800, $0x38;
	[tilespmem:$0x1F200] =	vst v63  }
0xa5: {  	_ =	swait.ge [sflag:s17], $0x50  }
0xa6: {  	[sflag:s17] =	ssyncset.done $0x0  }
0xa7: {  	[sflag:s17] =	ssyncadd.s32 $0xFFFFFFB0  }
0xa8: {  	_ =	swait.ge [sflag:s17], $0x2800  }
0xa9: {  	[sflag:s17] =	ssyncset.done $0x0  }
0xaa: {  	[sflag:s17] =	ssyncadd.s32 $0xFFFFD800  }
0xab: {  	[spmem:s1] =	stream.indirect.scatter.add.f32 [tilespmem:s12], [sflag:$0x5], $0x80, s11, s16, $0xb8;
	[tilespmem:$0x1F200] =	vst v63  }
0xac: {  	_ =	swait.ge [sflag:s8], $0x2800  }
0xad: {  	p0 =	por $0x0, $0x0;
	[sflag:s8] =	ssyncset.done $0x0  }
0xae: {  	s20 =	simm.s32 @p0 $0x3;
	[sflag:s8] =	ssyncadd.s32 $0xFFFFD800  }
0xaf: {  	_ =	swait.ge @p0 [sflag:s20], $0x50  }
0xb0: {  	[sflag:s20] =	ssyncset.done @p0 $0x0  }
0xb1: {  	[sflag:s20] =	ssyncadd.s32 @p0 $0xFFFFFFB0  }
0xb2: {  	_ =	swait.ge @p0 [sflag:s20], $0x2800  }
0xb3: {  	s21 =	simm.s32 @p0 $0x1A200;
	s22 =	simm.s32 @p0 $0x5;
	[sflag:s20] =	ssyncset.done @p0 $0x0  }
0xb4: {  	s24 =	simm.s32 @p0 $0x15100;
	[sflag:s20] =	ssyncadd.s32 @p0 $0xFFFFD800;
	s20 =	simm.s32 @p0 $0x50  }
0xb5: {  	[spmem:s1] =	stream.indirect.scatter.add.f32 @p0 [tilespmem:s21], [sflag:$0x5], $0x80, s24, s20, $0xb8;
	[tilespmem:$0x1F200] =	vst v63  }
0xb6: {  	_ =	swait.ge @p0 [sflag:s22], $0x2800  }
0xb7: {  	s20 =	sadd.s32 @!p0 $0x0, s23;
	s21 =	simm.s32 @!p0 $0x15080;
	[sflag:s22] =	ssyncset.done @p0 $0x0  }
0xb8: {  	s24 =	simm.s32 @!p0 $0x0;
	[sflag:s22] =	ssyncadd.s32 @p0 $0xFFFFD800;
	s22 =	sadd.s32 @!p0 $0x140, s25  }
0xb9: {  	[tilespmem:s21], [sflag:$0x2] =	stream.linear.gather @!p0 [hbm4b:s22+s24], $0x50, $0x38;
	[tilespmem:$0x1F200] =	vst v63  }
0xba: {  	s26 =	simm.s32 @!p0 $0x3;
	s21 =	sadd.s32 @!p0 $0x32000, s20;
	s22 =	simm.s32 @!p0 $0x17A00  }
0xbb: {  	[tilespmem:s22], [sflag:$0x2] =	stream.linear.gather @!p0 [hbm4b:s21+s24], $0x2800, $0x38;
	[tilespmem:$0x1F200] =	vst v63  }
0xbc: {  	_ =	swait.ge @!p0 [sflag:s26], $0x50  }
0xbd: {  	[sflag:s26] =	ssyncset.done @!p0 $0x0  }
0xbe: {  	[sflag:s26] =	ssyncadd.s32 @!p0 $0xFFFFFFB0  }
0xbf: {  	_ =	swait.ge @!p0 [sflag:s26], $0x2800  }
0xc0: {  	s21 =	simm.s32 @!p0 $0x1A200;
	[sflag:s26] =	ssyncset.done @!p0 $0x0  }
0xc1: {  	s22 =	simm.s32 @!p0 $0x50;
	[sflag:s26] =	ssyncadd.s32 @!p0 $0xFFFFD800;
	s26 =	simm.s32 @!p0 $0x15100  }
0xc2: {  	[spmem:s1] =	stream.indirect.scatter.add.f32 @!p0 [tilespmem:s21], [sflag:$0x5], $0x80, s26, s22, $0xb8;
	[tilespmem:$0x1F200] =	vst v63  }
0xc3: {  	s22 =	simm.s32 @!p0 $0x5  }
0xc4: {  	_ =	swait.ge @!p0 [sflag:s22], $0x2800  }
0xc5: {  	[sflag:s22] =	ssyncset.done @!p0 $0x0  }
0xc6: {  	[sflag:s22] =	ssyncadd.s32 @!p0 $0xFFFFD800;
	s22 =	sadd.s32 @!p0 $0x280, s25  }
0xc7: {  	[tilespmem:s26], [sflag:$0x3] =	stream.linear.gather @!p0 [hbm4b:s22+s24], $0x50, $0x38;
	[tilespmem:$0x1F200] =	vst v63  }
0xc8: {  	s22 =	sadd.s32 @!p0 $0x3C000, s20  }
0xc9: {  	[tilespmem:s21], [sflag:$0x3] =	stream.linear.gather @!p0 [hbm4b:s22+s24], $0x2800, $0x38;
	[tilespmem:$0x1F200] =	vst v63  }
0xca: {  	_ =	swait.ge [sflag:s18], $0x50  }
0xcb: {  	[sflag:s18] =	ssyncset.done $0x0  }
0xcc: {  	[sflag:s18] =	ssyncadd.s32 $0xFFFFFFB0  }
0xcd: {  	_ =	swait.ge [sflag:s18], $0x2800  }
0xce: {  	[sflag:s18] =	ssyncset.done $0x0  }
0xcf: {  	[sflag:s18] =	ssyncadd.s32 $0xFFFFD800  }
0xd0: {  	[spmem:s1] =	stream.indirect.scatter.add.f32 [tilespmem:s14], [sflag:$0x5], $0x80, s13, s16, $0xb8;
	[tilespmem:$0x1F200] =	vst v63  }
0xd1: {  	_ =	swait.ge [sflag:s8], $0x2800  }
0xd2: {  	[sflag:s8] =	ssyncset.done $0x0  }
0xd3: {  	s21 =	sadd.s32 @!p0 $0x3C0, s25;
	s22 =	simm.s32 @!p0 $0x15180;
	[sflag:s8] =	ssyncadd.s32 $0xFFFFD800  }
0xd4: {  	[tilespmem:s22], [sflag:$0x4] =	stream.linear.gather @!p0 [hbm4b:s21+s24], $0x50, $0x38;
	[tilespmem:$0x1F200] =	vst v63  }
0xd5: {  	s20 =	sadd.s32 @!p0 $0x46000, s20;
	s21 =	simm.s32 @!p0 $0x1CA00  }
0xd6: {  	[tilespmem:s21], [sflag:$0x4] =	stream.linear.gather @!p0 [hbm4b:s20+s24], $0x2800, $0x38;
	[tilespmem:$0x1F200] =	vst v63  }
0xd7: {  	_ =	swait.ge [sflag:s15], $0x50  }
0xd8: {  	[sflag:s15] =	ssyncset.done $0x0  }
0xd9: {  	[sflag:s15] =	ssyncadd.s32 $0xFFFFFFB0  }
0xda: {  	_ =	swait.ge [sflag:s15], $0x2800  }
0xdb: {  	[sflag:s15] =	ssyncset.done $0x0  }
0xdc: {  	[sflag:s15] =	ssyncadd.s32 $0xFFFFD800  }
0xdd: {  	[spmem:s1] =	stream.indirect.scatter.add.f32 [tilespmem:s10], [sflag:$0x5], $0x80, s9, s16, $0xb8;
	[tilespmem:$0x1F200] =	vst v63  }
0xde: {  	_ =	swait.ge [sflag:s8], $0x2800  }
0xdf: {  	s20 =	simm.s32 $0x28000;
	s21 =	sadd.s32 $0x500, s25;
	[sflag:s8] =	ssyncset.done $0x0  }
.LBB2_4:
0xe0: {  	s22 =	sadd.s32 s20, s23  }
0xe1: {  	[sflag:s8] =	ssyncadd.s32 $0xFFFFD800;
	s24 =	smov.u32 s20;
	s20 =	sadd.s32 $0x28000, s20  }
0xe2: {  	[tilespmem:s9], [sflag:$0x1] =	stream.linear.gather [hbm4b:s21+s3], $0x50, $0x38;
	[tilespmem:$0x1F200] =	vst v63  }
0xe3: {  	s22 =	sadd.s32 $0x28000, s22;
	p0 =	sne.s32 s20, $0x4D8000  }
0xe4: {  	[tilespmem:s10], [sflag:$0x1] =	stream.linear.gather [hbm4b:s22+s3], $0x2800, $0x38;
	[tilespmem:$0x1F200] =	vst v63  }
0xe5: {  	_ =	swait.ge [sflag:s17], $0x50  }
0xe6: {  	[sflag:s17] =	ssyncset.done $0x0  }
0xe7: {  	[sflag:s17] =	ssyncadd.s32 $0xFFFFFFB0  }
0xe8: {  	_ =	swait.ge [sflag:s17], $0x2800  }
0xe9: {  	[sflag:s17] =	ssyncset.done $0x0  }
0xea: {  	[sflag:s17] =	ssyncadd.s32 $0xFFFFD800  }
0xeb: {  	[spmem:s1] =	stream.indirect.scatter.add.f32 [tilespmem:s12], [sflag:$0x5], $0x80, s11, s16, $0xb8;
	[tilespmem:$0x1F200] =	vst v63  }
0xec: {  	_ =	swait.ge [sflag:s8], $0x2800  }
0xed: {  	p1 =	seq.s32 s24, $0x4B0000;
	[sflag:s8] =	ssyncset.done $0x0  }
0xee: {  	s28 =	simm.s32 @p1 $0x3;
	s22 =	sadd.s32 @!p1 s24, s23;
	[sflag:s8] =	ssyncadd.s32 $0xFFFFD800  }
0xef: {  	s29 =	sadd.s32 @!p1 $0x32000, s22;
	s26 =	sadd.s32 @!p1 $0x3C000, s22;
	_ =	swait.ge @p1 [sflag:s28], $0x50  }
0xf0: {  	s22 =	sadd.s32 @!p1 $0x46000, s22;
	[sflag:s28] =	ssyncset.done @p1 $0x0  }
0xf1: {  	[sflag:s28] =	ssyncadd.s32 @p1 $0xFFFFFFB0  }
0xf2: {  	_ =	swait.ge @p1 [sflag:s28], $0x2800  }
0xf3: {  	s30 =	simm.s32 @p1 $0x5;
	s24 =	simm.s32 @p1 $0x1A200;
	[sflag:s28] =	ssyncset.done @p1 $0x0  }
0xf4: {  	s31 =	simm.s32 @p1 $0x15100;
	[sflag:s28] =	ssyncadd.s32 @p1 $0xFFFFD800;
	s28 =	simm.s32 @p1 $0x50  }
0xf5: {  	[spmem:s1] =	stream.indirect.scatter.add.f32 @p1 [tilespmem:s24], [sflag:$0x5], $0x80, s31, s28, $0xb8;
	[tilespmem:$0x1F200] =	vst v63  }
0xf6: {  	_ =	swait.ge @p1 [sflag:s30], $0x2800  }
0xf7: {  	s28 =	simm.s32 @!p1 $0x15080;
	[sflag:s30] =	ssyncset.done @p1 $0x0  }
0xf8: {  	s24 =	simm.s32 @!p1 $0x0;
	[sflag:s30] =	ssyncadd.s32 @p1 $0xFFFFD800;
	s30 =	sadd.s32 @!p1 $0x140, s21  }
0xf9: {  	[tilespmem:s28], [sflag:$0x2] =	stream.linear.gather @!p1 [hbm4b:s30+s24], $0x50, $0x38;
	[tilespmem:$0x1F200] =	vst v63  }
0xfa: {  	s28 =	simm.s32 @!p1 $0x17A00;
	s30 =	simm.s32 @!p1 $0x3  }
0xfb: {  	[tilespmem:s28], [sflag:$0x2] =	stream.linear.gather @!p1 [hbm4b:s29+s24], $0x2800, $0x38;
	[tilespmem:$0x1F200] =	vst v63  }
0xfc: {  	_ =	swait.ge @!p1 [sflag:s30], $0x50  }
0xfd: {  	[sflag:s30] =	ssyncset.done @!p1 $0x0  }
0xfe: {  	[sflag:s30] =	ssyncadd.s32 @!p1 $0xFFFFFFB0  }
0xff: {  	_ =	swait.ge @!p1 [sflag:s30], $0x2800  }
0x100: {  	s28 =	simm.s32 @!p1 $0x1A200;
	s29 =	simm.s32 @!p1 $0x5;
	[sflag:s30] =	ssyncset.done @!p1 $0x0  }
0x101: {  	s31 =	simm.s32 @!p1 $0x15100;
	[sflag:s30] =	ssyncadd.s32 @!p1 $0xFFFFD800;
	s30 =	simm.s32 @!p1 $0x50  }
0x102: {  	[spmem:s1] =	stream.indirect.scatter.add.f32 @!p1 [tilespmem:s28], [sflag:$0x5], $0x80, s31, s30, $0xb8;
	[tilespmem:$0x1F200] =	vst v63  }
0x103: {  	_ =	swait.ge @!p1 [sflag:s29], $0x2800  }
0x104: {  	[sflag:s29] =	ssyncset.done @!p1 $0x0  }
0x105: {  	[sflag:s29] =	ssyncadd.s32 @!p1 $0xFFFFD800;
	s29 =	sadd.s32 @!p1 $0x280, s21  }
0x106: {  	[tilespmem:s31], [sflag:$0x3] =	stream.linear.gather @!p1 [hbm4b:s29+s24], $0x50, $0x38;
	[tilespmem:$0x1F200] =	vst v63  }
0x107: {  	_ = 	snop  }
0x108: {  	[tilespmem:s28], [sflag:$0x3] =	stream.linear.gather @!p1 [hbm4b:s26+s24], $0x2800, $0x38;
	[tilespmem:$0x1F200] =	vst v63  }
0x109: {  	_ =	swait.ge [sflag:s18], $0x50  }
0x10a: {  	[sflag:s18] =	ssyncset.done $0x0  }
0x10b: {  	[sflag:s18] =	ssyncadd.s32 $0xFFFFFFB0  }
0x10c: {  	_ =	swait.ge [sflag:s18], $0x2800  }
0x10d: {  	[sflag:s18] =	ssyncset.done $0x0  }
0x10e: {  	[sflag:s18] =	ssyncadd.s32 $0xFFFFD800  }
0x10f: {  	[spmem:s1] =	stream.indirect.scatter.add.f32 [tilespmem:s14], [sflag:$0x5], $0x80, s13, s16, $0xb8;
	[tilespmem:$0x1F200] =	vst v63  }
0x110: {  	_ =	swait.ge [sflag:s8], $0x2800  }
0x111: {  	[sflag:s8] =	ssyncset.done $0x0  }
0x112: {  	s26 =	sadd.s32 @!p1 $0x3C0, s21;
	s28 =	simm.s32 @!p1 $0x15180;
	[sflag:s8] =	ssyncadd.s32 $0xFFFFD800  }
0x113: {  	[tilespmem:s28], [sflag:$0x4] =	stream.linear.gather @!p1 [hbm4b:s26+s24], $0x50, $0x38;
	[tilespmem:$0x1F200] =	vst v63  }
0x114: {  	s26 =	simm.s32 @!p1 $0x1CA00  }
0x115: {  	[tilespmem:s26], [sflag:$0x4] =	stream.linear.gather @!p1 [hbm4b:s22+s24], $0x2800, $0x38;
	[tilespmem:$0x1F200] =	vst v63  }
0x116: {  	_ =	swait.ge [sflag:s15], $0x50  }
0x117: {  	[sflag:s15] =	ssyncset.done $0x0  }
0x118: {  	[sflag:s15] =	ssyncadd.s32 $0xFFFFFFB0  }
0x119: {  	_ =	swait.ge [sflag:s15], $0x2800  }
.Ltmp1:
0x11a: {  	[sflag:s15] =	ssyncset.done $0x0;
	(pc) =	sbr.rel @p0 .LBB2_4-.Ltmp1, $4  }
0x11b: {  	[sflag:s15] =	ssyncadd.s32 $0xFFFFD800  }
0x11c: {  	[spmem:s1] =	stream.indirect.scatter.add.f32 [tilespmem:s10], [sflag:$0x5], $0x80, s9, s16, $0xb8;
	[tilespmem:$0x1F200] =	vst v63  }
0x11d: {  	_ =	swait.ge [sflag:s8], $0x2800  }
0x11e: {  	s21 =	sadd.s32 $0x500, s21;
	[sflag:s8] =	ssyncset.done $0x0  }
0x11f: {  	[sflag:s8] =	ssyncadd.s32 $0xFFFFD800;
	s20 =	stileid.u32  }
0x120: {  	s20 =	sshll.u32 s20, $0x6;
	[bflag:$0x0] =	sbarrier.arrive $0xFFFF  }
0x121: {  	s21 =	sshrl.u32 s4, $0x3;
	s20 =	sor.u32 $0x1C05, s20;
	s22 =	rddreg [dreg:$0xb]  }
0x122: {  	[hbm:s22], [sflag:s20] =	dma.local [spmem:s21], $0x2800  }
0x123: {  	_ =	swait.ge [sflag:s8], $0x2800  }
0x124: {  	s19 =	sadd.s32 $0x1, s19;
	s31 =	rddreg [dreg:$0xc]  }
0x125: {  	p0 =	sne.s32 s19, s31  }
.Ltmp2:
0x126: {  	_ = 	snop;
	(pc) =	sbr.rel @p0 .LBB2_1-.Ltmp2, $3  }
0x127: {  	_ =	sdelay $0x1  }
0x128: {  	[sflag:s8] =	ssyncset.done $0x0  }
0x129: {  	[sflag:s8] =	ssyncadd.s32 $0xFFFFD800  }
0x12a: {  	_ =	sfence.sel $0x180000  }
0x12b: {  	[bflag:$0x0] =	sbarrier.arrive $0xFFFF  }
0x12c: {  	_ =	strace $0x9000004A  }
0x12d: {  	s0 =	stileid.u32;
	[bflag:$0x2] =	sbarrier.arrive $0xFFFF  }
0x12e: {  	p0 =	sne.s32 s0, $0x0;
	s0 =	rddreg [dreg:$0x2]  }
0x12f: {  	s0 =	sadd.s32 @!p0 $0x100000, s0  }
0x130: {  	[sflag:s0] =	ssyncadd.tile.s32 @!p0 $0x1;
	_ =	shalt  }
.Lfunc_end2:
_tile_overlayer_lowered:
.L_overlay_start_2:
0x131: {  	(tag) =	ssettag $0x2  }
0x132: {  	s0 =	rddreg [dreg:$0x0];
	s2 =	stileid.u32  }
0x133: {  	s1 =	rddreg [dreg:$0x1];
	p0 =	sne.s32 s2, $0x0  }
0x134: {  	s3 =	rddreg [dreg:$0x2];
	[bflag:$0x3] =	sbarrier.arrive $0xFFFF;
	s2 =	simm.s32 @!p0 $0x1C05  }
0x135: {  	[timem:s3], [sflag:s2] =	dma.local @!p0 [hbm:s0], s1  }
0x136: {  	s0 =	simm.s32 @!p0 $0x5  }
0x137: {  	_ =	swait.ge @!p0 [sflag:s0], s1  }
0x138: {  	s1 =	ssub.s32 @!p0 $0x0, s1;
	[sflag:s0] =	ssyncset.done @!p0 $0x0  }
0x139: {  	[sflag:s0] =	ssyncadd.s32 @!p0 s1  }
0x13a: {  	[bflag:$0x3] =	sbarrier.arrive $0xFFFF  }
0x13b: {  	_ =	shalt  }

// kernel: kernel.7.cloned.1.call-start
scs
__scs_entry_jumppad:
0x0: {  	(pc) =	sbr.rel $0x88, $3  }
0x1: {  	(tag) =	ssettag $0x0;
	lr =	simm.s32 $0x1  }
0x2: {  	[smem:$0x3F8F] =	sst lr;
	_ =	strace $0xD0000000  }
0x3: {  	_ = 	snop  }
0x4: {  	_ = 	snop  }
0x5: {  	_ = 	snop  }
0x6: {  	_ = 	snop  }
0x7: {  	_ = 	snop  }
__scs_overlays_trampoline_lowered:
0x8: {  	[smem:$0x3F9E] =	sst s0  }
0x9: {  	[smem:$0x3F9F] =	sst s1  }
0xa: {  	[smem:$0x3FA0] =	sst s2  }
0xb: {  	[smem:$0x3FA1] =	sst s3  }
0xc: {  	[smem:$0x3FA2] =	sst s4  }
0xd: {  	[smem:$0x3FA3] =	sst s5  }
0xe: {  	[smem:$0x3FA4] =	sst s6  }
0xf: {  	[smem:$0x3FA5] =	sst s7  }
0x10: {  	[smem:$0x3FA6] =	sst s8  }
0x11: {  	[smem:$0x3FA7] =	sst s9;
	s0 =	simm.s32 @!p0 $0x0  }
0x12: {  	s1 =	sld [smem:$0x3F8D];
	s0 =	simm.s32 @p0 $0x1  }
0x13: {  	[smem:$0x3FA8] =	sst s0;
	s0 =	simm.s32 @!p1 $0x0  }
0x14: {  	s2 =	sld [smem:$0x3F8C];
	s0 =	simm.s32 @p1 $0x1  }
0x15: {  	[smem:$0x3FA9] =	sst s0;
	s0 =	simm.s32 @!p2 $0x0  }
0x16: {  	s3 =	sld [smem:$0x3FDB];
	s0 =	simm.s32 @p2 $0x1  }
0x17: {  	s4 =	simm.s32 $0x1BF5;
	[smem:$0x3FAB] =	sst s0  }
0x18: {  	s0 =	sld [smem:$0x3F8E];
	_ =	swait.ge [sflag:s4], $0x0  }
0x19: {  	s7 =	sld [smem:$0x3F8F]  }
0x1a: {  	s8 =	sadd.s32 $0xFFFFE003, lr  }
0x1b: {  	s9 =	sadd.s32 $0xFFFFFEF7, lr;
	s5 =	simm.s32 $0xFFFFFFFF;
	p2 =	slt.u32 s8, $0xFFFFF086  }
0x1c: {  	p1 =	slt.u32 s9, $0xF7A;
	s5 =	simm.s32 @!p2 $0x0  }
0x1d: {  	s5 =	simm.s32 @p1 $0x1;
	p0 =	seq.s32 s7, s2  }
0x1e: {  	s7 =	smul.u32 @!p0 $0xF7A, s2;
	p2 =	seq.s32 @!p0 s5, $0x0  }
0x1f: {  	s9 =	smul.u32 $0xF7A, s1;
	s8 =	simm.s32 @!p0 $0x1BF5;
	p2 =	por !p2, p0  }
0x20: {  	[sflag:s8] =	ssyncset.s32 @!p0 $0xFFFFF086;
	s6 =	sadd.s32 @!p0 s3, s7;
	s7 =	simm.s32 @!p0 $0x108  }
0x21: {  	s3 =	sadd.s32 s3, s9;
	s6 =	sadd.s32 @!p0 $0x88, s6;
	s7 =	simm.s32 @p2 $0x1082  }
0x22: {  	[simem:s7], [sflag:s8] =	dma.local @!p0 [hbm:s6], $0xF7A  }
0x23: {  	s9 =	sor.u32 $0xD0000000, s2;
	s6 =	simm.s32 $0x108;
	_ =	swait.ge @!p0 [sflag:s8], $0x0  }
0x24: {  	s3 =	sadd.s32 $0x88, s3;
	s6 =	simm.s32 @!p1 $0x1082;
	[sflag:s4] =	ssyncset.s32 $0xFFFFF086  }
0x25: {  	[simem:s6], [sflag:s4] =	dma.local [hbm:s3], $0xF7A  }
0x26: {  	[smem:$0x3F8F] =	sst s1;
	(tag) =	ssettag s2;
	_ =	strace s9  }
0x27: {  	s1 =	sld [smem:$0x3F9F]  }
0x28: {  	s2 =	sld [smem:$0x3FA0]  }
0x29: {  	s4 =	sld [smem:$0x3FA2]  }
0x2a: {  	p0 =	seq.s32 s5, $0x0;
	s5 =	sld [smem:$0x3FA3]  }
0x2b: {  	s6 =	sld [smem:$0x3FA4]  }
0x2c: {  	s7 =	sld [smem:$0x3FA5]  }
0x2d: {  	s3 =	simm.s32 $0x108;
	s8 =	sld [smem:$0x3FA6]  }
0x2e: {  	s3 =	simm.s32 @!p0 $0x1082;
	s9 =	sld [smem:$0x3FA7]  }
0x2f: {  	lr =	sadd.s32 s0, s3;
	s0 =	sld [smem:$0x3F9E]  }
0x30: {  	s3 =	sld [smem:$0x3FA1]  }
0x31: {  	[smem:$0x3FAA] =	sst s10  }
0x32: {  	s10 =	sld [smem:$0x3FA8];
	_ =	sdelay $0x3  }
0x33: {  	p0 =	seq.s32 s10, $0x1;
	s10 =	sld [smem:$0x3FAA];
	_ =	sdelay $0x3  }
0x34: {  	[smem:$0x3FAA] =	sst s10  }
0x35: {  	s10 =	sld [smem:$0x3FA9];
	_ =	sdelay $0x3  }
0x36: {  	p1 =	seq.s32 s10, $0x1;
	s10 =	sld [smem:$0x3FAA];
	_ =	sdelay $0x3  }
0x37: {  	[smem:$0x3FAA] =	sst s10  }
0x38: {  	s10 =	sld [smem:$0x3FAB]  }
0x39: {  	_ = 	snop;
	(pc) =	sbr.ind lr, $3  }
0x3a: {  	_ = 	snop  }
0x3b: {  	_ = 	snop  }
0x3c: {  	p2 =	seq.s32 s10, $0x1;
	s10 =	sld [smem:$0x3FAA]  }
0x3d: {  	_ =	shalt  }
0x3e: {  	_ =	shalt  }
0x3f: {  	_ =	shalt  }
0x40: {  	_ =	shalt  }
0x41: {  	_ =	shalt  }
0x42: {  	_ =	shalt  }
0x43: {  	_ =	shalt  }
0x44: {  	_ =	shalt  }
0x45: {  	_ =	shalt  }
0x46: {  	_ =	shalt  }
0x47: {  	_ =	shalt  }
0x48: {  	_ =	shalt  }
0x49: {  	_ =	shalt  }
0x4a: {  	_ =	shalt  }
0x4b: {  	_ =	shalt  }
0x4c: {  	_ =	shalt  }
0x4d: {  	_ =	shalt  }
0x4e: {  	_ =	shalt  }
0x4f: {  	_ =	shalt  }
0x50: {  	_ =	shalt  }
0x51: {  	_ =	shalt  }
0x52: {  	_ =	shalt  }
0x53: {  	_ =	shalt  }
0x54: {  	_ =	shalt  }
0x55: {  	_ =	shalt  }
0x56: {  	_ =	shalt  }
0x57: {  	_ =	shalt  }
0x58: {  	_ =	shalt  }
0x59: {  	_ =	shalt  }
0x5a: {  	_ =	shalt  }
0x5b: {  	_ =	shalt  }
0x5c: {  	_ =	shalt  }
0x5d: {  	_ =	shalt  }
0x5e: {  	_ =	shalt  }
0x5f: {  	_ =	shalt  }
0x60: {  	_ =	shalt  }
0x61: {  	_ =	shalt  }
0x62: {  	_ =	shalt  }
0x63: {  	_ =	shalt  }
0x64: {  	_ =	shalt  }
0x65: {  	_ =	shalt  }
0x66: {  	_ =	shalt  }
0x67: {  	_ =	shalt  }
0x68: {  	_ =	shalt  }
0x69: {  	_ =	shalt  }
0x6a: {  	_ =	shalt  }
0x6b: {  	_ =	shalt  }
0x6c: {  	_ =	shalt  }
0x6d: {  	_ =	shalt  }
0x6e: {  	_ =	shalt  }
0x6f: {  	_ =	shalt  }
0x70: {  	_ =	shalt  }
0x71: {  	_ =	shalt  }
0x72: {  	_ =	shalt  }
0x73: {  	_ =	shalt  }
0x74: {  	_ =	shalt  }
0x75: {  	_ =	shalt  }
0x76: {  	_ =	shalt  }
0x77: {  	_ =	shalt  }
0x78: {  	_ =	shalt  }
0x79: {  	_ =	shalt  }
0x7a: {  	_ =	shalt  }
0x7b: {  	_ =	shalt  }
0x7c: {  	_ =	shalt  }
0x7d: {  	_ =	shalt  }
0x7e: {  	_ =	shalt  }
0x7f: {  	_ =	shalt  }
0x80: {  	_ =	shalt  }
0x81: {  	_ =	shalt  }
0x82: {  	_ =	shalt  }
0x83: {  	_ =	shalt  }
0x84: {  	_ =	shalt  }
0x85: {  	_ =	shalt  }
0x86: {  	_ =	shalt  }
0x87: {  	_ =	shalt  }
.Lfunc_end0:
.L_simem_size_0:
called_computation_lowered:
.L_overlay_start_0:
0x88: {  	s2 =	sld [smem:$0x3FD9]  }
0x89: {  	s3 =	sld [smem:$0x3FFE];
	_ =	sdelay $0x1  }
0x8a: {  	s1 =	srdreg.scid  }
0x8b: {  	s0 =	sand.u32 $0x1, s1  }
0x8c: {  	s16 =	sshll.u32 s0, $0xA;
	s2 =	sadd.s32 s3, s2  }
0x8d: {  	s2 =	sadd.s32 s2, s16  }
0x8e: {  	[smem:$0x3FB6] =	sst s2  }
0x8f: {  	_ = 	snop  }
0x90: {  	(tm) =	ssettm $0x1  }
0x91: {  	s17 =	sld [smem:$0x3FFB];
	_ =	sdelay $0x3  }
0x92: {  	_ =	strace s17  }
0x93: {  	s2 =	sld [smem:$0x3FFC];
	_ =	sdelay $0x3  }
0x94: {  	_ =	strace s2  }
0x95: {  	s2 =	sld [smem:$0x3FFD];
	_ =	sdelay $0x3  }
0x96: {  	_ =	strace s2  }
0x97: {  	_ =	strace $0x8FFFFFFF  }
0x98: {  	s18 =	sld [smem:$0x3FDB];
	_ =	sdelay $0x1  }
0x99: {  	s19 =	simm.s32 $_scs_section_size  }
0x9a: {  	s4 =	simm.s32 $_size__tile_overlayer_lowered;
	s5 =	simm.s32 $_tile_overlayer_lowered  }
0x9b: {  	s22 =	simm.s32 $0x1BFF;
	s21 =	sshll.u32 s5, $0x1;
	s2 =	sadd.s32 s19, s18  }
0x9c: {  	s6 =	simm.s32 $0x0;
	s20 =	sshll.u32 s4, $0x1;
	s4 =	sadd.s32 s21, s2  }
0x9d: {  	[timem:s6], [sflag:s22] =	dma.local [hbm:s4], s20  }
0x9e: {  	_ =	swait.ge [sflag:s22], s20  }
0x9f: {  	s3 =	ssub.s32 $0x0, s20;
	[sflag:s22] =	ssyncset.done $0x0  }
0xa0: {  	[sflag:s22] =	ssyncadd.s32 s3;
	_ =	sdelay $0x1  }
0xa1: {  	s23 =	simm.s32 $0x1B8B  }
0xa2: {  	_ =	swait.ge [sflag:s23], $0x1  }
0xa3: {  	[sflag:s23] =	ssyncset.done $0x0  }
0xa4: {  	s25 =	simm.s32 $0x1B8E;
	s24 =	sld [smem:$0x3FFE];
	[sflag:s23] =	ssyncadd.s32 $0xFFFFFFFF  }
0xa5: {  	s26 =	simm.s32 $execute0_lowered;
	[smem:$0x3FD2] =	sst s25  }
0xa6: {  	s4 =	sshll.u32 s26, $0x1;
	_ =	strace $0x80000046;
	[dreg:$0x1] =	wrdreg $0xFFFFFFFF  }
0xa7: {  	s28 =	simm.s32 $_size_execute0_lowered;
	s2 =	sadd.s32 s2, s4;
	[dreg:$0x0] =	wrdreg $0x0  }
0xa8: {  	s4 =	sshll.u32 s28, $0x1;
	[dreg:$0x2] =	wrdreg s2  }
0xa9: {  	[dreg:$0x3] =	wrdreg s4  }
0xaa: {  	[dreg:$0x4] =	wrdreg $0xC0  }
0xab: {  	_ =	task [dreg:s6], $0x5FFFF  }
0xac: {  	[dreg:$0x1] =	wrdreg $0xFFFFFFFF  }
0xad: {  	[dreg:$0x0] =	wrdreg $0x60  }
0xae: {  	[dreg:$0x2] =	wrdreg s24  }
0xaf: {  	[dreg:$0x3] =	wrdreg $0x4F800  }
0xb0: {  	[dreg:$0x4] =	wrdreg $0x9  }
0xb1: {  	_ =	task.clear_ibuf [dreg:s6], $0x5FFFF;
	_ =	strace $0x90000046  }
0xb2: {  	s29 =	simm.s32 $0x9;
	_ =	strace $0x80000048  }
0xb3: {  	_ =	swait.ge [sflag:s29], $0x1  }
0xb4: {  	[sflag:s29] =	ssyncadd.s32 $0xFFFFFFFF  }
0xb5: {  	_ =	strace $0x90000048  }
0xb6: {  	_ =	sfence  }
0xb7: {  	s30 =	sld [smem:$0x0];
	_ =	sdelay $0x2  }
0xb8: {  	s31 =	sshll.u32 s1, $0xD;
	s1 =	sshrl.u32 s1, $0x2  }
0xb9: {  	s3 =	sand.u32 $0x4000, s31;
	s1 =	sadd.s32 s1, s30  }
0xba: {  	s0 =	sor.u32 s3, s0;
	s1 =	sshll.u32 s1, $0x11  }
0xbb: {  	s0 =	sor.u32 s1, s0  }
0xbc: {  	s0 =	sadd.s32 $0x8F2B, s0  }
0xbd: {  	[sflag:s0] =	ssyncadd.remote.s32 $0x1  }
0xbe: {  	_ =	sfence.sel $0xFFFF  }
0xbf: {  	[dreg:$0x0] =	wrdreg $0xFFFFFFFF;
	(pc) =	sbr.abs _section_cstart, $3  }
0xc0: {  	[dreg:$0x1] =	wrdreg $0xFFFFFFFF  }
0xc1: {  	_ =	task.clear_ibuf [dreg:s6], $0x2FFFF;
	_ =	strace $0x9FFFFFFF  }
0xc2: {  	(tm) =	ssettm $0x7FFFFFFF  }
0xc3: {  	_ =	shalt  }
tec
execute0_lowered:
.L_overlay_start_1:
0x0: {  	(tag) =	ssettag $0x1  }
0x1: {  	s0 =	rddreg [dreg:$0x0]  }
0x2: {  	s2 =	rddreg [dreg:$0x1];
	s1 =	simm.s32 $0x0;
	s31 =	stileid.u32  }
0x3: {  	s7 =	srdreg.scid;
	s29 =	simm.s32 $0x14380;
	[smem:$0x7FF] =	sst s1  }
0x4: {  	s3 =	sadd.s32 $0x16E00, s0;
	s4 =	sadd.s32 $0x3E000, s0;
	s5 =	sadd.s32 $0xC400, s0  }
0x5: {  	s6 =	sadd.s32 $0x2600, s0;
	s8 =	smul.u32 $0xA00, s31;
	s7 =	sand.u32 $0x1, s7  }
0x6: {  	s9 =	sshll.u32 s31, $0x1;
	s10 =	sadd.s32 $0x16800, s0;
	s30 =	smul.u32 $0x14, s31  }
0x7: {  	s11 =	sadd.s32 $0x16200, s0;
	_ =	strace $0x80000047;
	[dreg:$0x3] =	wrdreg s10  }
0x8: {  	s9 =	sor.u32 s7, s9;
	[dreg:$0x4] =	wrdreg s11;
	s24 =	smul.u32 $0xA, s7  }
0x9: {  	s14 =	ssub.s32 $0x2, s7;
	s7 =	smul.u32 $0x500, s7;
	s10 =	simm.s32 $0x3  }
0xa: {  	s12 =	smul.u32 $0x50, s9;
	s8 =	sadd.s32 s8, s0;
	s13 =	sshrl.u32 s14, $0x1  }
0xb: {  	s9 =	smul.u32 $0xA, s9;
	s0 =	sadd.s32 s30, s0;
	s26 =	sadd.s32 s30, s6  }
0xc: {  	s11 =	ssub.s32 s14, s13;
	s14 =	smul.u32 $0x14000, s31;
	s0 =	sadd.s32 s24, s0  }
0xd: {  	s28 =	sadd.s32 s7, s8;
	s7 =	simm.s32 $0x2;
	s15 =	sadd.s32 s5, s9  }
0xe: {  	s12 =	sshrl.u32 s12, $0x3;
	s9 =	sadd.s32 s6, s9;
	[dreg:$0x5] =	wrdreg s15  }
0xf: {  	s25 =	smax.u32 s11, $0x1;
	s0 =	sadd.s32 $0x8C400, s0;
	[dreg:$0x6] =	wrdreg s9  }
0x10: {  	s16 =	sadd.s32 $0x140, s12;
	s18 =	sadd.s32 $0x280, s12;
	[dreg:$0xd] =	wrdreg s25  }
0x11: {  	s20 =	sadd.s32 $0x3C0, s12;
	s23 =	sshrl.u32 s14, $0x2;
	[dreg:$0xe] =	wrdreg s0  }
0x12: {  	s25 =	simm.s32 $0xA180;
	s14 =	simm.s32 $0x1;
	s17 =	sadd.s32 s5, s16  }
0x13: {  	s9 =	sadd.s32 s6, s16;
	s19 =	sadd.s32 s5, s18;
	[dreg:$0x7] =	wrdreg s17  }
0x14: {  	s21 =	sadd.s32 s6, s18;
	s22 =	sadd.s32 s5, s20;
	[dreg:$0x8] =	wrdreg s9  }
0x15: {  	s15 =	sadd.s32 s23, s2;
	s5 =	sadd.s32 s30, s5;
	[dreg:$0x9] =	wrdreg s19  }
0x16: {  	s30 =	sadd.s32 $0x96200, s28;
	s23 =	simm.s32 $0x2780;
	[dreg:$0xa] =	wrdreg s21  }
.Ltmp0:
0x17: {  	[dreg:$0xb] =	wrdreg s22;
	s9 =	sadd.s32 s6, s20;
	(pc) =	sbr.rel .LBB2_1-.Ltmp0, $4  }
0x18: {  	s16 =	sadd.s32 $0x2800, s15;
	s18 =	sadd.s32 s24, s5;
	s19 =	sadd.s32 s24, s26  }
0x19: {  	v0 =	vlaneseq.u32;
	[dreg:$0xf] =	wrdreg s30;
	s22 =	simm.s32 $0x7;
	s24 =	simm.s32 $0x9F80  }
0x1a: {  	v1 =	vor.u32 $0x10, v0;
	s26 =	simm.s32 $0x50;
	s20 =	simm.s32 $0xA380;
	s17 =	simm.s32 $0x4F00  }
0x1b: {  	v2 =	vor.u32 $0x20, v0;
	v3 =	vor.u32 $0x30, v0;
	v4 =	vor.u32 $0x40, v0;
	s21 =	simm.s32 $0x4;
	s5 =	simm.s32 $0x0;
	[dreg:$0xc] =	wrdreg s9  }
.LBB2_10:
0x1c: {  	s0 =	simm.s32 $0x6  }
0x1d: {  	_ =	swait.ge [sflag:s0], $0x500  }
0x1e: {  	[sflag:s0] =	ssyncset.done $0x0  }
0x1f: {  	s2 =	simm.s32 $0x5;
	[sflag:s0] =	ssyncadd.s32 $0xFFFFFB00  }
0x20: {  	_ =	swait.ge [sflag:s2], $0x500  }
0x21: {  	s5 =	rddreg [dreg:$0x10]  }
0x22: {  	s30 =	rddreg [dreg:$0xd];
	s5 =	sadd.s32 $0x1, s5  }
0x23: {  	p0 =	sne.s32 s5, s30  }
.Ltmp1:
0x24: {  	_ = 	snop;
	(pc) =	sbr.rel @!p0 .LBB2_11-.Ltmp1, $3  }
0x25: {  	_ =	sdelay $0x1  }
0x26: {  	[sflag:s2] =	ssyncset.done $0x0  }
0x27: {  	[sflag:s2] =	ssyncadd.s32 $0xFFFFFB00  }
.LBB2_1:
0x28: {  	[dreg:$0x10] =	wrdreg s5  }
0x29: {  	s0 =	rddreg [dreg:$0x3]  }
0x2a: {  	[tilespmem:s1], [sflag:$0x7] =	stream.linear.gather [hbm4b:s0+s1], $0x2780, $0x38;
	[tilespmem:$0x1E580] =	vst v63  }
0x2b: {  	_ =	swait.ge [sflag:s22], $0x2780  }
0x2c: {  	[sflag:s22] =	ssyncset.done $0x0  }
0x2d: {  	s28 =	rddreg [dreg:$0x4];
	[sflag:s22] =	ssyncadd.s32 $0xFFFFD880  }
0x2e: {  	[tilespmem:s23], [sflag:$0x7] =	stream.linear.gather [hbm4b:s28+s1], $0x2780, $0x38;
	[tilespmem:$0x1E580] =	vst v63  }
0x2f: {  	_ =	swait.ge [sflag:s22], $0x2780  }
0x30: {  	[sflag:s22] =	ssyncset.done $0x0  }
0x31: {  	[sflag:s22] =	ssyncadd.s32 $0xFFFFD880  }
0x32: {  	[tilespmem:$0x4F00] =	vst v0  }
0x33: {  	[tilespmem:$0x4F10] =	vst v1  }
0x34: {  	[tilespmem:$0x4F20] =	vst v2  }
0x35: {  	[tilespmem:$0x4F30] =	vst v3  }
0x36: {  	s30 =	rddreg [dreg:$0x5];
	[tilespmem:$0x4F40] =	vst v4  }
0x37: {  	[tilespmem:s24], [sflag:$0x7] =	stream.linear.gather [hbm4b:s30+s1], $0x50, $0x38;
	[tilespmem:$0x1E580] =	vst v63  }
0x38: {  	_ =	swait.ge [sflag:s22], $0x50  }
0x39: {  	[sflag:s22] =	ssyncset.done $0x0  }
0x3a: {  	s2 =	rddreg [dreg:$0x6];
	[sflag:s22] =	ssyncadd.s32 $0xFFFFFFB0  }
0x3b: {  	[tilespmem:s25], [sflag:$0x7] =	stream.linear.gather [hbm4b:s2+s1], $0x50, $0x38;
	[tilespmem:$0x1E580] =	vst v63  }
0x3c: {  	_ =	swait.ge [sflag:s22], $0x50  }
0x3d: {  	[sflag:s22] =	ssyncset.done $0x0  }
0x3e: {  	[sflag:s22] =	ssyncadd.s32 $0xFFFFFFB0  }
0x3f: {  	[tilespmem:s20], [sflag:$0x1] =	stream.indirect.gather [hbm4b:s3+s26], $0x80, s24, s26, $0xb8;
	[tilespmem:$0x1E580] =	vst v63  }
0x40: {  	_ = 	snop  }
0x41: {  	[tilespmem:s29], [sflag:$0x1] =	stream.indirect.gather [hbm4b:s4+s26], $0x80, s25, s26, $0xb8;
	[tilespmem:$0x1E580] =	vst v63  }
0x42: {  	s2 =	simm.s32 $0xA000;
	s5 =	rddreg [dreg:$0x7]  }
0x43: {  	[tilespmem:s2], [sflag:$0x7] =	stream.linear.gather [hbm4b:s5+s1], $0x50, $0x38;
	[tilespmem:$0x1E580] =	vst v63  }
0x44: {  	_ =	swait.ge [sflag:s22], $0x50  }
0x45: {  	[sflag:s22] =	ssyncset.done $0x0  }
0x46: {  	s8 =	simm.s32 $0xA200;
	s6 =	rddreg [dreg:$0x8];
	[sflag:s22] =	ssyncadd.s32 $0xFFFFFFB0  }
0x47: {  	[tilespmem:s8], [sflag:$0x7] =	stream.linear.gather [hbm4b:s6+s1], $0x50, $0x38;
	[tilespmem:$0x1E580] =	vst v63  }
0x48: {  	_ =	swait.ge [sflag:s22], $0x50  }
0x49: {  	[sflag:s22] =	ssyncset.done $0x0  }
0x4a: {  	s9 =	simm.s32 $0xCB80;
	[sflag:s22] =	ssyncadd.s32 $0xFFFFFFB0  }
0x4b: {  	[tilespmem:s9], [sflag:$0x2] =	stream.indirect.gather [hbm4b:s3+s26], $0x80, s2, s26, $0xb8;
	[tilespmem:$0x1E580] =	vst v63  }
0x4c: {  	s11 =	simm.s32 $0x16B80  }
0x4d: {  	[tilespmem:s11], [sflag:$0x2] =	stream.indirect.gather [hbm4b:s4+s26], $0x80, s8, s26, $0xb8;
	[tilespmem:$0x1E580] =	vst v63  }
0x4e: {  	s13 =	simm.s32 $0xA080;
	s12 =	rddreg [dreg:$0x9]  }
0x4f: {  	[tilespmem:s13], [sflag:$0x7] =	stream.linear.gather [hbm4b:s12+s1], $0x50, $0x38;
	[tilespmem:$0x1E580] =	vst v63  }
0x50: {  	_ =	swait.ge [sflag:s22], $0x50  }
0x51: {  	[sflag:s22] =	ssyncset.done $0x0  }
0x52: {  	s30 =	simm.s32 $0xA280;
	s28 =	rddreg [dreg:$0xa];
	[sflag:s22] =	ssyncadd.s32 $0xFFFFFFB0  }
0x53: {  	[tilespmem:s30], [sflag:$0x7] =	stream.linear.gather [hbm4b:s28+s1], $0x50, $0x38;
	[tilespmem:$0x1E580] =	vst v63  }
0x54: {  	_ =	swait.ge [sflag:s22], $0x50  }
0x55: {  	[sflag:s22] =	ssyncset.done $0x0  }
0x56: {  	s6 =	simm.s32 $0xF380;
	[sflag:s22] =	ssyncadd.s32 $0xFFFFFFB0  }
0x57: {  	[tilespmem:s6], [sflag:$0x3] =	stream.indirect.gather [hbm4b:s3+s26], $0x80, s13, s26, $0xb8;
	[tilespmem:$0x1E580] =	vst v63  }
0x58: {  	s8 =	simm.s32 $0x19380  }
0x59: {  	[tilespmem:s8], [sflag:$0x3] =	stream.indirect.gather [hbm4b:s4+s26], $0x80, s30, s26, $0xb8;
	[tilespmem:$0x1E580] =	vst v63  }
0x5a: {  	s11 =	simm.s32 $0xA100;
	s9 =	rddreg [dreg:$0xb]  }
0x5b: {  	[tilespmem:s11], [sflag:$0x7] =	stream.linear.gather [hbm4b:s9+s1], $0x50, $0x38;
	[tilespmem:$0x1E580] =	vst v63  }
0x5c: {  	_ =	swait.ge [sflag:s22], $0x50  }
0x5d: {  	[sflag:s22] =	ssyncset.done $0x0  }
0x5e: {  	s13 =	simm.s32 $0xA300;
	s12 =	rddreg [dreg:$0xc];
	[sflag:s22] =	ssyncadd.s32 $0xFFFFFFB0  }
0x5f: {  	[tilespmem:s13], [sflag:$0x7] =	stream.linear.gather [hbm4b:s12+s1], $0x50, $0x38;
	[tilespmem:$0x1E580] =	vst v63  }
0x60: {  	_ =	swait.ge [sflag:s22], $0x50  }
.Ltmp2:
0x61: {  	s0 =	simm.s32 $0x3;
	[sflag:s22] =	ssyncset.done $0x0;
	(pc) =	sbr.rel .LBB2_2-.Ltmp2, $4  }
0x62: {  	s28 =	simm.s32 $0x11B80;
	s30 =	simm.s32 $0x1BB80;
	[sflag:s22] =	ssyncadd.s32 $0xFFFFFFB0  }
0x63: {  	[tilespmem:s28], [sflag:$0x4] =	stream.indirect.gather [hbm4b:s3+s26], $0x80, s11, s26, $0xb8;
	[tilespmem:$0x1E580] =	vst v63  }
0x64: {  	s8 =	simm.s32 $0x0;
	s9 =	simm.s32 $0x0;
	s5 =	rddreg [dreg:$0xf]  }
0x65: {  	[tilespmem:s30], [sflag:$0x4] =	stream.indirect.gather [hbm4b:s4+s26], $0x80, s13, s26, $0xb8;
	[tilespmem:$0x1E580] =	vst v63  }
.LBB2_9:
0x66: {  	s8 =	sadd.s32 $0x500, s8  }
0x67: {  	p0 =	sne.s32 s8, $0xA000  }
.Ltmp3:
0x68: {  	_ = 	snop;
	(pc) =	sbr.rel @!p0 .LBB2_10-.Ltmp3, $2  }
0x69: {  	_ =	sdelay $0x2  }
0x6a: {  	s9 =	sadd.s32 $0x1, s9;
	s5 =	sadd.s32 $0x28000, s5;
	s0 =	sadd.s32 $0x4, s0  }
.LBB2_2:
0x6b: {  	_ =	swait.ge [sflag:s14], $0x2800  }
0x6c: {  	[sflag:s14] =	ssyncset.done $0x0  }
0x6d: {  	[sflag:s14] =	ssyncadd.s32 $0xFFFFD800  }
0x6e: {  	_ =	swait.ge [sflag:s14], $0x2800  }
0x6f: {  	[sflag:s14] =	ssyncset.done $0x0  }
0x70: {  	[sflag:s14] =	ssyncadd.s32 $0xFFFFD800  }
0x71: {  	v5 =	vld [tilespmem:$0x9F80]  }
0x72: {  	v6 =	vld [tilespmem:$0xA180];
	_ =	sdelay $0x6  }
0x73: {  	v7 =	vld.idx.msk [tilespmem:v5+s1+$0x0], $0xffff  }
0x74: {  	v8 =	vld.idx.msk [tilespmem:v6+s1+$0x0], $0xffff  }
0x75: {  	v5 =	vld.idx.msk [tilespmem:v5+s23+$0x0], $0xffff  }
0x76: {  	v6 =	vld.idx.msk [tilespmem:v6+s23+$0x0], $0xffff;
	_ =	sdelay $0x3  }
0x77: {  	v9 =	vld [tilespmem:$0x9F90]  }
0x78: {  	v7 =	vsub.f32 v7, v8;
	v5 =	vsub.f32 v5, v6  }
0x79: {  	v6 =	vld [tilespmem:$0xA190]  }
0x7a: {  	v7 =	vmul.f32 v7, v7;
	v5 =	vmul.f32 v5, v5;
	_ =	sdelay $0x1  }
0x7b: {  	v5 =	vadd.f32 v5, v7;
	_ =	sdelay $0x1  }
0x7c: {  	[tilespmem:$0x1E380] =	vst v5  }
0x7d: {  	v5 =	vld.idx.msk [tilespmem:v9+s1+$0x0], $0xffff  }
0x7e: {  	v57 =	vld.idx.msk [tilespmem:v9+s23+$0x0], $0xffff  }
0x7f: {  	v7 =	vld.idx.msk [tilespmem:v6+s1+$0x0], $0xffff  }
0x80: {  	v6 =	vld.idx.msk [tilespmem:v6+s23+$0x0], $0xffff;
	_ =	sdelay $0x3  }
0x81: {  	v58 =	vld [tilespmem:$0x9FA0]  }
0x82: {  	v5 =	vsub.f32 v5, v7;
	v6 =	vsub.f32 v57, v6  }
0x83: {  	v7 =	vld [tilespmem:$0xA1A0]  }
0x84: {  	v5 =	vmul.f32 v5, v5;
	v6 =	vmul.f32 v6, v6;
	_ =	sdelay $0x1  }
0x85: {  	v5 =	vadd.f32 v6, v5;
	_ =	sdelay $0x1  }
0x86: {  	[tilespmem:$0x1E390] =	vst v5  }
0x87: {  	v5 =	vld.idx.msk [tilespmem:v58+s1+$0x0], $0xffff  }
0x88: {  	v59 =	vld.idx.msk [tilespmem:v58+s23+$0x0], $0xffff  }
0x89: {  	v6 =	vld.idx.msk [tilespmem:v7+s1+$0x0], $0xffff  }
0x8a: {  	v7 =	vld.idx.msk [tilespmem:v7+s23+$0x0], $0xffff;
	_ =	sdelay $0x3  }
0x8b: {  	v60 =	vld [tilespmem:$0x9FB0]  }
0x8c: {  	v5 =	vsub.f32 v5, v6;
	v6 =	vsub.f32 v59, v7  }
0x8d: {  	v7 =	vld [tilespmem:$0xA1B0]  }
0x8e: {  	v5 =	vmul.f32 v5, v5;
	v6 =	vmul.f32 v6, v6;
	_ =	sdelay $0x1  }
0x8f: {  	v5 =	vadd.f32 v6, v5;
	_ =	sdelay $0x1  }
0x90: {  	[tilespmem:$0x1E3A0] =	vst v5  }
0x91: {  	v5 =	vld.idx.msk [tilespmem:v60+s1+$0x0], $0xffff  }
0x92: {  	v61 =	vld.idx.msk [tilespmem:v60+s23+$0x0], $0xffff  }
0x93: {  	v6 =	vld.idx.msk [tilespmem:v7+s1+$0x0], $0xffff  }
0x94: {  	v7 =	vld.idx.msk [tilespmem:v7+s23+$0x0], $0xffff;
	_ =	sdelay $0x3  }
0x95: {  	v62 =	vld [tilespmem:$0x9FC0]  }
0x96: {  	v5 =	vsub.f32 v5, v6;
	v6 =	vsub.f32 v61, v7  }
0x97: {  	v7 =	vld [tilespmem:$0xA1C0]  }
0x98: {  	v5 =	vmul.f32 v5, v5;
	v6 =	vmul.f32 v6, v6;
	_ =	sdelay $0x1  }
0x99: {  	v5 =	vadd.f32 v6, v5;
	_ =	sdelay $0x1  }
0x9a: {  	[tilespmem:$0x1E3B0] =	vst v5  }
0x9b: {  	v5 =	vld.idx.msk [tilespmem:v62+s1+$0x0], $0xffff  }
0x9c: {  	v63 =	vld.idx.msk [tilespmem:v62+s23+$0x0], $0xffff  }
0x9d: {  	v6 =	vld.idx.msk [tilespmem:v7+s1+$0x0], $0xffff  }
0x9e: {  	v7 =	vld.idx.msk [tilespmem:v7+s23+$0x0], $0xffff;
	_ =	sdelay $0x4  }
0x9f: {  	v5 =	vsub.f32 v5, v6;
	v6 =	vsub.f32 v63, v7;
	_ =	sdelay $0x1  }
0xa0: {  	v5 =	vmul.f32 v5, v5;
	v6 =	vmul.f32 v6, v6;
	_ =	sdelay $0x1  }
0xa1: {  	v5 =	vadd.f32 v6, v5  }
0xa2: {  	p0 =	seq.s32 s8, $0x0  }
0xa3: {  	s2 =	simm.s32 @!p0 $0x5;
	[tilespmem:$0x1E3C0] =	vst v5  }
0xa4: {  	_ =	swait.ge @!p0 [sflag:s2], $0x500  }
0xa5: {  	[sflag:s2] =	ssyncset.done @!p0 $0x0  }
0xa6: {  	[sflag:s2] =	ssyncadd.s32 @!p0 $0xFFFFFB00  }
0xa7: {  	[spmem:s15] =	stream.linear.scatter [tilespmem:s20], [sflag:$0x7], $0x2800, $0x38;
	[tilespmem:$0x1E580] =	vst v63  }
0xa8: {  	_ =	swait.ge [sflag:s22], $0x2800  }
0xa9: {  	[sflag:s22] =	ssyncset.done $0x0  }
0xaa: {  	[sflag:s22] =	ssyncadd.s32 $0xFFFFD800  }
0xab: {  	[spmem:s15] =	stream.indirect.scatter.add.f32 [tilespmem:s29], [sflag:$0x7], $0x80, s17, s26, $0xb8;
	[tilespmem:$0x1E580] =	vst v63  }
0xac: {  	_ =	swait.ge [sflag:s22], $0x2800  }
0xad: {  	s12 =	sshll.u32 s31, $0x6;
	[sflag:s22] =	ssyncset.done $0x0  }
0xae: {  	s11 =	sor.u32 $0x1C05, s12;
	s2 =	sshrl.u32 s15, $0x3;
	[sflag:s22] =	ssyncadd.s32 $0xFFFFD800  }
0xaf: {  	[hbm:s5], [sflag:s11] =	dma.local [spmem:s2], $0x500  }
0xb0: {  	p1 =	seq.s32 s8, $0x9B00;
	s6 =	rddreg [dreg:$0xe]  }
.Ltmp4:
0xb1: {  	s30 =	simm.s32 $0x1E380;
	s13 =	sadd.s32 s8, s6;
	(pc) =	sbr.rel @p1 .LBB2_10-.Ltmp4, $4  }
0xb2: {  	[hbm4b:s13+s1] =	stream.linear.scatter [tilespmem:s30], [sflag:$0x7], $0x50, $0x38;
	[tilespmem:$0x1E580] =	vst v63  }
0xb3: {  	_ =	swait.ge [sflag:s22], $0x50  }
0xb4: {  	[sflag:s22] =	ssyncset.done $0x0  }
0xb5: {  	[sflag:s22] =	ssyncadd.s32 $0xFFFFFFB0  }
0xb6: {  	s30 =	sadd.s32 s8, s18  }
0xb7: {  	s30 =	sadd.s32 $0x500, s30  }
0xb8: {  	[tilespmem:s24], [sflag:$0x7] =	stream.linear.gather [hbm4b:s30+s1], $0x50, $0x38;
	[tilespmem:$0x1E580] =	vst v63  }
0xb9: {  	_ =	swait.ge [sflag:s22], $0x50  }
0xba: {  	s6 =	sadd.s32 s8, s19;
	[sflag:s22] =	ssyncset.done $0x0  }
0xbb: {  	s28 =	sadd.s32 $0xFFFFFFFE, s0;
	s30 =	sadd.s32 $0x500, s6;
	[sflag:s22] =	ssyncadd.s32 $0xFFFFFFB0  }
0xbc: {  	[tilespmem:s25], [sflag:$0x7] =	stream.linear.gather [hbm4b:s30+s1], $0x50, $0x38;
	[tilespmem:$0x1E580] =	vst v63  }
0xbd: {  	p1 =	sgt.u32 s28, $0x7C;
	_ =	swait.ge [sflag:s22], $0x50  }
.Ltmp5:
0xbe: {  	[sflag:s22] =	ssyncset.done $0x0;
	(pc) =	sbr.rel @p1 .LBB2_5-.Ltmp5, $4  }
0xbf: {  	[sflag:s22] =	ssyncadd.s32 $0xFFFFFFB0  }
0xc0: {  	[tilespmem:s20], [sflag:$0x1] =	stream.indirect.gather [hbm4b:s3+s26], $0x80, s24, s26, $0xb8;
	[tilespmem:$0x1E580] =	vst v63  }
0xc1: {  	_ = 	snop  }
0xc2: {  	[tilespmem:s29], [sflag:$0x1] =	stream.indirect.gather [hbm4b:s4+s26], $0x80, s25, s26, $0xb8;
	[tilespmem:$0x1E580] =	vst v63  }
0xc3: {  	_ =	swait.ge [sflag:s7], $0x2800  }
0xc4: {  	[sflag:s7] =	ssyncset.done $0x0  }
0xc5: {  	[sflag:s7] =	ssyncadd.s32 $0xFFFFD800  }
0xc6: {  	_ =	swait.ge [sflag:s7], $0x2800  }
0xc7: {  	[sflag:s7] =	ssyncset.done $0x0  }
0xc8: {  	[sflag:s7] =	ssyncadd.s32 $0xFFFFD800  }
0xc9: {  	v5 =	vld [tilespmem:$0xA000]  }
0xca: {  	v6 =	vld [tilespmem:$0xA200];
	_ =	sdelay $0x6  }
0xcb: {  	v7 =	vld.idx.msk [tilespmem:v5+s1+$0x0], $0xffff  }
0xcc: {  	v8 =	vld.idx.msk [tilespmem:v6+s1+$0x0], $0xffff  }
0xcd: {  	v5 =	vld.idx.msk [tilespmem:v5+s23+$0x0], $0xffff  }
0xce: {  	v6 =	vld.idx.msk [tilespmem:v6+s23+$0x0], $0xffff;
	_ =	sdelay $0x3  }
0xcf: {  	v9 =	vld [tilespmem:$0xA010]  }
0xd0: {  	v7 =	vsub.f32 v7, v8;
	v5 =	vsub.f32 v5, v6  }
0xd1: {  	v6 =	vld [tilespmem:$0xA210]  }
0xd2: {  	v7 =	vmul.f32 v7, v7;
	v5 =	vmul.f32 v5, v5;
	_ =	sdelay $0x1  }
0xd3: {  	v5 =	vadd.f32 v5, v7;
	_ =	sdelay $0x1  }
0xd4: {  	[tilespmem:$0x1E400] =	vst v5  }
0xd5: {  	v5 =	vld.idx.msk [tilespmem:v9+s1+$0x0], $0xffff  }
0xd6: {  	v57 =	vld.idx.msk [tilespmem:v9+s23+$0x0], $0xffff  }
0xd7: {  	v7 =	vld.idx.msk [tilespmem:v6+s1+$0x0], $0xffff  }
0xd8: {  	v6 =	vld.idx.msk [tilespmem:v6+s23+$0x0], $0xffff;
	_ =	sdelay $0x3  }
0xd9: {  	v58 =	vld [tilespmem:$0xA020]  }
0xda: {  	v5 =	vsub.f32 v5, v7;
	v6 =	vsub.f32 v57, v6  }
0xdb: {  	v7 =	vld [tilespmem:$0xA220]  }
0xdc: {  	v5 =	vmul.f32 v5, v5;
	v6 =	vmul.f32 v6, v6;
	_ =	sdelay $0x1  }
0xdd: {  	v5 =	vadd.f32 v6, v5;
	_ =	sdelay $0x1  }
0xde: {  	[tilespmem:$0x1E410] =	vst v5  }
0xdf: {  	v5 =	vld.idx.msk [tilespmem:v58+s1+$0x0], $0xffff  }
0xe0: {  	v59 =	vld.idx.msk [tilespmem:v58+s23+$0x0], $0xffff  }
0xe1: {  	v6 =	vld.idx.msk [tilespmem:v7+s1+$0x0], $0xffff  }
0xe2: {  	v7 =	vld.idx.msk [tilespmem:v7+s23+$0x0], $0xffff;
	_ =	sdelay $0x3  }
0xe3: {  	v60 =	vld [tilespmem:$0xA030]  }
0xe4: {  	v5 =	vsub.f32 v5, v6;
	v6 =	vsub.f32 v59, v7  }
0xe5: {  	v7 =	vld [tilespmem:$0xA230]  }
0xe6: {  	v5 =	vmul.f32 v5, v5;
	v6 =	vmul.f32 v6, v6;
	_ =	sdelay $0x1  }
0xe7: {  	v5 =	vadd.f32 v6, v5;
	_ =	sdelay $0x1  }
0xe8: {  	[tilespmem:$0x1E420] =	vst v5  }
0xe9: {  	v5 =	vld.idx.msk [tilespmem:v60+s1+$0x0], $0xffff  }
0xea: {  	v61 =	vld.idx.msk [tilespmem:v60+s23+$0x0], $0xffff  }
0xeb: {  	v6 =	vld.idx.msk [tilespmem:v7+s1+$0x0], $0xffff  }
0xec: {  	v7 =	vld.idx.msk [tilespmem:v7+s23+$0x0], $0xffff;
	_ =	sdelay $0x3  }
0xed: {  	v62 =	vld [tilespmem:$0xA040]  }
0xee: {  	v5 =	vsub.f32 v5, v6;
	v6 =	vsub.f32 v61, v7  }
0xef: {  	v7 =	vld [tilespmem:$0xA240]  }
0xf0: {  	v5 =	vmul.f32 v5, v5;
	v6 =	vmul.f32 v6, v6;
	_ =	sdelay $0x1  }
0xf1: {  	v5 =	vadd.f32 v6, v5;
	_ =	sdelay $0x1  }
0xf2: {  	[tilespmem:$0x1E430] =	vst v5  }
0xf3: {  	v5 =	vld.idx.msk [tilespmem:v62+s1+$0x0], $0xffff  }
0xf4: {  	v63 =	vld.idx.msk [tilespmem:v62+s23+$0x0], $0xffff  }
0xf5: {  	v6 =	vld.idx.msk [tilespmem:v7+s1+$0x0], $0xffff  }
0xf6: {  	v7 =	vld.idx.msk [tilespmem:v7+s23+$0x0], $0xffff;
	_ =	sdelay $0x4  }
0xf7: {  	v5 =	vsub.f32 v5, v6;
	v6 =	vsub.f32 v63, v7;
	_ =	sdelay $0x1  }
0xf8: {  	v5 =	vmul.f32 v5, v5;
	v6 =	vmul.f32 v6, v6;
	_ =	sdelay $0x1  }
0xf9: {  	v5 =	vadd.f32 v6, v5;
	_ =	sdelay $0x1  }
0xfa: {  	s30 =	simm.s32 @!p0 $0x6;
	[tilespmem:$0x1E440] =	vst v5  }
0xfb: {  	_ =	swait.ge @!p0 [sflag:s30], $0x500  }
0xfc: {  	[sflag:s30] =	ssyncset.done @!p0 $0x0  }
0xfd: {  	s6 =	simm.s32 $0xCB80;
	[sflag:s30] =	ssyncadd.s32 @!p0 $0xFFFFFB00  }
0xfe: {  	[spmem:s16] =	stream.linear.scatter [tilespmem:s6], [sflag:$0x7], $0x2800, $0x38;
	[tilespmem:$0x1E580] =	vst v63  }
0xff: {  	_ =	swait.ge [sflag:s22], $0x2800  }
0x100: {  	[sflag:s22] =	ssyncset.done $0x0  }
0x101: {  	s30 =	simm.s32 $0x16B80;
	[sflag:s22] =	ssyncadd.s32 $0xFFFFD800  }
0x102: {  	[spmem:s16] =	stream.indirect.scatter.add.f32 [tilespmem:s30], [sflag:$0x7], $0x80, s17, s26, $0xb8;
	[tilespmem:$0x1E580] =	vst v63  }
0x103: {  	_ =	swait.ge [sflag:s22], $0x2800  }
0x104: {  	s20 =	sadd.s32 $0xA000, s5;
	[sflag:s22] =	ssyncset.done $0x0  }
0x105: {  	s31 =	sor.u32 $0x1C06, s12;
	s28 =	sshrl.u32 s16, $0x3;
	[sflag:s22] =	ssyncadd.s32 $0xFFFFD800  }
0x106: {  	[hbm:s20], [sflag:s31] =	dma.local [spmem:s28], $0x500  }
0x107: {  	p0 =	sgt.u32 s9, $0x1D;
	s30 =	sadd.s32 $0x140, s13;
	s20 =	simm.s32 $0x1E400  }
0x108: {  	[hbm4b:s30+s1] =	stream.linear.scatter [tilespmem:s20], [sflag:$0x7], $0x50, $0x38;
	[tilespmem:$0x1E580] =	vst v63  }
0x109: {  	s6 =	sadd.s32 @!p0 s8, s18;
	_ =	swait.ge [sflag:s22], $0x50  }
0x10a: {  	s6 =	sadd.s32 @!p0 $0x640, s6;
	[sflag:s22] =	ssyncset.done $0x0  }
0x10b: {  	s31 =	simm.s32 @!p0 $0xA000;
	s30 =	simm.s32 @!p0 $0x0;
	[sflag:s22] =	ssyncadd.s32 $0xFFFFFFB0  }
0x10c: {  	[tilespmem:s31], [sflag:$0x7] =	stream.linear.gather @!p0 [hbm4b:s6+s30], $0x50, $0x38;
	[tilespmem:$0x1E580] =	vst v63  }
0x10d: {  	s6 =	simm.s32 @!p0 $0x7  }
0x10e: {  	_ =	swait.ge @!p0 [sflag:s6], $0x50  }
0x10f: {  	s20 =	sadd.s32 @!p0 s8, s19;
	[sflag:s6] =	ssyncset.done @!p0 $0x0  }
0x110: {  	s28 =	simm.s32 @!p0 $0xA200;
	s20 =	sadd.s32 @!p0 $0x640, s20;
	[sflag:s6] =	ssyncadd.s32 @!p0 $0xFFFFFFB0  }
0x111: {  	[tilespmem:s28], [sflag:$0x7] =	stream.linear.gather @!p0 [hbm4b:s20+s30], $0x50, $0x38;
	[tilespmem:$0x1E580] =	vst v63  }
0x112: {  	_ =	swait.ge @!p0 [sflag:s6], $0x50  }
0x113: {  	[sflag:s6] =	ssyncset.done @!p0 $0x0  }
0x114: {  	s20 =	simm.s32 @!p0 $0xCB80;
	[sflag:s6] =	ssyncadd.s32 @!p0 $0xFFFFFFB0;
	s6 =	simm.s32 @!p0 $0x50  }
0x115: {  	[tilespmem:s20], [sflag:$0x2] =	stream.indirect.gather @!p0 [hbm4b:s3+s6], $0x80, s31, s6, $0xb8;
	[tilespmem:$0x1E580] =	vst v63  }
0x116: {  	s20 =	simm.s32 @!p0 $0x16B80  }
0x117: {  	[tilespmem:s20], [sflag:$0x2] =	stream.indirect.gather @!p0 [hbm4b:s4+s6], $0x80, s28, s6, $0xb8;
	[tilespmem:$0x1E580] =	vst v63  }
0x118: {  	s31 =	stileid.u32;
	s20 =	simm.s32 $0xA380  }
.LBB2_5:
0x119: {  	s6 =	sadd.s32 $0xFFFFFFFF, s0  }
0x11a: {  	p0 =	sgt.u32 s6, $0x7C  }
.Ltmp6:
0x11b: {  	_ = 	snop;
	(pc) =	sbr.rel @p0 .LBB2_7-.Ltmp6, $1  }
0x11c: {  	_ =	sdelay $0x3  }
0x11d: {  	_ =	swait.ge [sflag:s10], $0x2800  }
0x11e: {  	[sflag:s10] =	ssyncset.done $0x0  }
0x11f: {  	[sflag:s10] =	ssyncadd.s32 $0xFFFFD800  }
0x120: {  	_ =	swait.ge [sflag:s10], $0x2800  }
0x121: {  	[sflag:s10] =	ssyncset.done $0x0  }
0x122: {  	[sflag:s10] =	ssyncadd.s32 $0xFFFFD800  }
0x123: {  	v5 =	vld [tilespmem:$0xA080]  }
0x124: {  	v6 =	vld [tilespmem:$0xA280];
	_ =	sdelay $0x6  }
0x125: {  	v7 =	vld.idx.msk [tilespmem:v5+s1+$0x0], $0xffff  }
0x126: {  	v8 =	vld.idx.msk [tilespmem:v6+s1+$0x0], $0xffff  }
0x127: {  	v5 =	vld.idx.msk [tilespmem:v5+s23+$0x0], $0xffff  }
0x128: {  	v6 =	vld.idx.msk [tilespmem:v6+s23+$0x0], $0xffff;
	_ =	sdelay $0x3  }
0x129: {  	v9 =	vld [tilespmem:$0xA090]  }
0x12a: {  	v7 =	vsub.f32 v7, v8;
	v5 =	vsub.f32 v5, v6  }
0x12b: {  	v6 =	vld [tilespmem:$0xA290]  }
0x12c: {  	v7 =	vmul.f32 v7, v7;
	v5 =	vmul.f32 v5, v5;
	_ =	sdelay $0x1  }
0x12d: {  	v5 =	vadd.f32 v5, v7;
	_ =	sdelay $0x1  }
0x12e: {  	[tilespmem:$0x1E480] =	vst v5  }
0x12f: {  	v5 =	vld.idx.msk [tilespmem:v9+s1+$0x0], $0xffff  }
0x130: {  	v57 =	vld.idx.msk [tilespmem:v9+s23+$0x0], $0xffff  }
0x131: {  	v7 =	vld.idx.msk [tilespmem:v6+s1+$0x0], $0xffff  }
0x132: {  	v6 =	vld.idx.msk [tilespmem:v6+s23+$0x0], $0xffff;
	_ =	sdelay $0x3  }
0x133: {  	v58 =	vld [tilespmem:$0xA0A0]  }
0x134: {  	v5 =	vsub.f32 v5, v7;
	v6 =	vsub.f32 v57, v6  }
0x135: {  	v7 =	vld [tilespmem:$0xA2A0]  }
0x136: {  	v5 =	vmul.f32 v5, v5;
	v6 =	vmul.f32 v6, v6;
	_ =	sdelay $0x1  }
0x137: {  	v5 =	vadd.f32 v6, v5;
	_ =	sdelay $0x1  }
0x138: {  	[tilespmem:$0x1E490] =	vst v5  }
0x139: {  	v5 =	vld.idx.msk [tilespmem:v58+s1+$0x0], $0xffff  }
0x13a: {  	v59 =	vld.idx.msk [tilespmem:v58+s23+$0x0], $0xffff  }
0x13b: {  	v6 =	vld.idx.msk [tilespmem:v7+s1+$0x0], $0xffff  }
0x13c: {  	v7 =	vld.idx.msk [tilespmem:v7+s23+$0x0], $0xffff;
	_ =	sdelay $0x3  }
0x13d: {  	v60 =	vld [tilespmem:$0xA0B0]  }
0x13e: {  	v5 =	vsub.f32 v5, v6;
	v6 =	vsub.f32 v59, v7  }
0x13f: {  	v7 =	vld [tilespmem:$0xA2B0]  }
0x140: {  	v5 =	vmul.f32 v5, v5;
	v6 =	vmul.f32 v6, v6;
	_ =	sdelay $0x1  }
0x141: {  	v5 =	vadd.f32 v6, v5;
	_ =	sdelay $0x1  }
0x142: {  	[tilespmem:$0x1E4A0] =	vst v5  }
0x143: {  	v5 =	vld.idx.msk [tilespmem:v60+s1+$0x0], $0xffff  }
0x144: {  	v61 =	vld.idx.msk [tilespmem:v60+s23+$0x0], $0xffff  }
0x145: {  	v6 =	vld.idx.msk [tilespmem:v7+s1+$0x0], $0xffff  }
0x146: {  	v7 =	vld.idx.msk [tilespmem:v7+s23+$0x0], $0xffff;
	_ =	sdelay $0x3  }
0x147: {  	v62 =	vld [tilespmem:$0xA0C0]  }
0x148: {  	v5 =	vsub.f32 v5, v6;
	v6 =	vsub.f32 v61, v7  }
0x149: {  	v7 =	vld [tilespmem:$0xA2C0]  }
0x14a: {  	v5 =	vmul.f32 v5, v5;
	v6 =	vmul.f32 v6, v6;
	_ =	sdelay $0x1  }
0x14b: {  	v5 =	vadd.f32 v6, v5;
	_ =	sdelay $0x1  }
0x14c: {  	[tilespmem:$0x1E4B0] =	vst v5  }
0x14d: {  	v5 =	vld.idx.msk [tilespmem:v62+s1+$0x0], $0xffff  }
0x14e: {  	v63 =	vld.idx.msk [tilespmem:v62+s23+$0x0], $0xffff  }
0x14f: {  	v6 =	vld.idx.msk [tilespmem:v7+s1+$0x0], $0xffff  }
0x150: {  	v7 =	vld.idx.msk [tilespmem:v7+s23+$0x0], $0xffff;
	_ =	sdelay $0x4  }
0x151: {  	v5 =	vsub.f32 v5, v6;
	v6 =	vsub.f32 v63, v7;
	_ =	sdelay $0x1  }
0x152: {  	v5 =	vmul.f32 v5, v5;
	v6 =	vmul.f32 v6, v6;
	_ =	sdelay $0x1  }
0x153: {  	v5 =	vadd.f32 v6, v5;
	_ =	sdelay $0x1  }
0x154: {  	s6 =	simm.s32 $0x5;
	[tilespmem:$0x1E4C0] =	vst v5  }
0x155: {  	_ =	swait.ge [sflag:s6], $0x500  }
0x156: {  	[sflag:s6] =	ssyncset.done $0x0  }
0x157: {  	s28 =	simm.s32 $0xF380;
	[sflag:s6] =	ssyncadd.s32 $0xFFFFFB00  }
0x158: {  	[spmem:s15] =	stream.linear.scatter [tilespmem:s28], [sflag:$0x7], $0x2800, $0x38;
	[tilespmem:$0x1E580] =	vst v63  }
0x159: {  	_ =	swait.ge [sflag:s22], $0x2800  }
0x15a: {  	[sflag:s22] =	ssyncset.done $0x0  }
0x15b: {  	s30 =	simm.s32 $0x19380;
	[sflag:s22] =	ssyncadd.s32 $0xFFFFD800  }
0x15c: {  	[spmem:s15] =	stream.indirect.scatter.add.f32 [tilespmem:s30], [sflag:$0x7], $0x80, s17, s26, $0xb8;
	[tilespmem:$0x1E580] =	vst v63  }
0x15d: {  	_ =	swait.ge [sflag:s22], $0x2800  }
0x15e: {  	s20 =	sadd.s32 $0x14000, s5;
	[sflag:s22] =	ssyncset.done $0x0  }
0x15f: {  	s28 =	sadd.s32 $0x280, s13;
	s30 =	simm.s32 $0x1E480;
	[sflag:s22] =	ssyncadd.s32 $0xFFFFD800  }
0x160: {  	[hbm:s20], [sflag:s11] =	dma.local [spmem:s2], $0x500  }
0x161: {  	[hbm4b:s28+s1] =	stream.linear.scatter [tilespmem:s30], [sflag:$0x7], $0x50, $0x38;
	[tilespmem:$0x1E580] =	vst v63  }
0x162: {  	p0 =	sgt.u32 s9, $0x1D;
	_ =	swait.ge [sflag:s22], $0x50  }
0x163: {  	s6 =	simm.s32 @!p0 $0x0;
	s2 =	sadd.s32 @!p0 s8, s18;
	[sflag:s22] =	ssyncset.done $0x0  }
0x164: {  	s11 =	simm.s32 @!p0 $0xA080;
	s2 =	sadd.s32 @!p0 $0x780, s2;
	[sflag:s22] =	ssyncadd.s32 $0xFFFFFFB0  }
0x165: {  	[tilespmem:s11], [sflag:$0x7] =	stream.linear.gather @!p0 [hbm4b:s2+s6], $0x50, $0x38;
	[tilespmem:$0x1E580] =	vst v63  }
0x166: {  	s2 =	simm.s32 @!p0 $0x7  }
0x167: {  	_ =	swait.ge @!p0 [sflag:s2], $0x50  }
0x168: {  	s20 =	sadd.s32 @!p0 s8, s19;
	[sflag:s2] =	ssyncset.done @!p0 $0x0  }
0x169: {  	s20 =	sadd.s32 @!p0 $0x780, s20;
	s28 =	simm.s32 @!p0 $0xA280;
	[sflag:s2] =	ssyncadd.s32 @!p0 $0xFFFFFFB0  }
0x16a: {  	[tilespmem:s28], [sflag:$0x7] =	stream.linear.gather @!p0 [hbm4b:s20+s6], $0x50, $0x38;
	[tilespmem:$0x1E580] =	vst v63  }
0x16b: {  	_ =	swait.ge @!p0 [sflag:s2], $0x50  }
0x16c: {  	[sflag:s2] =	ssyncset.done @!p0 $0x0  }
0x16d: {  	s6 =	simm.s32 @!p0 $0xF380;
	[sflag:s2] =	ssyncadd.s32 @!p0 $0xFFFFFFB0;
	s2 =	simm.s32 @!p0 $0x50  }
0x16e: {  	[tilespmem:s6], [sflag:$0x3] =	stream.indirect.gather @!p0 [hbm4b:s3+s2], $0x80, s11, s2, $0xb8;
	[tilespmem:$0x1E580] =	vst v63  }
0x16f: {  	s20 =	simm.s32 $0xA380;
	s6 =	simm.s32 @!p0 $0x19380  }
0x170: {  	[tilespmem:s6], [sflag:$0x3] =	stream.indirect.gather @!p0 [hbm4b:s4+s2], $0x80, s28, s2, $0xb8;
	[tilespmem:$0x1E580] =	vst v63  }
.LBB2_7:
0x171: {  	p0 =	sgt.u32 s0, $0x7C  }
.Ltmp7:
0x172: {  	_ = 	snop;
	(pc) =	sbr.rel @p0 .LBB2_9-.Ltmp7, $1  }
0x173: {  	_ =	sdelay $0x3  }
0x174: {  	_ =	swait.ge [sflag:s21], $0x2800  }
0x175: {  	[sflag:s21] =	ssyncset.done $0x0  }
0x176: {  	[sflag:s21] =	ssyncadd.s32 $0xFFFFD800  }
0x177: {  	_ =	swait.ge [sflag:s21], $0x2800  }
0x178: {  	[sflag:s21] =	ssyncset.done $0x0  }
0x179: {  	[sflag:s21] =	ssyncadd.s32 $0xFFFFD800  }
0x17a: {  	v5 =	vld [tilespmem:$0xA100]  }
0x17b: {  	v6 =	vld [tilespmem:$0xA300];
	_ =	sdelay $0x6  }
0x17c: {  	v7 =	vld.idx.msk [tilespmem:v5+s1+$0x0], $0xffff  }
0x17d: {  	v8 =	vld.idx.msk [tilespmem:v6+s1+$0x0], $0xffff  }
0x17e: {  	v5 =	vld.idx.msk [tilespmem:v5+s23+$0x0], $0xffff  }
0x17f: {  	v6 =	vld.idx.msk [tilespmem:v6+s23+$0x0], $0xffff;
	_ =	sdelay $0x3  }
0x180: {  	v9 =	vld [tilespmem:$0xA110]  }
0x181: {  	v7 =	vsub.f32 v7, v8;
	v5 =	vsub.f32 v5, v6  }
0x182: {  	v6 =	vld [tilespmem:$0xA310]  }
0x183: {  	v7 =	vmul.f32 v7, v7;
	v5 =	vmul.f32 v5, v5;
	_ =	sdelay $0x1  }
0x184: {  	v5 =	vadd.f32 v5, v7;
	_ =	sdelay $0x1  }
0x185: {  	[tilespmem:$0x1E500] =	vst v5  }
0x186: {  	v5 =	vld.idx.msk [tilespmem:v9+s1+$0x0], $0xffff  }
0x187: {  	v57 =	vld.idx.msk [tilespmem:v9+s23+$0x0], $0xffff  }
0x188: {  	v7 =	vld.idx.msk [tilespmem:v6+s1+$0x0], $0xffff  }
0x189: {  	v6 =	vld.idx.msk [tilespmem:v6+s23+$0x0], $0xffff;
	_ =	sdelay $0x3  }
0x18a: {  	v58 =	vld [tilespmem:$0xA120]  }
0x18b: {  	v5 =	vsub.f32 v5, v7;
	v6 =	vsub.f32 v57, v6  }
0x18c: {  	v7 =	vld [tilespmem:$0xA320]  }
0x18d: {  	v5 =	vmul.f32 v5, v5;
	v6 =	vmul.f32 v6, v6;
	_ =	sdelay $0x1  }
0x18e: {  	v5 =	vadd.f32 v6, v5;
	_ =	sdelay $0x1  }
0x18f: {  	[tilespmem:$0x1E510] =	vst v5  }
0x190: {  	v5 =	vld.idx.msk [tilespmem:v58+s1+$0x0], $0xffff  }
0x191: {  	v59 =	vld.idx.msk [tilespmem:v58+s23+$0x0], $0xffff  }
0x192: {  	v6 =	vld.idx.msk [tilespmem:v7+s1+$0x0], $0xffff  }
0x193: {  	v7 =	vld.idx.msk [tilespmem:v7+s23+$0x0], $0xffff;
	_ =	sdelay $0x3  }
0x194: {  	v60 =	vld [tilespmem:$0xA130]  }
0x195: {  	v5 =	vsub.f32 v5, v6;
	v6 =	vsub.f32 v59, v7  }
0x196: {  	v7 =	vld [tilespmem:$0xA330]  }
0x197: {  	v5 =	vmul.f32 v5, v5;
	v6 =	vmul.f32 v6, v6;
	_ =	sdelay $0x1  }
0x198: {  	v5 =	vadd.f32 v6, v5;
	_ =	sdelay $0x1  }
0x199: {  	[tilespmem:$0x1E520] =	vst v5  }
0x19a: {  	v5 =	vld.idx.msk [tilespmem:v60+s1+$0x0], $0xffff  }
0x19b: {  	v61 =	vld.idx.msk [tilespmem:v60+s23+$0x0], $0xffff  }
0x19c: {  	v6 =	vld.idx.msk [tilespmem:v7+s1+$0x0], $0xffff  }
0x19d: {  	v7 =	vld.idx.msk [tilespmem:v7+s23+$0x0], $0xffff;
	_ =	sdelay $0x3  }
0x19e: {  	v62 =	vld [tilespmem:$0xA140]  }
0x19f: {  	v5 =	vsub.f32 v5, v6;
	v6 =	vsub.f32 v61, v7  }
0x1a0: {  	v7 =	vld [tilespmem:$0xA340]  }
0x1a1: {  	v5 =	vmul.f32 v5, v5;
	v6 =	vmul.f32 v6, v6;
	_ =	sdelay $0x1  }
0x1a2: {  	v5 =	vadd.f32 v6, v5;
	_ =	sdelay $0x1  }
0x1a3: {  	[tilespmem:$0x1E530] =	vst v5  }
0x1a4: {  	v5 =	vld.idx.msk [tilespmem:v62+s1+$0x0], $0xffff  }
0x1a5: {  	v63 =	vld.idx.msk [tilespmem:v62+s23+$0x0], $0xffff  }
0x1a6: {  	v6 =	vld.idx.msk [tilespmem:v7+s1+$0x0], $0xffff  }
0x1a7: {  	v7 =	vld.idx.msk [tilespmem:v7+s23+$0x0], $0xffff;
	_ =	sdelay $0x4  }
0x1a8: {  	v5 =	vsub.f32 v5, v6;
	v6 =	vsub.f32 v63, v7;
	_ =	sdelay $0x1  }
0x1a9: {  	v5 =	vmul.f32 v5, v5;
	v6 =	vmul.f32 v6, v6;
	_ =	sdelay $0x1  }
0x1aa: {  	v5 =	vadd.f32 v6, v5;
	_ =	sdelay $0x1  }
0x1ab: {  	s2 =	simm.s32 $0x6;
	[tilespmem:$0x1E540] =	vst v5  }
0x1ac: {  	_ =	swait.ge [sflag:s2], $0x500  }
0x1ad: {  	[sflag:s2] =	ssyncset.done $0x0  }
0x1ae: {  	s11 =	simm.s32 $0x11B80;
	[sflag:s2] =	ssyncadd.s32 $0xFFFFFB00  }
0x1af: {  	[spmem:s16] =	stream.linear.scatter [tilespmem:s11], [sflag:$0x7], $0x2800, $0x38;
	[tilespmem:$0x1E580] =	vst v63  }
0x1b0: {  	_ =	swait.ge [sflag:s22], $0x2800  }
0x1b1: {  	[sflag:s22] =	ssyncset.done $0x0  }
0x1b2: {  	s28 =	simm.s32 $0x1BB80;
	[sflag:s22] =	ssyncadd.s32 $0xFFFFD800  }
0x1b3: {  	[spmem:s16] =	stream.indirect.scatter.add.f32 [tilespmem:s28], [sflag:$0x7], $0x80, s17, s26, $0xb8;
	[tilespmem:$0x1E580] =	vst v63  }
0x1b4: {  	_ =	swait.ge [sflag:s22], $0x2800  }
0x1b5: {  	s30 =	sadd.s32 $0x1E000, s5;
	[sflag:s22] =	ssyncset.done $0x0  }
0x1b6: {  	s6 =	sor.u32 $0x1C06, s12;
	s11 =	sshrl.u32 s16, $0x3;
	[sflag:s22] =	ssyncadd.s32 $0xFFFFD800  }
0x1b7: {  	[hbm:s30], [sflag:s6] =	dma.local [spmem:s11], $0x500  }
0x1b8: {  	p0 =	sgt.u32 s9, $0x1D;
	s28 =	sadd.s32 $0x3C0, s13;
	s30 =	simm.s32 $0x1E500  }
0x1b9: {  	[hbm4b:s28+s1] =	stream.linear.scatter [tilespmem:s30], [sflag:$0x7], $0x50, $0x38;
	[tilespmem:$0x1E580] =	vst v63  }
0x1ba: {  	s2 =	sadd.s32 @!p0 s8, s18;
	_ =	swait.ge [sflag:s22], $0x50  }
0x1bb: {  	s2 =	sadd.s32 @!p0 $0x8C0, s2;
	[sflag:s22] =	ssyncset.done $0x0  }
0x1bc: {  	s6 =	simm.s32 @!p0 $0x0;
	s11 =	simm.s32 @!p0 $0xA100;
	[sflag:s22] =	ssyncadd.s32 $0xFFFFFFB0  }
0x1bd: {  	[tilespmem:s11], [sflag:$0x7] =	stream.linear.gather @!p0 [hbm4b:s2+s6], $0x50, $0x38;
	[tilespmem:$0x1E580] =	vst v63  }
0x1be: {  	s2 =	simm.s32 @!p0 $0x7  }
0x1bf: {  	_ =	swait.ge @!p0 [sflag:s2], $0x50  }
0x1c0: {  	s12 =	sadd.s32 @!p0 s8, s19;
	[sflag:s2] =	ssyncset.done @!p0 $0x0  }
0x1c1: {  	s12 =	sadd.s32 @!p0 $0x8C0, s12;
	s13 =	simm.s32 @!p0 $0xA300;
	[sflag:s2] =	ssyncadd.s32 @!p0 $0xFFFFFFB0  }
0x1c2: {  	[tilespmem:s13], [sflag:$0x7] =	stream.linear.gather @!p0 [hbm4b:s12+s6], $0x50, $0x38;
	[tilespmem:$0x1E580] =	vst v63  }
0x1c3: {  	_ =	swait.ge @!p0 [sflag:s2], $0x50  }
.Ltmp8:
0x1c4: {  	[sflag:s2] =	ssyncset.done @!p0 $0x0;
	(pc) =	sbr.rel .LBB2_9-.Ltmp8, $4  }
0x1c5: {  	s6 =	simm.s32 @!p0 $0x11B80;
	[sflag:s2] =	ssyncadd.s32 @!p0 $0xFFFFFFB0;
	s2 =	simm.s32 @!p0 $0x50  }
0x1c6: {  	[tilespmem:s6], [sflag:$0x4] =	stream.indirect.gather @!p0 [hbm4b:s3+s2], $0x80, s11, s2, $0xb8;
	[tilespmem:$0x1E580] =	vst v63  }
0x1c7: {  	s6 =	simm.s32 @!p0 $0x1BB80  }
0x1c8: {  	[tilespmem:s6], [sflag:$0x4] =	stream.indirect.gather @!p0 [hbm4b:s4+s2], $0x80, s13, s2, $0xb8;
	[tilespmem:$0x1E580] =	vst v63  }
.LBB2_11:
0x1c9: {  	_ =	sfence.sel $0x180000  }
0x1ca: {  	[bflag:$0x0] =	sbarrier.arrive $0xFFFF  }
0x1cb: {  	_ =	strace $0x90000047  }
0x1cc: {  	[bflag:$0x2] =	sbarrier.arrive $0xFFFF  }
0x1cd: {  	p0 =	sne.s32 s31, $0x0;
	s0 =	rddreg [dreg:$0x2]  }
0x1ce: {  	s0 =	sadd.s32 @!p0 $0x100000, s0  }
0x1cf: {  	[sflag:s0] =	ssyncadd.tile.s32 @!p0 $0x1;
	_ =	shalt  }
.Lfunc_end2:
_tile_overlayer_lowered:
.L_overlay_start_2:
0x1d0: {  	(tag) =	ssettag $0x2  }
0x1d1: {  	s0 =	rddreg [dreg:$0x0];
	s2 =	stileid.u32  }
0x1d2: {  	s1 =	rddreg [dreg:$0x1];
	p0 =	sne.s32 s2, $0x0  }
0x1d3: {  	s3 =	rddreg [dreg:$0x2];
	[bflag:$0x3] =	sbarrier.arrive $0xFFFF;
	s2 =	simm.s32 @!p0 $0x1C07  }
0x1d4: {  	[timem:s3], [sflag:s2] =	dma.local @!p0 [hbm:s0], s1  }
0x1d5: {  	s0 =	simm.s32 @!p0 $0x7  }
0x1d6: {  	_ =	swait.ge @!p0 [sflag:s0], s1  }
0x1d7: {  	s1 =	ssub.s32 @!p0 $0x0, s1;
	[sflag:s0] =	ssyncset.done @!p0 $0x0  }
0x1d8: {  	[sflag:s0] =	ssyncadd.s32 @!p0 s1  }
0x1d9: {  	[bflag:$0x3] =	sbarrier.arrive $0xFFFF  }
0x1da: {  	_ =	shalt  }

</sc_bundles>
